<compile_context>
chip_gen: v7x
topology: tpu7x:2x2x1
jax: 0.10.2.dev20260603
libtpu: 0.0.44.dev20260713+nightly
codegen_flags: <defaults>
</compile_context>

<pallas_src>
import functools

import jax
import jax.numpy as jnp
from jax import lax
from jax.experimental import pallas as pl
from jax.experimental.pallas import tpu as pltpu
from jax.experimental.pallas import tpu_sc as plsc

B = 16384
NW, NT, ND = 18, 18, 12
E = 64
H = 256
C = 75

NC, NS = 2, 16
NWORKERS = NC * NS
BT = B // NWORKERS
GR = BT
NSTEP = NW
NSLOT = 3


def _make_sc_gather():
    mesh = plsc.VectorSubcoreMesh(core_axis_name="c", subcore_axis_name="s")

    @functools.partial(
        pl.kernel,
        out_type=jax.ShapeDtypeStruct((NW, B, E), jnp.float32),
        mesh=mesh,
        compiler_params=pltpu.CompilerParams(use_tc_tiling_on_sc=False),
        scratch_types=[
            pltpu.VMEM((NW * BT,), jnp.int32),
            pltpu.VMEM((NSLOT, GR, E), jnp.float32),
            pltpu.SemaphoreType.DMA,
            pltpu.SemaphoreType.DMA,
            pltpu.SemaphoreType.DMA,
        ],
    )
    def sc_gather(wids, wemb, xw, idx_v, buf, gsem, ssem, isem):
        wid = lax.axis_index("s") * NC + lax.axis_index("c")
        for j in range(NW):
            pltpu.async_copy(
                wids.at[pl.ds(j * B + wid * BT, BT)],
                idx_v.at[pl.ds(j * BT, BT)], isem)
        for j in range(NW):
            pltpu.make_async_copy(
                wids.at[pl.ds(j * B + wid * BT, BT)],
                idx_v.at[pl.ds(j * BT, BT)], isem).wait()

        def g_pair(i, slot):
            return (wemb.at[idx_v.at[pl.ds(i * GR, GR)]], buf.at[slot])

        def s_pair(i, slot):
            return (buf.at[slot], xw.at[i, pl.ds(wid * BT, BT)])

        pltpu.async_copy(*g_pair(0, 0), gsem)
        pltpu.async_copy(*g_pair(1, 1), gsem)

        def outer(g, carry):
            i0 = g * NSLOT
            for p in range(NSLOT):
                i = i0 + p

                pltpu.make_async_copy(*g_pair(i, p), gsem).wait()
                pltpu.async_copy(*s_pair(i, p), ssem)

                @pl.when(i >= 1)
                def _():
                    pltpu.make_async_copy(
                        *s_pair(i - 1, (p - 1) % NSLOT), ssem).wait()

                @pl.when(i + 2 < NSTEP)
                def _():
                    pltpu.async_copy(*g_pair(i + 2, (p + 2) % NSLOT), gsem)

            return carry

        lax.fori_loop(0, NSTEP // NSLOT, outer, 0)
        pltpu.make_async_copy(*s_pair(NSTEP - 1, (NSTEP - 1) % NSLOT),
                              ssem).wait()

    return sc_gather


def _project_tables(tag_embP, deprel_embP, W_t, W_d, W_w):

    def body(te_ref, de_ref, wt_ref, wd_ref, ww_ref, tp_ref, dp_ref, w2_ref):
        te = te_ref[...]
        de = de_ref[...]
        for j in range(NT):
            tp_ref[j * E:(j + 1) * E, :] = jnp.dot(
                te, wt_ref[j * E:(j + 1) * E, :],
                preferred_element_type=jnp.float32).astype(jnp.bfloat16)
        for j in range(ND):
            dp_ref[j * E:(j + 1) * E, :] = jnp.dot(
                de, wd_ref[j * E:(j + 1) * E, :],
                preferred_element_type=jnp.float32).astype(jnp.bfloat16)
        zero = jnp.zeros((E, H), jnp.bfloat16)
        for j in range(NW):
            wj = ww_ref[j * E:(j + 1) * E, :]
            w2_ref[j * 2 * E:j * 2 * E + E, 0:H] = wj
            w2_ref[j * 2 * E:j * 2 * E + E, H:2 * H] = zero
            w2_ref[j * 2 * E + E:(j + 1) * 2 * E, 0:H] = zero
            w2_ref[j * 2 * E + E:(j + 1) * 2 * E, H:2 * H] = wj

    return pl.pallas_call(
        body,
        out_shape=[
            jax.ShapeDtypeStruct((NT * E, H), jnp.bfloat16),
            jax.ShapeDtypeStruct((ND * E, H), jnp.bfloat16),
            jax.ShapeDtypeStruct((NW * 2 * E, 2 * H), jnp.bfloat16),
        ],
    )(tag_embP, deprel_embP, W_t, W_d, W_w)


def _mlp(xw3, tids, dids, W_w, TtP, TdP, b1, U, b2):
    bm = 1024
    grid = (B // bm,)

    def onehot_pairs(ids_ref, npos):
        iota = lax.broadcasted_iota(jnp.int32, (bm, 2 * E), 1)
        lane_t = iota & (E - 1)
        hi = iota >= E
        pieces = []
        for jp in range(npos // 2):
            ids = ids_ref[...]
            sel = jnp.where(hi, ids[:, 2 * jp + 1:2 * jp + 2],
                            ids[:, 2 * jp:2 * jp + 1])
            pieces.append((sel == lane_t).astype(jnp.bfloat16))
        return jnp.concatenate(pieces, axis=1)

    def body(xw_ref, tid_ref, did_ref, w2_ref, tp_ref, dp_ref, b1_ref, u_ref,
             b2_ref, o_ref):
        x3 = xw_ref[...].astype(jnp.bfloat16)
        w2 = w2_ref[...]
        zp = jnp.dot(x3[0], w2[0:2 * E, :], preferred_element_type=jnp.float32)
        for j in range(1, NW):
            zp = zp + jnp.dot(x3[j], w2[j * 2 * E:(j + 1) * 2 * E, :],
                              preferred_element_type=jnp.float32)
        zE = zp[:, :H]
        zO = zp[:, H:]
        ri = lax.broadcasted_iota(jnp.int32, (bm, bm // 2), 0)
        ci = lax.broadcasted_iota(jnp.int32, (bm, bm // 2), 1)
        pE = (ri == 2 * ci).astype(jnp.bfloat16)
        pO = (ri == 2 * ci + 1).astype(jnp.bfloat16)
        z = (jnp.dot(pE, zE.astype(jnp.bfloat16),
                     preferred_element_type=jnp.float32)
             + jnp.dot(pO, zO.astype(jnp.bfloat16),
                       preferred_element_type=jnp.float32))
        oh_t = onehot_pairs(tid_ref, NT)
        z = z + jnp.dot(oh_t, tp_ref[...], preferred_element_type=jnp.float32)
        oh_d = onehot_pairs(did_ref, ND)
        z = z + jnp.dot(oh_d, dp_ref[...], preferred_element_type=jnp.float32)
        z = z + b1_ref[...]
        h = jnp.maximum(z, 0.0).astype(jnp.bfloat16)
        o_ref[...] = jnp.dot(h, u_ref[...],
                             preferred_element_type=jnp.float32) + b2_ref[...]

    return pl.pallas_call(
        body,
        grid=grid,
        in_specs=[
            pl.BlockSpec((NW, bm // 2, 2 * E), lambda i: (0, i, 0)),
            pl.BlockSpec((bm, NT), lambda i: (i, 0)),
            pl.BlockSpec((bm, ND), lambda i: (i, 0)),
            pl.BlockSpec((NW * 2 * E, 2 * H), lambda i: (0, 0)),
            pl.BlockSpec((NT * E, H), lambda i: (0, 0)),
            pl.BlockSpec((ND * E, H), lambda i: (0, 0)),
            pl.BlockSpec((1, H), lambda i: (0, 0)),
            pl.BlockSpec((H, C), lambda i: (0, 0)),
            pl.BlockSpec((1, C), lambda i: (0, 0)),
        ],
        out_specs=pl.BlockSpec((bm, C), lambda i: (i, 0)),
        out_shape=jax.ShapeDtypeStruct((B, C), jnp.float32),
    )(xw3, tids, dids, W_w, TtP, TdP, b1.reshape(1, H), U, b2.reshape(1, C))


def kernel(word_ids, tag_ids, deprel_ids, word_emb, tag_emb, deprel_emb,
           W_w, W_t, W_d, b1, U, b2):
    bf = jnp.bfloat16
    xw = _make_sc_gather()(word_ids.T.reshape(-1), word_emb)
    tag_embP = jnp.zeros((E, E), bf).at[:48].set(tag_emb.astype(bf))
    deprel_embP = jnp.zeros((E, E), bf).at[:40].set(deprel_emb.astype(bf))
    TtP, TdP, W2 = _project_tables(tag_embP, deprel_embP,
                                   W_t.astype(bf), W_d.astype(bf),
                                   W_w.astype(bf))
    return _mlp(xw.reshape(NW, B // 2, 2 * E), tag_ids, deprel_ids,
                W2, TtP, TdP, b1, U.astype(bf), b2)

# --- scband reference (transcript-rebuilt; emitter-appended) ---
"""Pipeline reference for scband-parser-model-1975684956809 (READ-ONLY COPY).

The authoritative reference and input builder live on the scoring server;
editing this copy changes nothing except your own understanding.
"""

import jax, jax.numpy as jnp
import numpy as np

B = 16384
N_WORD_IDS = 100000
N_TAG_IDS = 48
N_DEPREL_IDS = 40
NW, NT, ND = 18, 18, 12
E = 64
H = 256
C = 75


def setup_inputs(seed: int = 0) -> dict:
    key = jax.random.key(seed)
    ks = jax.random.split(key, 12)
    word_ids = jax.random.randint(ks[0], (B, NW), 0, N_WORD_IDS, dtype=jnp.int32)
    tag_ids = jax.random.randint(ks[1], (B, NT), 0, N_TAG_IDS, dtype=jnp.int32)
    deprel_ids = jax.random.randint(ks[2], (B, ND), 0, N_DEPREL_IDS, dtype=jnp.int32)
    word_emb = jax.random.normal(ks[3], (N_WORD_IDS, E), dtype=jnp.float32) * 0.01
    tag_emb = jax.random.normal(ks[4], (N_TAG_IDS, E), dtype=jnp.float32) * (1.0 / np.sqrt(N_TAG_IDS + E))
    deprel_emb = jax.random.normal(ks[5], (N_DEPREL_IDS, E), dtype=jnp.float32) * (1.0 / np.sqrt(N_DEPREL_IDS + E))
    W_w = jax.random.normal(ks[6], (NW * E, H), dtype=jnp.float32) * (1.0 / np.sqrt(NW * E))
    W_t = jax.random.normal(ks[7], (NT * E, H), dtype=jnp.float32) * (1.0 / np.sqrt(NT * E))
    W_d = jax.random.normal(ks[8], (ND * E, H), dtype=jnp.float32) * (1.0 / np.sqrt(ND * E))
    b1 = jnp.zeros((H,), dtype=jnp.float32)
    U = jax.random.normal(ks[9], (H, C), dtype=jnp.float32) * (1.0 / np.sqrt(H))
    b2 = jnp.zeros((C,), dtype=jnp.float32)
    return {
        'word_ids': word_ids, 'tag_ids': tag_ids, 'deprel_ids': deprel_ids,
        'word_emb': word_emb, 'tag_emb': tag_emb, 'deprel_emb': deprel_emb,
        'W_w': W_w, 'W_t': W_t, 'W_d': W_d, 'b1': b1, 'U': U, 'b2': b2,
    }


def reference(word_ids, tag_ids, deprel_ids, word_emb, tag_emb, deprel_emb,
              W_w, W_t, W_d, b1, U, b2):
    # add_embeddings: embedding_lookup + reshape to (B, n * embed_size)
    x_w = jnp.take(word_emb, word_ids, axis=0).reshape(word_ids.shape[0], NW * E)
    x_t = jnp.take(tag_emb, tag_ids, axis=0).reshape(tag_ids.shape[0], NT * E)
    x_d = jnp.take(deprel_emb, deprel_ids, axis=0).reshape(deprel_ids.shape[0], ND * E)
    # add_prediction_op: h = relu(x_w W_w + x_t W_t + x_d W_d + b1); dropout keep_prob=1 (identity)
    h = jax.nn.relu(x_w @ W_w + x_t @ W_t + x_d @ W_d + b1)
    pred = h @ U + b2
    return pred

if __name__ == "__main__":
    import jax
    _d = setup_inputs()
    print(jax.jit(kernel)(*tuple(_d.values())))

</pallas_src>

<mosaic_0001>
#map = affine_map<(d0, d1) -> (0)>
#map1 = affine_map<(d0, d1) -> (0, 0)>
#map2 = affine_map<(d0, d1) -> (0, 0, 0)>
module attributes {stable_mosaic.version = 14 : i64} {
  func.func @sc_gather(%arg0: i32, %arg1: i32, %arg2: memref<294912xi32, #tpu.memory_space<hbm>>, %arg3: memref<100000x64xf32, #tpu.memory_space<hbm>>, %arg4: memref<18x16384x64xf32, #tpu.memory_space<hbm>>, %arg5: memref<9216xi32, #tpu.memory_space<vmem>>, %arg6: memref<3x512x64xf32, #tpu.memory_space<vmem>>, %arg7: memref<!tpu.dma_semaphore, #tpu.memory_space<semaphore_mem>>, %arg8: memref<!tpu.dma_semaphore, #tpu.memory_space<semaphore_mem>>, %arg9: memref<!tpu.dma_semaphore, #tpu.memory_space<semaphore_mem>>) attributes {dimension_semantics = [#tpu.dimension_semantics<core_parallel>, #tpu.dimension_semantics<subcore_parallel>], iteration_bounds = array<i64: 2, 16>, scalar_prefetch = 0 : i64, scratch_operands = 5 : i64, tpu.core_type = #tpu.core_type<sc_vector_subcore>, window_params = [{transform_indices = #map}, {transform_indices = #map1}, {transform_indices = #map2}]} {
    %mul3A = arith.constant 2 : i32
    %mul3A_0 = arith.muli %arg1, %mul3A : i32
    %add3A = arith.addi %mul3A_0, %arg0 : i32
    %mul3A_1 = arith.constant 512 : i32
    %mul3A_2 = arith.muli %add3A, %mul3A_1 : i32
    %add3A_3 = arith.constant 0 : i32
    %add3A_4 = arith.addi %add3A_3, %mul3A_2 : i32
    %dma_start3A = arith.constant 0 : i32
    %dma_start3A_5 = tpu.memref_slice %arg5[%dma_start3A] : memref<9216xi32, #tpu.memory_space<vmem>> -> memref<512xi32, #tpu.memory_space<vmem>>
    %dma_start3A_6 = tpu.memref_slice %arg2[%add3A_4] : memref<294912xi32, #tpu.memory_space<hbm>> -> memref<512xi32, #tpu.memory_space<hbm>>
    %dma_start3A_7 = arith.constant 0 : i32
    %dma_start3A_8 = tpu.memref_slice %arg5[%dma_start3A_7] : memref<9216xi32, #tpu.memory_space<vmem>> -> memref<512xi32, #tpu.memory_space<vmem>>
    %dma_start3A_9 = tpu.memref_slice %arg2[%add3A_4] : memref<294912xi32, #tpu.memory_space<hbm>> -> memref<512xi32, #tpu.memory_space<hbm>>
    tpu.enqueue_dma source(%dma_start3A_9 : memref<512xi32, #tpu.memory_space<hbm>>) target(%dma_start3A_8 : memref<512xi32, #tpu.memory_space<vmem>>) target_semaphore(%arg9 : memref<!tpu.dma_semaphore, #tpu.memory_space<semaphore_mem>>)
    %mul3A_10 = arith.constant 512 : i32
    %mul3A_11 = arith.muli %add3A, %mul3A_10 : i32
    %add3A_12 = arith.constant 16384 : i32
    %add3A_13 = arith.addi %add3A_12, %mul3A_11 : i32
    %dma_start3A_14 = arith.constant 512 : i32
    %dma_start3A_15 = tpu.memref_slice %arg5[%dma_start3A_14] : memref<9216xi32, #tpu.memory_space<vmem>> -> memref<512xi32, #tpu.memory_space<vmem>>
    %dma_start3A_16 = tpu.memref_slice %arg2[%add3A_13] : memref<294912xi32, #tpu.memory_space<hbm>> -> memref<512xi32, #tpu.memory_space<hbm>>
    %dma_start3A_17 = arith.constant 512 : i32
    %dma_start3A_18 = tpu.memref_slice %arg5[%dma_start3A_17] : memref<9216xi32, #tpu.memory_space<vmem>> -> memref<512xi32, #tpu.memory_space<vmem>>
    %dma_start3A_19 = tpu.memref_slice %arg2[%add3A_13] : memref<294912xi32, #tpu.memory_space<hbm>> -> memref<512xi32, #tpu.memory_space<hbm>>
    tpu.enqueue_dma source(%dma_start3A_19 : memref<512xi32, #tpu.memory_space<hbm>>) target(%dma_start3A_18 : memref<512xi32, #tpu.memory_space<vmem>>) target_semaphore(%arg9 : memref<!tpu.dma_semaphore, #tpu.memory_space<semaphore_mem>>)
    %mul3A_20 = arith.constant 512 : i32
    %mul3A_21 = arith.muli %add3A, %mul3A_20 : i32
    %add3A_22 = arith.constant 32768 : i32
    %add3A_23 = arith.addi %add3A_22, %mul3A_21 : i32
    %dma_start3A_24 = arith.constant 1024 : i32
    %dma_start3A_25 = tpu.memref_slice %arg5[%dma_start3A_24] : memref<9216xi32, #tpu.memory_space<vmem>> -> memref<512xi32, #tpu.memory_space<vmem>>
    %dma_start3A_26 = tpu.memref_slice %arg2[%add3A_23] : memref<294912xi32, #tpu.memory_space<hbm>> -> memref<512xi32, #tpu.memory_space<hbm>>
    %dma_start3A_27 = arith.constant 1024 : i32
    %dma_start3A_28 = tpu.memref_slice %arg5[%dma_start3A_27] : memref<9216xi32, #tpu.memory_space<vmem>> -> memref<512xi32, #tpu.memory_space<vmem>>
    %dma_start3A_29 = tpu.memref_slice %arg2[%add3A_23] : memref<294912xi32, #tpu.memory_space<hbm>> -> memref<512xi32, #tpu.memory_space<hbm>>
    tpu.enqueue_dma source(%dma_start3A_29 : memref<512xi32, #tpu.memory_space<hbm>>) target(%dma_start3A_28 : memref<512xi32, #tpu.memory_space<vmem>>) target_semaphore(%arg9 : memref<!tpu.dma_semaphore, #tpu.memory_space<semaphore_mem>>)
    %mul3A_30 = arith.constant 512 : i32
    %mul3A_31 = arith.muli %add3A, %mul3A_30 : i32
    %add3A_32 = arith.constant 49152 : i32
    %add3A_33 = arith.addi %add3A_32, %mul3A_31 : i32
    %dma_start3A_34 = arith.constant 1536 : i32
    %dma_start3A_35 = tpu.memref_slice %arg5[%dma_start3A_34] : memref<9216xi32, #tpu.memory_space<vmem>> -> memref<512xi32, #tpu.memory_space<vmem>>
    %dma_start3A_36 = tpu.memref_slice %arg2[%add3A_33] : memref<294912xi32, #tpu.memory_space<hbm>> -> memref<512xi32, #tpu.memory_space<hbm>>
    %dma_start3A_37 = arith.constant 1536 : i32
    %dma_start3A_38 = tpu.memref_slice %arg5[%dma_start3A_37] : memref<9216xi32, #tpu.memory_space<vmem>> -> memref<512xi32, #tpu.memory_space<vmem>>
    %dma_start3A_39 = tpu.memref_slice %arg2[%add3A_33] : memref<294912xi32, #tpu.memory_space<hbm>> -> memref<512xi32, #tpu.memory_space<hbm>>
    tpu.enqueue_dma source(%dma_start3A_39 : memref<512xi32, #tpu.memory_space<hbm>>) target(%dma_start3A_38 : memref<512xi32, #tpu.memory_space<vmem>>) target_semaphore(%arg9 : memref<!tpu.dma_semaphore, #tpu.memory_space<semaphore_mem>>)
    %mul3A_40 = arith.constant 512 : i32
    %mul3A_41 = arith.muli %add3A, %mul3A_40 : i32
    %add3A_42 = arith.constant 65536 : i32
    %add3A_43 = arith.addi %add3A_42, %mul3A_41 : i32
    %dma_start3A_44 = arith.constant 2048 : i32
    %dma_start3A_45 = tpu.memref_slice %arg5[%dma_start3A_44] : memref<9216xi32, #tpu.memory_space<vmem>> -> memref<512xi32, #tpu.memory_space<vmem>>
    %dma_start3A_46 = tpu.memref_slice %arg2[%add3A_43] : memref<294912xi32, #tpu.memory_space<hbm>> -> memref<512xi32, #tpu.memory_space<hbm>>
    %dma_start3A_47 = arith.constant 2048 : i32
    %dma_start3A_48 = tpu.memref_slice %arg5[%dma_start3A_47] : memref<9216xi32, #tpu.memory_space<vmem>> -> memref<512xi32, #tpu.memory_space<vmem>>
    %dma_start3A_49 = tpu.memref_slice %arg2[%add3A_43] : memref<294912xi32, #tpu.memory_space<hbm>> -> memref<512xi32, #tpu.memory_space<hbm>>
    tpu.enqueue_dma source(%dma_start3A_49 : memref<512xi32, #tpu.memory_space<hbm>>) target(%dma_start3A_48 : memref<512xi32, #tpu.memory_space<vmem>>) target_semaphore(%arg9 : memref<!tpu.dma_semaphore, #tpu.memory_space<semaphore_mem>>)
    %mul3A_50 = arith.constant 512 : i32
    %mul3A_51 = arith.muli %add3A, %mul3A_50 : i32
    %add3A_52 = arith.constant 81920 : i32
    %add3A_53 = arith.addi %add3A_52, %mul3A_51 : i32
    %dma_start3A_54 = arith.constant 2560 : i32
    %dma_start3A_55 = tpu.memref_slice %arg5[%dma_start3A_54] : memref<9216xi32, #tpu.memory_space<vmem>> -> memref<512xi32, #tpu.memory_space<vmem>>
    %dma_start3A_56 = tpu.memref_slice %arg2[%add3A_53] : memref<294912xi32, #tpu.memory_space<hbm>> -> memref<512xi32, #tpu.memory_space<hbm>>
    %dma_start3A_57 = arith.constant 2560 : i32
    %dma_start3A_58 = tpu.memref_slice %arg5[%dma_start3A_57] : memref<9216xi32, #tpu.memory_space<vmem>> -> memref<512xi32, #tpu.memory_space<vmem>>
    %dma_start3A_59 = tpu.memref_slice %arg2[%add3A_53] : memref<294912xi32, #tpu.memory_space<hbm>> -> memref<512xi32, #tpu.memory_space<hbm>>
    tpu.enqueue_dma source(%dma_start3A_59 : memref<512xi32, #tpu.memory_space<hbm>>) target(%dma_start3A_58 : memref<512xi32, #tpu.memory_space<vmem>>) target_semaphore(%arg9 : memref<!tpu.dma_semaphore, #tpu.memory_space<semaphore_mem>>)
    %mul3A_60 = arith.constant 512 : i32
    %mul3A_61 = arith.muli %add3A, %mul3A_60 : i32
    %add3A_62 = arith.constant 98304 : i32
    %add3A_63 = arith.addi %add3A_62, %mul3A_61 : i32
    %dma_start3A_64 = arith.constant 3072 : i32
    %dma_start3A_65 = tpu.memref_slice %arg5[%dma_start3A_64] : memref<9216xi32, #tpu.memory_space<vmem>> -> memref<512xi32, #tpu.memory_space<vmem>>
    %dma_start3A_66 = tpu.memref_slice %arg2[%add3A_63] : memref<294912xi32, #tpu.memory_space<hbm>> -> memref<512xi32, #tpu.memory_space<hbm>>
    %dma_start3A_67 = arith.constant 3072 : i32
    %dma_start3A_68 = tpu.memref_slice %arg5[%dma_start3A_67] : memref<9216xi32, #tpu.memory_space<vmem>> -> memref<512xi32, #tpu.memory_space<vmem>>
    %dma_start3A_69 = tpu.memref_slice %arg2[%add3A_63] : memref<294912xi32, #tpu.memory_space<hbm>> -> memref<512xi32, #tpu.memory_space<hbm>>
    tpu.enqueue_dma source(%dma_start3A_69 : memref<512xi32, #tpu.memory_space<hbm>>) target(%dma_start3A_68 : memref<512xi32, #tpu.memory_space<vmem>>) target_semaphore(%arg9 : memref<!tpu.dma_semaphore, #tpu.memory_space<semaphore_mem>>)
    %mul3A_70 = arith.constant 512 : i32
    %mul3A_71 = arith.muli %add3A, %mul3A_70 : i32
    %add3A_72 = arith.constant 114688 : i32
    %add3A_73 = arith.addi %add3A_72, %mul3A_71 : i32
    %dma_start3A_74 = arith.constant 3584 : i32
    %dma_start3A_75 = tpu.memref_slice %arg5[%dma_start3A_74] : memref<9216xi32, #tpu.memory_space<vmem>> -> memref<512xi32, #tpu.memory_space<vmem>>
    %dma_start3A_76 = tpu.memref_slice %arg2[%add3A_73] : memref<294912xi32, #tpu.memory_space<hbm>> -> memref<512xi32, #tpu.memory_space<hbm>>
    %dma_start3A_77 = arith.constant 3584 : i32
    %dma_start3A_78 = tpu.memref_slice %arg5[%dma_start3A_77] : memref<9216xi32, #tpu.memory_space<vmem>> -> memref<512xi32, #tpu.memory_space<vmem>>
    %dma_start3A_79 = tpu.memref_slice %arg2[%add3A_73] : memref<294912xi32, #tpu.memory_space<hbm>> -> memref<512xi32, #tpu.memory_space<hbm>>
    tpu.enqueue_dma source(%dma_start3A_79 : memref<512xi32, #tpu.memory_space<hbm>>) target(%dma_start3A_78 : memref<512xi32, #tpu.memory_space<vmem>>) target_semaphore(%arg9 : memref<!tpu.dma_semaphore, #tpu.memory_space<semaphore_mem>>)
    %mul3A_80 = arith.constant 512 : i32
    %mul3A_81 = arith.muli %add3A, %mul3A_80 : i32
    %add3A_82 = arith.constant 131072 : i32
    %add3A_83 = arith.addi %add3A_82, %mul3A_81 : i32
    %dma_start3A_84 = arith.constant 4096 : i32
    %dma_start3A_85 = tpu.memref_slice %arg5[%dma_start3A_84] : memref<9216xi32, #tpu.memory_space<vmem>> -> memref<512xi32, #tpu.memory_space<vmem>>
    %dma_start3A_86 = tpu.memref_slice %arg2[%add3A_83] : memref<294912xi32, #tpu.memory_space<hbm>> -> memref<512xi32, #tpu.memory_space<hbm>>
    %dma_start3A_87 = arith.constant 4096 : i32
    %dma_start3A_88 = tpu.memref_slice %arg5[%dma_start3A_87] : memref<9216xi32, #tpu.memory_space<vmem>> -> memref<512xi32, #tpu.memory_space<vmem>>
    %dma_start3A_89 = tpu.memref_slice %arg2[%add3A_83] : memref<294912xi32, #tpu.memory_space<hbm>> -> memref<512xi32, #tpu.memory_space<hbm>>
    tpu.enqueue_dma source(%dma_start3A_89 : memref<512xi32, #tpu.memory_space<hbm>>) target(%dma_start3A_88 : memref<512xi32, #tpu.memory_space<vmem>>) target_semaphore(%arg9 : memref<!tpu.dma_semaphore, #tpu.memory_space<semaphore_mem>>)
    %mul3A_90 = arith.constant 512 : i32
    %mul3A_91 = arith.muli %add3A, %mul3A_90 : i32
    %add3A_92 = arith.constant 147456 : i32
    %add3A_93 = arith.addi %add3A_92, %mul3A_91 : i32
    %dma_start3A_94 = arith.constant 4608 : i32
    %dma_start3A_95 = tpu.memref_slice %arg5[%dma_start3A_94] : memref<9216xi32, #tpu.memory_space<vmem>> -> memref<512xi32, #tpu.memory_space<vmem>>
    %dma_start3A_96 = tpu.memref_slice %arg2[%add3A_93] : memref<294912xi32, #tpu.memory_space<hbm>> -> memref<512xi32, #tpu.memory_space<hbm>>
    %dma_start3A_97 = arith.constant 4608 : i32
    %dma_start3A_98 = tpu.memref_slice %arg5[%dma_start3A_97] : memref<9216xi32, #tpu.memory_space<vmem>> -> memref<512xi32, #tpu.memory_space<vmem>>
    %dma_start3A_99 = tpu.memref_slice %arg2[%add3A_93] : memref<294912xi32, #tpu.memory_space<hbm>> -> memref<512xi32, #tpu.memory_space<hbm>>
    tpu.enqueue_dma source(%dma_start3A_99 : memref<512xi32, #tpu.memory_space<hbm>>) target(%dma_start3A_98 : memref<512xi32, #tpu.memory_space<vmem>>) target_semaphore(%arg9 : memref<!tpu.dma_semaphore, #tpu.memory_space<semaphore_mem>>)
    %mul3A_100 = arith.constant 512 : i32
    %mul3A_101 = arith.muli %add3A, %mul3A_100 : i32
    %add3A_102 = arith.constant 163840 : i32
    %add3A_103 = arith.addi %add3A_102, %mul3A_101 : i32
    %dma_start3A_104 = arith.constant 5120 : i32
    %dma_start3A_105 = tpu.memref_slice %arg5[%dma_start3A_104] : memref<9216xi32, #tpu.memory_space<vmem>> -> memref<512xi32, #tpu.memory_space<vmem>>
    %dma_start3A_106 = tpu.memref_slice %arg2[%add3A_103] : memref<294912xi32, #tpu.memory_space<hbm>> -> memref<512xi32, #tpu.memory_space<hbm>>
    %dma_start3A_107 = arith.constant 5120 : i32
    %dma_start3A_108 = tpu.memref_slice %arg5[%dma_start3A_107] : memref<9216xi32, #tpu.memory_space<vmem>> -> memref<512xi32, #tpu.memory_space<vmem>>
    %dma_start3A_109 = tpu.memref_slice %arg2[%add3A_103] : memref<294912xi32, #tpu.memory_space<hbm>> -> memref<512xi32, #tpu.memory_space<hbm>>
    tpu.enqueue_dma source(%dma_start3A_109 : memref<512xi32, #tpu.memory_space<hbm>>) target(%dma_start3A_108 : memref<512xi32, #tpu.memory_space<vmem>>) target_semaphore(%arg9 : memref<!tpu.dma_semaphore, #tpu.memory_space<semaphore_mem>>)
    %mul3A_110 = arith.constant 512 : i32
    %mul3A_111 = arith.muli %add3A, %mul3A_110 : i32
    %add3A_112 = arith.constant 180224 : i32
    %add3A_113 = arith.addi %add3A_112, %mul3A_111 : i32
    %dma_start3A_114 = arith.constant 5632 : i32
    %dma_start3A_115 = tpu.memref_slice %arg5[%dma_start3A_114] : memref<9216xi32, #tpu.memory_space<vmem>> -> memref<512xi32, #tpu.memory_space<vmem>>
    %dma_start3A_116 = tpu.memref_slice %arg2[%add3A_113] : memref<294912xi32, #tpu.memory_space<hbm>> -> memref<512xi32, #tpu.memory_space<hbm>>
    %dma_start3A_117 = arith.constant 5632 : i32
    %dma_start3A_118 = tpu.memref_slice %arg5[%dma_start3A_117] : memref<9216xi32, #tpu.memory_space<vmem>> -> memref<512xi32, #tpu.memory_space<vmem>>
    %dma_start3A_119 = tpu.memref_slice %arg2[%add3A_113] : memref<294912xi32, #tpu.memory_space<hbm>> -> memref<512xi32, #tpu.memory_space<hbm>>
    tpu.enqueue_dma source(%dma_start3A_119 : memref<512xi32, #tpu.memory_space<hbm>>) target(%dma_start3A_118 : memref<512xi32, #tpu.memory_space<vmem>>) target_semaphore(%arg9 : memref<!tpu.dma_semaphore, #tpu.memory_space<semaphore_mem>>)
    %mul3A_120 = arith.constant 512 : i32
    %mul3A_121 = arith.muli %add3A, %mul3A_120 : i32
    %add3A_122 = arith.constant 196608 : i32
    %add3A_123 = arith.addi %add3A_122, %mul3A_121 : i32
    %dma_start3A_124 = arith.constant 6144 : i32
    %dma_start3A_125 = tpu.memref_slice %arg5[%dma_start3A_124] : memref<9216xi32, #tpu.memory_space<vmem>> -> memref<512xi32, #tpu.memory_space<vmem>>
    %dma_start3A_126 = tpu.memref_slice %arg2[%add3A_123] : memref<294912xi32, #tpu.memory_space<hbm>> -> memref<512xi32, #tpu.memory_space<hbm>>
    %dma_start3A_127 = arith.constant 6144 : i32
    %dma_start3A_128 = tpu.memref_slice %arg5[%dma_start3A_127] : memref<9216xi32, #tpu.memory_space<vmem>> -> memref<512xi32, #tpu.memory_space<vmem>>
    %dma_start3A_129 = tpu.memref_slice %arg2[%add3A_123] : memref<294912xi32, #tpu.memory_space<hbm>> -> memref<512xi32, #tpu.memory_space<hbm>>
    tpu.enqueue_dma source(%dma_start3A_129 : memref<512xi32, #tpu.memory_space<hbm>>) target(%dma_start3A_128 : memref<512xi32, #tpu.memory_space<vmem>>) target_semaphore(%arg9 : memref<!tpu.dma_semaphore, #tpu.memory_space<semaphore_mem>>)
    %mul3A_130 = arith.constant 512 : i32
    %mul3A_131 = arith.muli %add3A, %mul3A_130 : i32
    %add3A_132 = arith.constant 212992 : i32
    %add3A_133 = arith.addi %add3A_132, %mul3A_131 : i32
    %dma_start3A_134 = arith.constant 6656 : i32
    %dma_start3A_135 = tpu.memref_slice %arg5[%dma_start3A_134] : memref<9216xi32, #tpu.memory_space<vmem>> -> memref<512xi32, #tpu.memory_space<vmem>>
    %dma_start3A_136 = tpu.memref_slice %arg2[%add3A_133] : memref<294912xi32, #tpu.memory_space<hbm>> -> memref<512xi32, #tpu.memory_space<hbm>>
    %dma_start3A_137 = arith.constant 6656 : i32
    %dma_start3A_138 = tpu.memref_slice %arg5[%dma_start3A_137] : memref<9216xi32, #tpu.memory_space<vmem>> -> memref<512xi32, #tpu.memory_space<vmem>>
    %dma_start3A_139 = tpu.memref_slice %arg2[%add3A_133] : memref<294912xi32, #tpu.memory_space<hbm>> -> memref<512xi32, #tpu.memory_space<hbm>>
    tpu.enqueue_dma source(%dma_start3A_139 : memref<512xi32, #tpu.memory_space<hbm>>) target(%dma_start3A_138 : memref<512xi32, #tpu.memory_space<vmem>>) target_semaphore(%arg9 : memref<!tpu.dma_semaphore, #tpu.memory_space<semaphore_mem>>)
    %mul3A_140 = arith.constant 512 : i32
    %mul3A_141 = arith.muli %add3A, %mul3A_140 : i32
    %add3A_142 = arith.constant 229376 : i32
    %add3A_143 = arith.addi %add3A_142, %mul3A_141 : i32
    %dma_start3A_144 = arith.constant 7168 : i32
    %dma_start3A_145 = tpu.memref_slice %arg5[%dma_start3A_144] : memref<9216xi32, #tpu.memory_space<vmem>> -> memref<512xi32, #tpu.memory_space<vmem>>
    %dma_start3A_146 = tpu.memref_slice %arg2[%add3A_143] : memref<294912xi32, #tpu.memory_space<hbm>> -> memref<512xi32, #tpu.memory_space<hbm>>
    %dma_start3A_147 = arith.constant 7168 : i32
    %dma_start3A_148 = tpu.memref_slice %arg5[%dma_start3A_147] : memref<9216xi32, #tpu.memory_space<vmem>> -> memref<512xi32, #tpu.memory_space<vmem>>
    %dma_start3A_149 = tpu.memref_slice %arg2[%add3A_143] : memref<294912xi32, #tpu.memory_space<hbm>> -> memref<512xi32, #tpu.memory_space<hbm>>
    tpu.enqueue_dma source(%dma_start3A_149 : memref<512xi32, #tpu.memory_space<hbm>>) target(%dma_start3A_148 : memref<512xi32, #tpu.memory_space<vmem>>) target_semaphore(%arg9 : memref<!tpu.dma_semaphore, #tpu.memory_space<semaphore_mem>>)
    %mul3A_150 = arith.constant 512 : i32
    %mul3A_151 = arith.muli %add3A, %mul3A_150 : i32
    %add3A_152 = arith.constant 245760 : i32
    %add3A_153 = arith.addi %add3A_152, %mul3A_151 : i32
    %dma_start3A_154 = arith.constant 7680 : i32
    %dma_start3A_155 = tpu.memref_slice %arg5[%dma_start3A_154] : memref<9216xi32, #tpu.memory_space<vmem>> -> memref<512xi32, #tpu.memory_space<vmem>>
    %dma_start3A_156 = tpu.memref_slice %arg2[%add3A_153] : memref<294912xi32, #tpu.memory_space<hbm>> -> memref<512xi32, #tpu.memory_space<hbm>>
    %dma_start3A_157 = arith.constant 7680 : i32
    %dma_start3A_158 = tpu.memref_slice %arg5[%dma_start3A_157] : memref<9216xi32, #tpu.memory_space<vmem>> -> memref<512xi32, #tpu.memory_space<vmem>>
    %dma_start3A_159 = tpu.memref_slice %arg2[%add3A_153] : memref<294912xi32, #tpu.memory_space<hbm>> -> memref<512xi32, #tpu.memory_space<hbm>>
    tpu.enqueue_dma source(%dma_start3A_159 : memref<512xi32, #tpu.memory_space<hbm>>) target(%dma_start3A_158 : memref<512xi32, #tpu.memory_space<vmem>>) target_semaphore(%arg9 : memref<!tpu.dma_semaphore, #tpu.memory_space<semaphore_mem>>)
    %mul3A_160 = arith.constant 512 : i32
    %mul3A_161 = arith.muli %add3A, %mul3A_160 : i32
    %add3A_162 = arith.constant 262144 : i32
    %add3A_163 = arith.addi %add3A_162, %mul3A_161 : i32
    %dma_start3A_164 = arith.constant 8192 : i32
    %dma_start3A_165 = tpu.memref_slice %arg5[%dma_start3A_164] : memref<9216xi32, #tpu.memory_space<vmem>> -> memref<512xi32, #tpu.memory_space<vmem>>
    %dma_start3A_166 = tpu.memref_slice %arg2[%add3A_163] : memref<294912xi32, #tpu.memory_space<hbm>> -> memref<512xi32, #tpu.memory_space<hbm>>
    %dma_start3A_167 = arith.constant 8192 : i32
    %dma_start3A_168 = tpu.memref_slice %arg5[%dma_start3A_167] : memref<9216xi32, #tpu.memory_space<vmem>> -> memref<512xi32, #tpu.memory_space<vmem>>
    %dma_start3A_169 = tpu.memref_slice %arg2[%add3A_163] : memref<294912xi32, #tpu.memory_space<hbm>> -> memref<512xi32, #tpu.memory_space<hbm>>
    tpu.enqueue_dma source(%dma_start3A_169 : memref<512xi32, #tpu.memory_space<hbm>>) target(%dma_start3A_168 : memref<512xi32, #tpu.memory_space<vmem>>) target_semaphore(%arg9 : memref<!tpu.dma_semaphore, #tpu.memory_space<semaphore_mem>>)
    %mul3A_170 = arith.constant 512 : i32
    %mul3A_171 = arith.muli %add3A, %mul3A_170 : i32
    %add3A_172 = arith.constant 278528 : i32
    %add3A_173 = arith.addi %add3A_172, %mul3A_171 : i32
    %dma_start3A_174 = arith.constant 8704 : i32
    %dma_start3A_175 = tpu.memref_slice %arg5[%dma_start3A_174] : memref<9216xi32, #tpu.memory_space<vmem>> -> memref<512xi32, #tpu.memory_space<vmem>>
    %dma_start3A_176 = tpu.memref_slice %arg2[%add3A_173] : memref<294912xi32, #tpu.memory_space<hbm>> -> memref<512xi32, #tpu.memory_space<hbm>>
    %dma_start3A_177 = arith.constant 8704 : i32
    %dma_start3A_178 = tpu.memref_slice %arg5[%dma_start3A_177] : memref<9216xi32, #tpu.memory_space<vmem>> -> memref<512xi32, #tpu.memory_space<vmem>>
    %dma_start3A_179 = tpu.memref_slice %arg2[%add3A_173] : memref<294912xi32, #tpu.memory_space<hbm>> -> memref<512xi32, #tpu.memory_space<hbm>>
    tpu.enqueue_dma source(%dma_start3A_179 : memref<512xi32, #tpu.memory_space<hbm>>) target(%dma_start3A_178 : memref<512xi32, #tpu.memory_space<vmem>>) target_semaphore(%arg9 : memref<!tpu.dma_semaphore, #tpu.memory_space<semaphore_mem>>)
    %mul3A_180 = arith.constant 512 : i32
    %mul3A_181 = arith.muli %add3A, %mul3A_180 : i32
    %add3A_182 = arith.constant 0 : i32
    %add3A_183 = arith.addi %add3A_182, %mul3A_181 : i32
    %dma_wait3A = arith.constant 0 : i32
    %dma_wait3A_184 = tpu.memref_slice %arg5[%dma_wait3A] : memref<9216xi32, #tpu.memory_space<vmem>> -> memref<512xi32, #tpu.memory_space<vmem>>
    %dma_wait3A_185 = tpu.memref_slice %arg2[%add3A_183] : memref<294912xi32, #tpu.memory_space<hbm>> -> memref<512xi32, #tpu.memory_space<hbm>>
    %dma_wait3A_186 = arith.constant 0 : i32
    %dma_wait3A_187 = tpu.memref_slice %arg5[%dma_wait3A_186] : memref<9216xi32, #tpu.memory_space<vmem>> -> memref<512xi32, #tpu.memory_space<vmem>>
    %dma_wait3A_188 = tpu.memref_slice %arg2[%add3A_183] : memref<294912xi32, #tpu.memory_space<hbm>> -> memref<512xi32, #tpu.memory_space<hbm>>
    tpu.wait_dma2 semaphore(%arg9 : memref<!tpu.dma_semaphore, #tpu.memory_space<semaphore_mem>>) src(%dma_wait3A_188 : memref<512xi32, #tpu.memory_space<hbm>>) dst(%dma_wait3A_187 : memref<512xi32, #tpu.memory_space<vmem>>)
    %mul3A_189 = arith.constant 512 : i32
    %mul3A_190 = arith.muli %add3A, %mul3A_189 : i32
    %add3A_191 = arith.constant 16384 : i32
    %add3A_192 = arith.addi %add3A_191, %mul3A_190 : i32
    %dma_wait3A_193 = arith.constant 512 : i32
    %dma_wait3A_194 = tpu.memref_slice %arg5[%dma_wait3A_193] : memref<9216xi32, #tpu.memory_space<vmem>> -> memref<512xi32, #tpu.memory_space<vmem>>
    %dma_wait3A_195 = tpu.memref_slice %arg2[%add3A_192] : memref<294912xi32, #tpu.memory_space<hbm>> -> memref<512xi32, #tpu.memory_space<hbm>>
    %dma_wait3A_196 = arith.constant 512 : i32
    %dma_wait3A_197 = tpu.memref_slice %arg5[%dma_wait3A_196] : memref<9216xi32, #tpu.memory_space<vmem>> -> memref<512xi32, #tpu.memory_space<vmem>>
    %dma_wait3A_198 = tpu.memref_slice %arg2[%add3A_192] : memref<294912xi32, #tpu.memory_space<hbm>> -> memref<512xi32, #tpu.memory_space<hbm>>
    tpu.wait_dma2 semaphore(%arg9 : memref<!tpu.dma_semaphore, #tpu.memory_space<semaphore_mem>>) src(%dma_wait3A_198 : memref<512xi32, #tpu.memory_space<hbm>>) dst(%dma_wait3A_197 : memref<512xi32, #tpu.memory_space<vmem>>)
    %mul3A_199 = arith.constant 512 : i32
    %mul3A_200 = arith.muli %add3A, %mul3A_199 : i32
    %add3A_201 = arith.constant 32768 : i32
    %add3A_202 = arith.addi %add3A_201, %mul3A_200 : i32
    %dma_wait3A_203 = arith.constant 1024 : i32
    %dma_wait3A_204 = tpu.memref_slice %arg5[%dma_wait3A_203] : memref<9216xi32, #tpu.memory_space<vmem>> -> memref<512xi32, #tpu.memory_space<vmem>>
    %dma_wait3A_205 = tpu.memref_slice %arg2[%add3A_202] : memref<294912xi32, #tpu.memory_space<hbm>> -> memref<512xi32, #tpu.memory_space<hbm>>
    %dma_wait3A_206 = arith.constant 1024 : i32
    %dma_wait3A_207 = tpu.memref_slice %arg5[%dma_wait3A_206] : memref<9216xi32, #tpu.memory_space<vmem>> -> memref<512xi32, #tpu.memory_space<vmem>>
    %dma_wait3A_208 = tpu.memref_slice %arg2[%add3A_202] : memref<294912xi32, #tpu.memory_space<hbm>> -> memref<512xi32, #tpu.memory_space<hbm>>
    tpu.wait_dma2 semaphore(%arg9 : memref<!tpu.dma_semaphore, #tpu.memory_space<semaphore_mem>>) src(%dma_wait3A_208 : memref<512xi32, #tpu.memory_space<hbm>>) dst(%dma_wait3A_207 : memref<512xi32, #tpu.memory_space<vmem>>)
    %mul3A_209 = arith.constant 512 : i32
    %mul3A_210 = arith.muli %add3A, %mul3A_209 : i32
    %add3A_211 = arith.constant 49152 : i32
    %add3A_212 = arith.addi %add3A_211, %mul3A_210 : i32
    %dma_wait3A_213 = arith.constant 1536 : i32
    %dma_wait3A_214 = tpu.memref_slice %arg5[%dma_wait3A_213] : memref<9216xi32, #tpu.memory_space<vmem>> -> memref<512xi32, #tpu.memory_space<vmem>>
    %dma_wait3A_215 = tpu.memref_slice %arg2[%add3A_212] : memref<294912xi32, #tpu.memory_space<hbm>> -> memref<512xi32, #tpu.memory_space<hbm>>
    %dma_wait3A_216 = arith.constant 1536 : i32
    %dma_wait3A_217 = tpu.memref_slice %arg5[%dma_wait3A_216] : memref<9216xi32, #tpu.memory_space<vmem>> -> memref<512xi32, #tpu.memory_space<vmem>>
    %dma_wait3A_218 = tpu.memref_slice %arg2[%add3A_212] : memref<294912xi32, #tpu.memory_space<hbm>> -> memref<512xi32, #tpu.memory_space<hbm>>
    tpu.wait_dma2 semaphore(%arg9 : memref<!tpu.dma_semaphore, #tpu.memory_space<semaphore_mem>>) src(%dma_wait3A_218 : memref<512xi32, #tpu.memory_space<hbm>>) dst(%dma_wait3A_217 : memref<512xi32, #tpu.memory_space<vmem>>)
    %mul3A_219 = arith.constant 512 : i32
    %mul3A_220 = arith.muli %add3A, %mul3A_219 : i32
    %add3A_221 = arith.constant 65536 : i32
    %add3A_222 = arith.addi %add3A_221, %mul3A_220 : i32
    %dma_wait3A_223 = arith.constant 2048 : i32
    %dma_wait3A_224 = tpu.memref_slice %arg5[%dma_wait3A_223] : memref<9216xi32, #tpu.memory_space<vmem>> -> memref<512xi32, #tpu.memory_space<vmem>>
    %dma_wait3A_225 = tpu.memref_slice %arg2[%add3A_222] : memref<294912xi32, #tpu.memory_space<hbm>> -> memref<512xi32, #tpu.memory_space<hbm>>
    %dma_wait3A_226 = arith.constant 2048 : i32
    %dma_wait3A_227 = tpu.memref_slice %arg5[%dma_wait3A_226] : memref<9216xi32, #tpu.memory_space<vmem>> -> memref<512xi32, #tpu.memory_space<vmem>>
    %dma_wait3A_228 = tpu.memref_slice %arg2[%add3A_222] : memref<294912xi32, #tpu.memory_space<hbm>> -> memref<512xi32, #tpu.memory_space<hbm>>
    tpu.wait_dma2 semaphore(%arg9 : memref<!tpu.dma_semaphore, #tpu.memory_space<semaphore_mem>>) src(%dma_wait3A_228 : memref<512xi32, #tpu.memory_space<hbm>>) dst(%dma_wait3A_227 : memref<512xi32, #tpu.memory_space<vmem>>)
    %mul3A_229 = arith.constant 512 : i32
    %mul3A_230 = arith.muli %add3A, %mul3A_229 : i32
    %add3A_231 = arith.constant 81920 : i32
    %add3A_232 = arith.addi %add3A_231, %mul3A_230 : i32
    %dma_wait3A_233 = arith.constant 2560 : i32
    %dma_wait3A_234 = tpu.memref_slice %arg5[%dma_wait3A_233] : memref<9216xi32, #tpu.memory_space<vmem>> -> memref<512xi32, #tpu.memory_space<vmem>>
    %dma_wait3A_235 = tpu.memref_slice %arg2[%add3A_232] : memref<294912xi32, #tpu.memory_space<hbm>> -> memref<512xi32, #tpu.memory_space<hbm>>
    %dma_wait3A_236 = arith.constant 2560 : i32
    %dma_wait3A_237 = tpu.memref_slice %arg5[%dma_wait3A_236] : memref<9216xi32, #tpu.memory_space<vmem>> -> memref<512xi32, #tpu.memory_space<vmem>>
    %dma_wait3A_238 = tpu.memref_slice %arg2[%add3A_232] : memref<294912xi32, #tpu.memory_space<hbm>> -> memref<512xi32, #tpu.memory_space<hbm>>
    tpu.wait_dma2 semaphore(%arg9 : memref<!tpu.dma_semaphore, #tpu.memory_space<semaphore_mem>>) src(%dma_wait3A_238 : memref<512xi32, #tpu.memory_space<hbm>>) dst(%dma_wait3A_237 : memref<512xi32, #tpu.memory_space<vmem>>)
    %mul3A_239 = arith.constant 512 : i32
    %mul3A_240 = arith.muli %add3A, %mul3A_239 : i32
    %add3A_241 = arith.constant 98304 : i32
    %add3A_242 = arith.addi %add3A_241, %mul3A_240 : i32
    %dma_wait3A_243 = arith.constant 3072 : i32
    %dma_wait3A_244 = tpu.memref_slice %arg5[%dma_wait3A_243] : memref<9216xi32, #tpu.memory_space<vmem>> -> memref<512xi32, #tpu.memory_space<vmem>>
    %dma_wait3A_245 = tpu.memref_slice %arg2[%add3A_242] : memref<294912xi32, #tpu.memory_space<hbm>> -> memref<512xi32, #tpu.memory_space<hbm>>
    %dma_wait3A_246 = arith.constant 3072 : i32
    %dma_wait3A_247 = tpu.memref_slice %arg5[%dma_wait3A_246] : memref<9216xi32, #tpu.memory_space<vmem>> -> memref<512xi32, #tpu.memory_space<vmem>>
    %dma_wait3A_248 = tpu.memref_slice %arg2[%add3A_242] : memref<294912xi32, #tpu.memory_space<hbm>> -> memref<512xi32, #tpu.memory_space<hbm>>
    tpu.wait_dma2 semaphore(%arg9 : memref<!tpu.dma_semaphore, #tpu.memory_space<semaphore_mem>>) src(%dma_wait3A_248 : memref<512xi32, #tpu.memory_space<hbm>>) dst(%dma_wait3A_247 : memref<512xi32, #tpu.memory_space<vmem>>)
    %mul3A_249 = arith.constant 512 : i32
    %mul3A_250 = arith.muli %add3A, %mul3A_249 : i32
    %add3A_251 = arith.constant 114688 : i32
    %add3A_252 = arith.addi %add3A_251, %mul3A_250 : i32
    %dma_wait3A_253 = arith.constant 3584 : i32
    %dma_wait3A_254 = tpu.memref_slice %arg5[%dma_wait3A_253] : memref<9216xi32, #tpu.memory_space<vmem>> -> memref<512xi32, #tpu.memory_space<vmem>>
    %dma_wait3A_255 = tpu.memref_slice %arg2[%add3A_252] : memref<294912xi32, #tpu.memory_space<hbm>> -> memref<512xi32, #tpu.memory_space<hbm>>
    %dma_wait3A_256 = arith.constant 3584 : i32
    %dma_wait3A_257 = tpu.memref_slice %arg5[%dma_wait3A_256] : memref<9216xi32, #tpu.memory_space<vmem>> -> memref<512xi32, #tpu.memory_space<vmem>>
    %dma_wait3A_258 = tpu.memref_slice %arg2[%add3A_252] : memref<294912xi32, #tpu.memory_space<hbm>> -> memref<512xi32, #tpu.memory_space<hbm>>
    tpu.wait_dma2 semaphore(%arg9 : memref<!tpu.dma_semaphore, #tpu.memory_space<semaphore_mem>>) src(%dma_wait3A_258 : memref<512xi32, #tpu.memory_space<hbm>>) dst(%dma_wait3A_257 : memref<512xi32, #tpu.memory_space<vmem>>)
    %mul3A_259 = arith.constant 512 : i32
    %mul3A_260 = arith.muli %add3A, %mul3A_259 : i32
    %add3A_261 = arith.constant 131072 : i32
    %add3A_262 = arith.addi %add3A_261, %mul3A_260 : i32
    %dma_wait3A_263 = arith.constant 4096 : i32
    %dma_wait3A_264 = tpu.memref_slice %arg5[%dma_wait3A_263] : memref<9216xi32, #tpu.memory_space<vmem>> -> memref<512xi32, #tpu.memory_space<vmem>>
    %dma_wait3A_265 = tpu.memref_slice %arg2[%add3A_262] : memref<294912xi32, #tpu.memory_space<hbm>> -> memref<512xi32, #tpu.memory_space<hbm>>
    %dma_wait3A_266 = arith.constant 4096 : i32
    %dma_wait3A_267 = tpu.memref_slice %arg5[%dma_wait3A_266] : memref<9216xi32, #tpu.memory_space<vmem>> -> memref<512xi32, #tpu.memory_space<vmem>>
    %dma_wait3A_268 = tpu.memref_slice %arg2[%add3A_262] : memref<294912xi32, #tpu.memory_space<hbm>> -> memref<512xi32, #tpu.memory_space<hbm>>
    tpu.wait_dma2 semaphore(%arg9 : memref<!tpu.dma_semaphore, #tpu.memory_space<semaphore_mem>>) src(%dma_wait3A_268 : memref<512xi32, #tpu.memory_space<hbm>>) dst(%dma_wait3A_267 : memref<512xi32, #tpu.memory_space<vmem>>)
    %mul3A_269 = arith.constant 512 : i32
    %mul3A_270 = arith.muli %add3A, %mul3A_269 : i32
    %add3A_271 = arith.constant 147456 : i32
    %add3A_272 = arith.addi %add3A_271, %mul3A_270 : i32
    %dma_wait3A_273 = arith.constant 4608 : i32
    %dma_wait3A_274 = tpu.memref_slice %arg5[%dma_wait3A_273] : memref<9216xi32, #tpu.memory_space<vmem>> -> memref<512xi32, #tpu.memory_space<vmem>>
    %dma_wait3A_275 = tpu.memref_slice %arg2[%add3A_272] : memref<294912xi32, #tpu.memory_space<hbm>> -> memref<512xi32, #tpu.memory_space<hbm>>
    %dma_wait3A_276 = arith.constant 4608 : i32
    %dma_wait3A_277 = tpu.memref_slice %arg5[%dma_wait3A_276] : memref<9216xi32, #tpu.memory_space<vmem>> -> memref<512xi32, #tpu.memory_space<vmem>>
    %dma_wait3A_278 = tpu.memref_slice %arg2[%add3A_272] : memref<294912xi32, #tpu.memory_space<hbm>> -> memref<512xi32, #tpu.memory_space<hbm>>
    tpu.wait_dma2 semaphore(%arg9 : memref<!tpu.dma_semaphore, #tpu.memory_space<semaphore_mem>>) src(%dma_wait3A_278 : memref<512xi32, #tpu.memory_space<hbm>>) dst(%dma_wait3A_277 : memref<512xi32, #tpu.memory_space<vmem>>)
    %mul3A_279 = arith.constant 512 : i32
    %mul3A_280 = arith.muli %add3A, %mul3A_279 : i32
    %add3A_281 = arith.constant 163840 : i32
    %add3A_282 = arith.addi %add3A_281, %mul3A_280 : i32
    %dma_wait3A_283 = arith.constant 5120 : i32
    %dma_wait3A_284 = tpu.memref_slice %arg5[%dma_wait3A_283] : memref<9216xi32, #tpu.memory_space<vmem>> -> memref<512xi32, #tpu.memory_space<vmem>>
    %dma_wait3A_285 = tpu.memref_slice %arg2[%add3A_282] : memref<294912xi32, #tpu.memory_space<hbm>> -> memref<512xi32, #tpu.memory_space<hbm>>
    %dma_wait3A_286 = arith.constant 5120 : i32
    %dma_wait3A_287 = tpu.memref_slice %arg5[%dma_wait3A_286] : memref<9216xi32, #tpu.memory_space<vmem>> -> memref<512xi32, #tpu.memory_space<vmem>>
    %dma_wait3A_288 = tpu.memref_slice %arg2[%add3A_282] : memref<294912xi32, #tpu.memory_space<hbm>> -> memref<512xi32, #tpu.memory_space<hbm>>
    tpu.wait_dma2 semaphore(%arg9 : memref<!tpu.dma_semaphore, #tpu.memory_space<semaphore_mem>>) src(%dma_wait3A_288 : memref<512xi32, #tpu.memory_space<hbm>>) dst(%dma_wait3A_287 : memref<512xi32, #tpu.memory_space<vmem>>)
    %mul3A_289 = arith.constant 512 : i32
    %mul3A_290 = arith.muli %add3A, %mul3A_289 : i32
    %add3A_291 = arith.constant 180224 : i32
    %add3A_292 = arith.addi %add3A_291, %mul3A_290 : i32
    %dma_wait3A_293 = arith.constant 5632 : i32
    %dma_wait3A_294 = tpu.memref_slice %arg5[%dma_wait3A_293] : memref<9216xi32, #tpu.memory_space<vmem>> -> memref<512xi32, #tpu.memory_space<vmem>>
    %dma_wait3A_295 = tpu.memref_slice %arg2[%add3A_292] : memref<294912xi32, #tpu.memory_space<hbm>> -> memref<512xi32, #tpu.memory_space<hbm>>
    %dma_wait3A_296 = arith.constant 5632 : i32
    %dma_wait3A_297 = tpu.memref_slice %arg5[%dma_wait3A_296] : memref<9216xi32, #tpu.memory_space<vmem>> -> memref<512xi32, #tpu.memory_space<vmem>>
    %dma_wait3A_298 = tpu.memref_slice %arg2[%add3A_292] : memref<294912xi32, #tpu.memory_space<hbm>> -> memref<512xi32, #tpu.memory_space<hbm>>
    tpu.wait_dma2 semaphore(%arg9 : memref<!tpu.dma_semaphore, #tpu.memory_space<semaphore_mem>>) src(%dma_wait3A_298 : memref<512xi32, #tpu.memory_space<hbm>>) dst(%dma_wait3A_297 : memref<512xi32, #tpu.memory_space<vmem>>)
    %mul3A_299 = arith.constant 512 : i32
    %mul3A_300 = arith.muli %add3A, %mul3A_299 : i32
    %add3A_301 = arith.constant 196608 : i32
    %add3A_302 = arith.addi %add3A_301, %mul3A_300 : i32
    %dma_wait3A_303 = arith.constant 6144 : i32
    %dma_wait3A_304 = tpu.memref_slice %arg5[%dma_wait3A_303] : memref<9216xi32, #tpu.memory_space<vmem>> -> memref<512xi32, #tpu.memory_space<vmem>>
    %dma_wait3A_305 = tpu.memref_slice %arg2[%add3A_302] : memref<294912xi32, #tpu.memory_space<hbm>> -> memref<512xi32, #tpu.memory_space<hbm>>
    %dma_wait3A_306 = arith.constant 6144 : i32
    %dma_wait3A_307 = tpu.memref_slice %arg5[%dma_wait3A_306] : memref<9216xi32, #tpu.memory_space<vmem>> -> memref<512xi32, #tpu.memory_space<vmem>>
    %dma_wait3A_308 = tpu.memref_slice %arg2[%add3A_302] : memref<294912xi32, #tpu.memory_space<hbm>> -> memref<512xi32, #tpu.memory_space<hbm>>
    tpu.wait_dma2 semaphore(%arg9 : memref<!tpu.dma_semaphore, #tpu.memory_space<semaphore_mem>>) src(%dma_wait3A_308 : memref<512xi32, #tpu.memory_space<hbm>>) dst(%dma_wait3A_307 : memref<512xi32, #tpu.memory_space<vmem>>)
    %mul3A_309 = arith.constant 512 : i32
    %mul3A_310 = arith.muli %add3A, %mul3A_309 : i32
    %add3A_311 = arith.constant 212992 : i32
    %add3A_312 = arith.addi %add3A_311, %mul3A_310 : i32
    %dma_wait3A_313 = arith.constant 6656 : i32
    %dma_wait3A_314 = tpu.memref_slice %arg5[%dma_wait3A_313] : memref<9216xi32, #tpu.memory_space<vmem>> -> memref<512xi32, #tpu.memory_space<vmem>>
    %dma_wait3A_315 = tpu.memref_slice %arg2[%add3A_312] : memref<294912xi32, #tpu.memory_space<hbm>> -> memref<512xi32, #tpu.memory_space<hbm>>
    %dma_wait3A_316 = arith.constant 6656 : i32
    %dma_wait3A_317 = tpu.memref_slice %arg5[%dma_wait3A_316] : memref<9216xi32, #tpu.memory_space<vmem>> -> memref<512xi32, #tpu.memory_space<vmem>>
    %dma_wait3A_318 = tpu.memref_slice %arg2[%add3A_312] : memref<294912xi32, #tpu.memory_space<hbm>> -> memref<512xi32, #tpu.memory_space<hbm>>
    tpu.wait_dma2 semaphore(%arg9 : memref<!tpu.dma_semaphore, #tpu.memory_space<semaphore_mem>>) src(%dma_wait3A_318 : memref<512xi32, #tpu.memory_space<hbm>>) dst(%dma_wait3A_317 : memref<512xi32, #tpu.memory_space<vmem>>)
    %mul3A_319 = arith.constant 512 : i32
    %mul3A_320 = arith.muli %add3A, %mul3A_319 : i32
    %add3A_321 = arith.constant 229376 : i32
    %add3A_322 = arith.addi %add3A_321, %mul3A_320 : i32
    %dma_wait3A_323 = arith.constant 7168 : i32
    %dma_wait3A_324 = tpu.memref_slice %arg5[%dma_wait3A_323] : memref<9216xi32, #tpu.memory_space<vmem>> -> memref<512xi32, #tpu.memory_space<vmem>>
    %dma_wait3A_325 = tpu.memref_slice %arg2[%add3A_322] : memref<294912xi32, #tpu.memory_space<hbm>> -> memref<512xi32, #tpu.memory_space<hbm>>
    %dma_wait3A_326 = arith.constant 7168 : i32
    %dma_wait3A_327 = tpu.memref_slice %arg5[%dma_wait3A_326] : memref<9216xi32, #tpu.memory_space<vmem>> -> memref<512xi32, #tpu.memory_space<vmem>>
    %dma_wait3A_328 = tpu.memref_slice %arg2[%add3A_322] : memref<294912xi32, #tpu.memory_space<hbm>> -> memref<512xi32, #tpu.memory_space<hbm>>
    tpu.wait_dma2 semaphore(%arg9 : memref<!tpu.dma_semaphore, #tpu.memory_space<semaphore_mem>>) src(%dma_wait3A_328 : memref<512xi32, #tpu.memory_space<hbm>>) dst(%dma_wait3A_327 : memref<512xi32, #tpu.memory_space<vmem>>)
    %mul3A_329 = arith.constant 512 : i32
    %mul3A_330 = arith.muli %add3A, %mul3A_329 : i32
    %add3A_331 = arith.constant 245760 : i32
    %add3A_332 = arith.addi %add3A_331, %mul3A_330 : i32
    %dma_wait3A_333 = arith.constant 7680 : i32
    %dma_wait3A_334 = tpu.memref_slice %arg5[%dma_wait3A_333] : memref<9216xi32, #tpu.memory_space<vmem>> -> memref<512xi32, #tpu.memory_space<vmem>>
    %dma_wait3A_335 = tpu.memref_slice %arg2[%add3A_332] : memref<294912xi32, #tpu.memory_space<hbm>> -> memref<512xi32, #tpu.memory_space<hbm>>
    %dma_wait3A_336 = arith.constant 7680 : i32
    %dma_wait3A_337 = tpu.memref_slice %arg5[%dma_wait3A_336] : memref<9216xi32, #tpu.memory_space<vmem>> -> memref<512xi32, #tpu.memory_space<vmem>>
    %dma_wait3A_338 = tpu.memref_slice %arg2[%add3A_332] : memref<294912xi32, #tpu.memory_space<hbm>> -> memref<512xi32, #tpu.memory_space<hbm>>
    tpu.wait_dma2 semaphore(%arg9 : memref<!tpu.dma_semaphore, #tpu.memory_space<semaphore_mem>>) src(%dma_wait3A_338 : memref<512xi32, #tpu.memory_space<hbm>>) dst(%dma_wait3A_337 : memref<512xi32, #tpu.memory_space<vmem>>)
    %mul3A_339 = arith.constant 512 : i32
    %mul3A_340 = arith.muli %add3A, %mul3A_339 : i32
    %add3A_341 = arith.constant 262144 : i32
    %add3A_342 = arith.addi %add3A_341, %mul3A_340 : i32
    %dma_wait3A_343 = arith.constant 8192 : i32
    %dma_wait3A_344 = tpu.memref_slice %arg5[%dma_wait3A_343] : memref<9216xi32, #tpu.memory_space<vmem>> -> memref<512xi32, #tpu.memory_space<vmem>>
    %dma_wait3A_345 = tpu.memref_slice %arg2[%add3A_342] : memref<294912xi32, #tpu.memory_space<hbm>> -> memref<512xi32, #tpu.memory_space<hbm>>
    %dma_wait3A_346 = arith.constant 8192 : i32
    %dma_wait3A_347 = tpu.memref_slice %arg5[%dma_wait3A_346] : memref<9216xi32, #tpu.memory_space<vmem>> -> memref<512xi32, #tpu.memory_space<vmem>>
    %dma_wait3A_348 = tpu.memref_slice %arg2[%add3A_342] : memref<294912xi32, #tpu.memory_space<hbm>> -> memref<512xi32, #tpu.memory_space<hbm>>
    tpu.wait_dma2 semaphore(%arg9 : memref<!tpu.dma_semaphore, #tpu.memory_space<semaphore_mem>>) src(%dma_wait3A_348 : memref<512xi32, #tpu.memory_space<hbm>>) dst(%dma_wait3A_347 : memref<512xi32, #tpu.memory_space<vmem>>)
    %mul3A_349 = arith.constant 512 : i32
    %mul3A_350 = arith.muli %add3A, %mul3A_349 : i32
    %add3A_351 = arith.constant 278528 : i32
    %add3A_352 = arith.addi %add3A_351, %mul3A_350 : i32
    %dma_wait3A_353 = arith.constant 8704 : i32
    %dma_wait3A_354 = tpu.memref_slice %arg5[%dma_wait3A_353] : memref<9216xi32, #tpu.memory_space<vmem>> -> memref<512xi32, #tpu.memory_space<vmem>>
    %dma_wait3A_355 = tpu.memref_slice %arg2[%add3A_352] : memref<294912xi32, #tpu.memory_space<hbm>> -> memref<512xi32, #tpu.memory_space<hbm>>
    %dma_wait3A_356 = arith.constant 8704 : i32
    %dma_wait3A_357 = tpu.memref_slice %arg5[%dma_wait3A_356] : memref<9216xi32, #tpu.memory_space<vmem>> -> memref<512xi32, #tpu.memory_space<vmem>>
    %dma_wait3A_358 = tpu.memref_slice %arg2[%add3A_352] : memref<294912xi32, #tpu.memory_space<hbm>> -> memref<512xi32, #tpu.memory_space<hbm>>
    tpu.wait_dma2 semaphore(%arg9 : memref<!tpu.dma_semaphore, #tpu.memory_space<semaphore_mem>>) src(%dma_wait3A_358 : memref<512xi32, #tpu.memory_space<hbm>>) dst(%dma_wait3A_357 : memref<512xi32, #tpu.memory_space<vmem>>)
    %dma_start3A_359 = arith.constant 0 : i32
    %dma_start3A_360 = arith.constant 0 : i32
    %dma_start3A_361 = arith.constant 0 : i32
    %dma_start3A_362 = tpu.memref_slice %arg6[%dma_start3A_359, %dma_start3A_360, %dma_start3A_361] : memref<3x512x64xf32, #tpu.memory_space<vmem>> -> memref<1x512x64xf32, #tpu.memory_space<vmem>>
    %dma_start3A_363 = tpu.memref_squeeze %dma_start3A_362 : memref<1x512x64xf32, #tpu.memory_space<vmem>> -> memref<512x64xf32, #tpu.memory_space<vmem>>
    %dma_start3A_364 = arith.constant 0 : i32
    %dma_start3A_365 = tpu.memref_slice %arg5[%dma_start3A_364] : memref<9216xi32, #tpu.memory_space<vmem>> -> memref<512xi32, #tpu.memory_space<vmem>>
    %dma_start3A_366 = arith.constant 0 : i32
    %dma_start3A_367 = arith.constant 0 : i32
    %dma_start3A_368 = tpu.memref_slice %arg3[%dma_start3A_366, %dma_start3A_367] : memref<100000x64xf32, #tpu.memory_space<hbm>> -> memref<100000x64xf32, #tpu.memory_space<hbm>>
    tpu.enqueue_indirect_dma source(%dma_start3A_368 : memref<100000x64xf32, #tpu.memory_space<hbm>>) target(%dma_start3A_363 : memref<512x64xf32, #tpu.memory_space<vmem>>) offsets(%dma_start3A_365 : memref<512xi32, #tpu.memory_space<vmem>>) semaphore(%arg7 : memref<!tpu.dma_semaphore, #tpu.memory_space<semaphore_mem>>)
    %dma_start3A_369 = arith.constant 1 : i32
    %dma_start3A_370 = arith.constant 0 : i32
    %dma_start3A_371 = arith.constant 0 : i32
    %dma_start3A_372 = tpu.memref_slice %arg6[%dma_start3A_369, %dma_start3A_370, %dma_start3A_371] : memref<3x512x64xf32, #tpu.memory_space<vmem>> -> memref<1x512x64xf32, #tpu.memory_space<vmem>>
    %dma_start3A_373 = tpu.memref_squeeze %dma_start3A_372 : memref<1x512x64xf32, #tpu.memory_space<vmem>> -> memref<512x64xf32, #tpu.memory_space<vmem>>
    %dma_start3A_374 = arith.constant 512 : i32
    %dma_start3A_375 = tpu.memref_slice %arg5[%dma_start3A_374] : memref<9216xi32, #tpu.memory_space<vmem>> -> memref<512xi32, #tpu.memory_space<vmem>>
    %dma_start3A_376 = arith.constant 0 : i32
    %dma_start3A_377 = arith.constant 0 : i32
    %dma_start3A_378 = tpu.memref_slice %arg3[%dma_start3A_376, %dma_start3A_377] : memref<100000x64xf32, #tpu.memory_space<hbm>> -> memref<100000x64xf32, #tpu.memory_space<hbm>>
    tpu.enqueue_indirect_dma source(%dma_start3A_378 : memref<100000x64xf32, #tpu.memory_space<hbm>>) target(%dma_start3A_373 : memref<512x64xf32, #tpu.memory_space<vmem>>) offsets(%dma_start3A_375 : memref<512xi32, #tpu.memory_space<vmem>>) semaphore(%arg7 : memref<!tpu.dma_semaphore, #tpu.memory_space<semaphore_mem>>)
    %scan3A = arith.constant 0 : i32
    %scan3A_379 = arith.constant 0 : i32
    %scan3A_380 = arith.constant 6 : i32
    %scan3A_381 = arith.addi %scan3A_379, %scan3A_380 : i32
    %scan3A_382 = arith.constant 1 : i32
    scf.for %scan3A_402 = %scan3A_379 to %scan3A_381 step %scan3A_382  : i32 {
      %mul3A_403 = arith.constant 3 : i32
      %mul3A_404 = arith.muli %scan3A_402, %mul3A_403 : i32
      %add3A_405 = arith.constant 0 : i32
      %add3A_406 = arith.addi %mul3A_404, %add3A_405 : i32
      %mul3A_407 = arith.constant 512 : i32
      %mul3A_408 = arith.muli %add3A_406, %mul3A_407 : i32
      %dma_wait3A_409 = arith.constant 0 : i32
      %dma_wait3A_410 = arith.constant 0 : i32
      %dma_wait3A_411 = arith.constant 0 : i32
      %dma_wait3A_412 = tpu.memref_slice %arg6[%dma_wait3A_409, %dma_wait3A_410, %dma_wait3A_411] : memref<3x512x64xf32, #tpu.memory_space<vmem>> -> memref<1x512x64xf32, #tpu.memory_space<vmem>>
      %dma_wait3A_413 = tpu.memref_squeeze %dma_wait3A_412 : memref<1x512x64xf32, #tpu.memory_space<vmem>> -> memref<512x64xf32, #tpu.memory_space<vmem>>
      %dma_wait3A_414 = tpu.memref_slice %arg5[%mul3A_408] : memref<9216xi32, #tpu.memory_space<vmem>> -> memref<512xi32, #tpu.memory_space<vmem>>
      %dma_wait3A_415 = arith.constant 0 : i32
      %dma_wait3A_416 = arith.constant 0 : i32
      %dma_wait3A_417 = tpu.memref_slice %arg3[%dma_wait3A_415, %dma_wait3A_416] : memref<100000x64xf32, #tpu.memory_space<hbm>> -> memref<100000x64xf32, #tpu.memory_space<hbm>>
      tpu.wait_indirect_dma semaphore(%arg7 : memref<!tpu.dma_semaphore, #tpu.memory_space<semaphore_mem>>) src(%dma_wait3A_417 : memref<100000x64xf32, #tpu.memory_space<hbm>>) dst(%dma_wait3A_413 : memref<512x64xf32, #tpu.memory_space<vmem>>)
      %mul3A_418 = arith.constant 512 : i32
      %mul3A_419 = arith.muli %add3A, %mul3A_418 : i32
      %dma_start3A_420 = arith.constant 0 : i32
      %dma_start3A_421 = arith.constant 0 : i32
      %dma_start3A_422 = arith.constant 0 : i32
      %dma_start3A_423 = tpu.memref_slice %arg6[%dma_start3A_420, %dma_start3A_421, %dma_start3A_422] : memref<3x512x64xf32, #tpu.memory_space<vmem>> -> memref<1x512x64xf32, #tpu.memory_space<vmem>>
      %dma_start3A_424 = tpu.memref_squeeze %dma_start3A_423 : memref<1x512x64xf32, #tpu.memory_space<vmem>> -> memref<512x64xf32, #tpu.memory_space<vmem>>
      %dma_start3A_425 = arith.constant 0 : i32
      %dma_start3A_426 = tpu.memref_slice %arg4[%add3A_406, %mul3A_419, %dma_start3A_425] : memref<18x16384x64xf32, #tpu.memory_space<hbm>> -> memref<1x512x64xf32, #tpu.memory_space<hbm>>
      %dma_start3A_427 = tpu.memref_squeeze %dma_start3A_426 : memref<1x512x64xf32, #tpu.memory_space<hbm>> -> memref<512x64xf32, #tpu.memory_space<hbm>>
      %dma_start3A_428 = arith.constant 0 : i32
      %dma_start3A_429 = tpu.memref_slice %arg4[%add3A_406, %mul3A_419, %dma_start3A_428] : memref<18x16384x64xf32, #tpu.memory_space<hbm>> -> memref<1x512x64xf32, #tpu.memory_space<hbm>>
      %dma_start3A_430 = tpu.memref_squeeze %dma_start3A_429 : memref<1x512x64xf32, #tpu.memory_space<hbm>> -> memref<512x64xf32, #tpu.memory_space<hbm>>
      %dma_start3A_431 = arith.constant 0 : i32
      %dma_start3A_432 = arith.constant 0 : i32
      %dma_start3A_433 = tpu.memref_slice %arg6[%dma_start3A_420, %dma_start3A_431, %dma_start3A_432] : memref<3x512x64xf32, #tpu.memory_space<vmem>> -> memref<1x512x64xf32, #tpu.memory_space<vmem>>
      %dma_start3A_434 = tpu.memref_squeeze %dma_start3A_433 : memref<1x512x64xf32, #tpu.memory_space<vmem>> -> memref<512x64xf32, #tpu.memory_space<vmem>>
      tpu.enqueue_dma source(%dma_start3A_434 : memref<512x64xf32, #tpu.memory_space<vmem>>) target(%dma_start3A_430 : memref<512x64xf32, #tpu.memory_space<hbm>>) target_semaphore(%arg8 : memref<!tpu.dma_semaphore, #tpu.memory_space<semaphore_mem>>)
      %ge3A = arith.constant 1 : i32
      %ge3A_435 = arith.cmpi sge, %add3A_406, %ge3A : i32
      %convert_element_type3A = arith.extui %ge3A_435 : i1 to i32
      %cond3A = arith.constant 0 : i32
      %cond3A_436 = arith.cmpi ne, %convert_element_type3A, %cond3A : i32
      scf.if %cond3A_436 {
        %sub3A = arith.constant 1 : i32
        %sub3A_527 = arith.subi %add3A_406, %sub3A : i32
        %mul3A_528 = arith.constant 512 : i32
        %mul3A_529 = arith.muli %add3A, %mul3A_528 : i32
        %dma_wait3A_530 = arith.constant 2 : i32
        %dma_wait3A_531 = arith.constant 0 : i32
        %dma_wait3A_532 = arith.constant 0 : i32
        %dma_wait3A_533 = tpu.memref_slice %arg6[%dma_wait3A_530, %dma_wait3A_531, %dma_wait3A_532] : memref<3x512x64xf32, #tpu.memory_space<vmem>> -> memref<1x512x64xf32, #tpu.memory_space<vmem>>
        %dma_wait3A_534 = tpu.memref_squeeze %dma_wait3A_533 : memref<1x512x64xf32, #tpu.memory_space<vmem>> -> memref<512x64xf32, #tpu.memory_space<vmem>>
        %dma_wait3A_535 = arith.constant 0 : i32
        %dma_wait3A_536 = tpu.memref_slice %arg4[%sub3A_527, %mul3A_529, %dma_wait3A_535] : memref<18x16384x64xf32, #tpu.memory_space<hbm>> -> memref<1x512x64xf32, #tpu.memory_space<hbm>>
        %dma_wait3A_537 = tpu.memref_squeeze %dma_wait3A_536 : memref<1x512x64xf32, #tpu.memory_space<hbm>> -> memref<512x64xf32, #tpu.memory_space<hbm>>
        %dma_wait3A_538 = arith.constant 0 : i32
        %dma_wait3A_539 = tpu.memref_slice %arg4[%sub3A_527, %mul3A_529, %dma_wait3A_538] : memref<18x16384x64xf32, #tpu.memory_space<hbm>> -> memref<1x512x64xf32, #tpu.memory_space<hbm>>
        %dma_wait3A_540 = tpu.memref_squeeze %dma_wait3A_539 : memref<1x512x64xf32, #tpu.memory_space<hbm>> -> memref<512x64xf32, #tpu.memory_space<hbm>>
        %dma_wait3A_541 = arith.constant 0 : i32
        %dma_wait3A_542 = arith.constant 0 : i32
        %dma_wait3A_543 = tpu.memref_slice %arg6[%dma_wait3A_530, %dma_wait3A_541, %dma_wait3A_542] : memref<3x512x64xf32, #tpu.memory_space<vmem>> -> memref<1x512x64xf32, #tpu.memory_space<vmem>>
        %dma_wait3A_544 = tpu.memref_squeeze %dma_wait3A_543 : memref<1x512x64xf32, #tpu.memory_space<vmem>> -> memref<512x64xf32, #tpu.memory_space<vmem>>
        tpu.wait_dma2 semaphore(%arg8 : memref<!tpu.dma_semaphore, #tpu.memory_space<semaphore_mem>>) src(%dma_wait3A_544 : memref<512x64xf32, #tpu.memory_space<vmem>>) dst(%dma_wait3A_540 : memref<512x64xf32, #tpu.memory_space<hbm>>)
      } else {
      }
      %add3A_437 = arith.constant 2 : i32
      %add3A_438 = arith.addi %add3A_406, %add3A_437 : i32
      %lt3A = arith.constant 18 : i32
      %lt3A_439 = arith.cmpi slt, %add3A_438, %lt3A : i32
      %convert_element_type3A_440 = arith.extui %lt3A_439 : i1 to i32
      %cond3A_441 = arith.constant 0 : i32
      %cond3A_442 = arith.cmpi ne, %convert_element_type3A_440, %cond3A_441 : i32
      scf.if %cond3A_442 {
        %add3A_527 = arith.constant 2 : i32
        %add3A_528 = arith.addi %add3A_406, %add3A_527 : i32
        %mul3A_529 = arith.constant 512 : i32
        %mul3A_530 = arith.muli %add3A_528, %mul3A_529 : i32
        %dma_start3A_531 = arith.constant 2 : i32
        %dma_start3A_532 = arith.constant 0 : i32
        %dma_start3A_533 = arith.constant 0 : i32
        %dma_start3A_534 = tpu.memref_slice %arg6[%dma_start3A_531, %dma_start3A_532, %dma_start3A_533] : memref<3x512x64xf32, #tpu.memory_space<vmem>> -> memref<1x512x64xf32, #tpu.memory_space<vmem>>
        %dma_start3A_535 = tpu.memref_squeeze %dma_start3A_534 : memref<1x512x64xf32, #tpu.memory_space<vmem>> -> memref<512x64xf32, #tpu.memory_space<vmem>>
        %dma_start3A_536 = tpu.memref_slice %arg5[%mul3A_530] : memref<9216xi32, #tpu.memory_space<vmem>> -> memref<512xi32, #tpu.memory_space<vmem>>
        %dma_start3A_537 = arith.constant 0 : i32
        %dma_start3A_538 = arith.constant 0 : i32
        %dma_start3A_539 = tpu.memref_slice %arg3[%dma_start3A_537, %dma_start3A_538] : memref<100000x64xf32, #tpu.memory_space<hbm>> -> memref<100000x64xf32, #tpu.memory_space<hbm>>
        tpu.enqueue_indirect_dma source(%dma_start3A_539 : memref<100000x64xf32, #tpu.memory_space<hbm>>) target(%dma_start3A_535 : memref<512x64xf32, #tpu.memory_space<vmem>>) offsets(%dma_start3A_536 : memref<512xi32, #tpu.memory_space<vmem>>) semaphore(%arg7 : memref<!tpu.dma_semaphore, #tpu.memory_space<semaphore_mem>>)
      } else {
      }
      %add3A_443 = arith.constant 1 : i32
      %add3A_444 = arith.addi %mul3A_404, %add3A_443 : i32
      %mul3A_445 = arith.constant 512 : i32
      %mul3A_446 = arith.muli %add3A_444, %mul3A_445 : i32
      %dma_wait3A_447 = arith.constant 1 : i32
      %dma_wait3A_448 = arith.constant 0 : i32
      %dma_wait3A_449 = arith.constant 0 : i32
      %dma_wait3A_450 = tpu.memref_slice %arg6[%dma_wait3A_447, %dma_wait3A_448, %dma_wait3A_449] : memref<3x512x64xf32, #tpu.memory_space<vmem>> -> memref<1x512x64xf32, #tpu.memory_space<vmem>>
      %dma_wait3A_451 = tpu.memref_squeeze %dma_wait3A_450 : memref<1x512x64xf32, #tpu.memory_space<vmem>> -> memref<512x64xf32, #tpu.memory_space<vmem>>
      %dma_wait3A_452 = tpu.memref_slice %arg5[%mul3A_446] : memref<9216xi32, #tpu.memory_space<vmem>> -> memref<512xi32, #tpu.memory_space<vmem>>
      %dma_wait3A_453 = arith.constant 0 : i32
      %dma_wait3A_454 = arith.constant 0 : i32
      %dma_wait3A_455 = tpu.memref_slice %arg3[%dma_wait3A_453, %dma_wait3A_454] : memref<100000x64xf32, #tpu.memory_space<hbm>> -> memref<100000x64xf32, #tpu.memory_space<hbm>>
      tpu.wait_indirect_dma semaphore(%arg7 : memref<!tpu.dma_semaphore, #tpu.memory_space<semaphore_mem>>) src(%dma_wait3A_455 : memref<100000x64xf32, #tpu.memory_space<hbm>>) dst(%dma_wait3A_451 : memref<512x64xf32, #tpu.memory_space<vmem>>)
      %mul3A_456 = arith.constant 512 : i32
      %mul3A_457 = arith.muli %add3A, %mul3A_456 : i32
      %dma_start3A_458 = arith.constant 1 : i32
      %dma_start3A_459 = arith.constant 0 : i32
      %dma_start3A_460 = arith.constant 0 : i32
      %dma_start3A_461 = tpu.memref_slice %arg6[%dma_start3A_458, %dma_start3A_459, %dma_start3A_460] : memref<3x512x64xf32, #tpu.memory_space<vmem>> -> memref<1x512x64xf32, #tpu.memory_space<vmem>>
      %dma_start3A_462 = tpu.memref_squeeze %dma_start3A_461 : memref<1x512x64xf32, #tpu.memory_space<vmem>> -> memref<512x64xf32, #tpu.memory_space<vmem>>
      %dma_start3A_463 = arith.constant 0 : i32
      %dma_start3A_464 = tpu.memref_slice %arg4[%add3A_444, %mul3A_457, %dma_start3A_463] : memref<18x16384x64xf32, #tpu.memory_space<hbm>> -> memref<1x512x64xf32, #tpu.memory_space<hbm>>
      %dma_start3A_465 = tpu.memref_squeeze %dma_start3A_464 : memref<1x512x64xf32, #tpu.memory_space<hbm>> -> memref<512x64xf32, #tpu.memory_space<hbm>>
      %dma_start3A_466 = arith.constant 0 : i32
      %dma_start3A_467 = tpu.memref_slice %arg4[%add3A_444, %mul3A_457, %dma_start3A_466] : memref<18x16384x64xf32, #tpu.memory_space<hbm>> -> memref<1x512x64xf32, #tpu.memory_space<hbm>>
      %dma_start3A_468 = tpu.memref_squeeze %dma_start3A_467 : memref<1x512x64xf32, #tpu.memory_space<hbm>> -> memref<512x64xf32, #tpu.memory_space<hbm>>
      %dma_start3A_469 = arith.constant 0 : i32
      %dma_start3A_470 = arith.constant 0 : i32
      %dma_start3A_471 = tpu.memref_slice %arg6[%dma_start3A_458, %dma_start3A_469, %dma_start3A_470] : memref<3x512x64xf32, #tpu.memory_space<vmem>> -> memref<1x512x64xf32, #tpu.memory_space<vmem>>
      %dma_start3A_472 = tpu.memref_squeeze %dma_start3A_471 : memref<1x512x64xf32, #tpu.memory_space<vmem>> -> memref<512x64xf32, #tpu.memory_space<vmem>>
      tpu.enqueue_dma source(%dma_start3A_472 : memref<512x64xf32, #tpu.memory_space<vmem>>) target(%dma_start3A_468 : memref<512x64xf32, #tpu.memory_space<hbm>>) target_semaphore(%arg8 : memref<!tpu.dma_semaphore, #tpu.memory_space<semaphore_mem>>)
      %ge3A_473 = arith.constant 1 : i32
      %ge3A_474 = arith.cmpi sge, %add3A_444, %ge3A_473 : i32
      %convert_element_type3A_475 = arith.extui %ge3A_474 : i1 to i32
      %cond3A_476 = arith.constant 0 : i32
      %cond3A_477 = arith.cmpi ne, %convert_element_type3A_475, %cond3A_476 : i32
      scf.if %cond3A_477 {
        %sub3A = arith.constant 1 : i32
        %sub3A_527 = arith.subi %add3A_444, %sub3A : i32
        %mul3A_528 = arith.constant 512 : i32
        %mul3A_529 = arith.muli %add3A, %mul3A_528 : i32
        %dma_wait3A_530 = arith.constant 0 : i32
        %dma_wait3A_531 = arith.constant 0 : i32
        %dma_wait3A_532 = arith.constant 0 : i32
        %dma_wait3A_533 = tpu.memref_slice %arg6[%dma_wait3A_530, %dma_wait3A_531, %dma_wait3A_532] : memref<3x512x64xf32, #tpu.memory_space<vmem>> -> memref<1x512x64xf32, #tpu.memory_space<vmem>>
        %dma_wait3A_534 = tpu.memref_squeeze %dma_wait3A_533 : memref<1x512x64xf32, #tpu.memory_space<vmem>> -> memref<512x64xf32, #tpu.memory_space<vmem>>
        %dma_wait3A_535 = arith.constant 0 : i32
        %dma_wait3A_536 = tpu.memref_slice %arg4[%sub3A_527, %mul3A_529, %dma_wait3A_535] : memref<18x16384x64xf32, #tpu.memory_space<hbm>> -> memref<1x512x64xf32, #tpu.memory_space<hbm>>
        %dma_wait3A_537 = tpu.memref_squeeze %dma_wait3A_536 : memref<1x512x64xf32, #tpu.memory_space<hbm>> -> memref<512x64xf32, #tpu.memory_space<hbm>>
        %dma_wait3A_538 = arith.constant 0 : i32
        %dma_wait3A_539 = tpu.memref_slice %arg4[%sub3A_527, %mul3A_529, %dma_wait3A_538] : memref<18x16384x64xf32, #tpu.memory_space<hbm>> -> memref<1x512x64xf32, #tpu.memory_space<hbm>>
        %dma_wait3A_540 = tpu.memref_squeeze %dma_wait3A_539 : memref<1x512x64xf32, #tpu.memory_space<hbm>> -> memref<512x64xf32, #tpu.memory_space<hbm>>
        %dma_wait3A_541 = arith.constant 0 : i32
        %dma_wait3A_542 = arith.constant 0 : i32
        %dma_wait3A_543 = tpu.memref_slice %arg6[%dma_wait3A_530, %dma_wait3A_541, %dma_wait3A_542] : memref<3x512x64xf32, #tpu.memory_space<vmem>> -> memref<1x512x64xf32, #tpu.memory_space<vmem>>
        %dma_wait3A_544 = tpu.memref_squeeze %dma_wait3A_543 : memref<1x512x64xf32, #tpu.memory_space<vmem>> -> memref<512x64xf32, #tpu.memory_space<vmem>>
        tpu.wait_dma2 semaphore(%arg8 : memref<!tpu.dma_semaphore, #tpu.memory_space<semaphore_mem>>) src(%dma_wait3A_544 : memref<512x64xf32, #tpu.memory_space<vmem>>) dst(%dma_wait3A_540 : memref<512x64xf32, #tpu.memory_space<hbm>>)
      } else {
      }
      %add3A_478 = arith.constant 2 : i32
      %add3A_479 = arith.addi %add3A_444, %add3A_478 : i32
      %lt3A_480 = arith.constant 18 : i32
      %lt3A_481 = arith.cmpi slt, %add3A_479, %lt3A_480 : i32
      %convert_element_type3A_482 = arith.extui %lt3A_481 : i1 to i32
      %cond3A_483 = arith.constant 0 : i32
      %cond3A_484 = arith.cmpi ne, %convert_element_type3A_482, %cond3A_483 : i32
      scf.if %cond3A_484 {
        %add3A_527 = arith.constant 2 : i32
        %add3A_528 = arith.addi %add3A_444, %add3A_527 : i32
        %mul3A_529 = arith.constant 512 : i32
        %mul3A_530 = arith.muli %add3A_528, %mul3A_529 : i32
        %dma_start3A_531 = arith.constant 0 : i32
        %dma_start3A_532 = arith.constant 0 : i32
        %dma_start3A_533 = arith.constant 0 : i32
        %dma_start3A_534 = tpu.memref_slice %arg6[%dma_start3A_531, %dma_start3A_532, %dma_start3A_533] : memref<3x512x64xf32, #tpu.memory_space<vmem>> -> memref<1x512x64xf32, #tpu.memory_space<vmem>>
        %dma_start3A_535 = tpu.memref_squeeze %dma_start3A_534 : memref<1x512x64xf32, #tpu.memory_space<vmem>> -> memref<512x64xf32, #tpu.memory_space<vmem>>
        %dma_start3A_536 = tpu.memref_slice %arg5[%mul3A_530] : memref<9216xi32, #tpu.memory_space<vmem>> -> memref<512xi32, #tpu.memory_space<vmem>>
        %dma_start3A_537 = arith.constant 0 : i32
        %dma_start3A_538 = arith.constant 0 : i32
        %dma_start3A_539 = tpu.memref_slice %arg3[%dma_start3A_537, %dma_start3A_538] : memref<100000x64xf32, #tpu.memory_space<hbm>> -> memref<100000x64xf32, #tpu.memory_space<hbm>>
        tpu.enqueue_indirect_dma source(%dma_start3A_539 : memref<100000x64xf32, #tpu.memory_space<hbm>>) target(%dma_start3A_535 : memref<512x64xf32, #tpu.memory_space<vmem>>) offsets(%dma_start3A_536 : memref<512xi32, #tpu.memory_space<vmem>>) semaphore(%arg7 : memref<!tpu.dma_semaphore, #tpu.memory_space<semaphore_mem>>)
      } else {
      }
      %add3A_485 = arith.constant 2 : i32
      %add3A_486 = arith.addi %mul3A_404, %add3A_485 : i32
      %mul3A_487 = arith.constant 512 : i32
      %mul3A_488 = arith.muli %add3A_486, %mul3A_487 : i32
      %dma_wait3A_489 = arith.constant 2 : i32
      %dma_wait3A_490 = arith.constant 0 : i32
      %dma_wait3A_491 = arith.constant 0 : i32
      %dma_wait3A_492 = tpu.memref_slice %arg6[%dma_wait3A_489, %dma_wait3A_490, %dma_wait3A_491] : memref<3x512x64xf32, #tpu.memory_space<vmem>> -> memref<1x512x64xf32, #tpu.memory_space<vmem>>
      %dma_wait3A_493 = tpu.memref_squeeze %dma_wait3A_492 : memref<1x512x64xf32, #tpu.memory_space<vmem>> -> memref<512x64xf32, #tpu.memory_space<vmem>>
      %dma_wait3A_494 = tpu.memref_slice %arg5[%mul3A_488] : memref<9216xi32, #tpu.memory_space<vmem>> -> memref<512xi32, #tpu.memory_space<vmem>>
      %dma_wait3A_495 = arith.constant 0 : i32
      %dma_wait3A_496 = arith.constant 0 : i32
      %dma_wait3A_497 = tpu.memref_slice %arg3[%dma_wait3A_495, %dma_wait3A_496] : memref<100000x64xf32, #tpu.memory_space<hbm>> -> memref<100000x64xf32, #tpu.memory_space<hbm>>
      tpu.wait_indirect_dma semaphore(%arg7 : memref<!tpu.dma_semaphore, #tpu.memory_space<semaphore_mem>>) src(%dma_wait3A_497 : memref<100000x64xf32, #tpu.memory_space<hbm>>) dst(%dma_wait3A_493 : memref<512x64xf32, #tpu.memory_space<vmem>>)
      %mul3A_498 = arith.constant 512 : i32
      %mul3A_499 = arith.muli %add3A, %mul3A_498 : i32
      %dma_start3A_500 = arith.constant 2 : i32
      %dma_start3A_501 = arith.constant 0 : i32
      %dma_start3A_502 = arith.constant 0 : i32
      %dma_start3A_503 = tpu.memref_slice %arg6[%dma_start3A_500, %dma_start3A_501, %dma_start3A_502] : memref<3x512x64xf32, #tpu.memory_space<vmem>> -> memref<1x512x64xf32, #tpu.memory_space<vmem>>
      %dma_start3A_504 = tpu.memref_squeeze %dma_start3A_503 : memref<1x512x64xf32, #tpu.memory_space<vmem>> -> memref<512x64xf32, #tpu.memory_space<vmem>>
      %dma_start3A_505 = arith.constant 0 : i32
      %dma_start3A_506 = tpu.memref_slice %arg4[%add3A_486, %mul3A_499, %dma_start3A_505] : memref<18x16384x64xf32, #tpu.memory_space<hbm>> -> memref<1x512x64xf32, #tpu.memory_space<hbm>>
      %dma_start3A_507 = tpu.memref_squeeze %dma_start3A_506 : memref<1x512x64xf32, #tpu.memory_space<hbm>> -> memref<512x64xf32, #tpu.memory_space<hbm>>
      %dma_start3A_508 = arith.constant 0 : i32
      %dma_start3A_509 = tpu.memref_slice %arg4[%add3A_486, %mul3A_499, %dma_start3A_508] : memref<18x16384x64xf32, #tpu.memory_space<hbm>> -> memref<1x512x64xf32, #tpu.memory_space<hbm>>
      %dma_start3A_510 = tpu.memref_squeeze %dma_start3A_509 : memref<1x512x64xf32, #tpu.memory_space<hbm>> -> memref<512x64xf32, #tpu.memory_space<hbm>>
      %dma_start3A_511 = arith.constant 0 : i32
      %dma_start3A_512 = arith.constant 0 : i32
      %dma_start3A_513 = tpu.memref_slice %arg6[%dma_start3A_500, %dma_start3A_511, %dma_start3A_512] : memref<3x512x64xf32, #tpu.memory_space<vmem>> -> memref<1x512x64xf32, #tpu.memory_space<vmem>>
      %dma_start3A_514 = tpu.memref_squeeze %dma_start3A_513 : memref<1x512x64xf32, #tpu.memory_space<vmem>> -> memref<512x64xf32, #tpu.memory_space<vmem>>
      tpu.enqueue_dma source(%dma_start3A_514 : memref<512x64xf32, #tpu.memory_space<vmem>>) target(%dma_start3A_510 : memref<512x64xf32, #tpu.memory_space<hbm>>) target_semaphore(%arg8 : memref<!tpu.dma_semaphore, #tpu.memory_space<semaphore_mem>>)
      %ge3A_515 = arith.constant 1 : i32
      %ge3A_516 = arith.cmpi sge, %add3A_486, %ge3A_515 : i32
      %convert_element_type3A_517 = arith.extui %ge3A_516 : i1 to i32
      %cond3A_518 = arith.constant 0 : i32
      %cond3A_519 = arith.cmpi ne, %convert_element_type3A_517, %cond3A_518 : i32
      scf.if %cond3A_519 {
        %sub3A = arith.constant 1 : i32
        %sub3A_527 = arith.subi %add3A_486, %sub3A : i32
        %mul3A_528 = arith.constant 512 : i32
        %mul3A_529 = arith.muli %add3A, %mul3A_528 : i32
        %dma_wait3A_530 = arith.constant 1 : i32
        %dma_wait3A_531 = arith.constant 0 : i32
        %dma_wait3A_532 = arith.constant 0 : i32
        %dma_wait3A_533 = tpu.memref_slice %arg6[%dma_wait3A_530, %dma_wait3A_531, %dma_wait3A_532] : memref<3x512x64xf32, #tpu.memory_space<vmem>> -> memref<1x512x64xf32, #tpu.memory_space<vmem>>
        %dma_wait3A_534 = tpu.memref_squeeze %dma_wait3A_533 : memref<1x512x64xf32, #tpu.memory_space<vmem>> -> memref<512x64xf32, #tpu.memory_space<vmem>>
        %dma_wait3A_535 = arith.constant 0 : i32
        %dma_wait3A_536 = tpu.memref_slice %arg4[%sub3A_527, %mul3A_529, %dma_wait3A_535] : memref<18x16384x64xf32, #tpu.memory_space<hbm>> -> memref<1x512x64xf32, #tpu.memory_space<hbm>>
        %dma_wait3A_537 = tpu.memref_squeeze %dma_wait3A_536 : memref<1x512x64xf32, #tpu.memory_space<hbm>> -> memref<512x64xf32, #tpu.memory_space<hbm>>
        %dma_wait3A_538 = arith.constant 0 : i32
        %dma_wait3A_539 = tpu.memref_slice %arg4[%sub3A_527, %mul3A_529, %dma_wait3A_538] : memref<18x16384x64xf32, #tpu.memory_space<hbm>> -> memref<1x512x64xf32, #tpu.memory_space<hbm>>
        %dma_wait3A_540 = tpu.memref_squeeze %dma_wait3A_539 : memref<1x512x64xf32, #tpu.memory_space<hbm>> -> memref<512x64xf32, #tpu.memory_space<hbm>>
        %dma_wait3A_541 = arith.constant 0 : i32
        %dma_wait3A_542 = arith.constant 0 : i32
        %dma_wait3A_543 = tpu.memref_slice %arg6[%dma_wait3A_530, %dma_wait3A_541, %dma_wait3A_542] : memref<3x512x64xf32, #tpu.memory_space<vmem>> -> memref<1x512x64xf32, #tpu.memory_space<vmem>>
        %dma_wait3A_544 = tpu.memref_squeeze %dma_wait3A_543 : memref<1x512x64xf32, #tpu.memory_space<vmem>> -> memref<512x64xf32, #tpu.memory_space<vmem>>
        tpu.wait_dma2 semaphore(%arg8 : memref<!tpu.dma_semaphore, #tpu.memory_space<semaphore_mem>>) src(%dma_wait3A_544 : memref<512x64xf32, #tpu.memory_space<vmem>>) dst(%dma_wait3A_540 : memref<512x64xf32, #tpu.memory_space<hbm>>)
      } else {
      }
      %add3A_520 = arith.constant 2 : i32
      %add3A_521 = arith.addi %add3A_486, %add3A_520 : i32
      %lt3A_522 = arith.constant 18 : i32
      %lt3A_523 = arith.cmpi slt, %add3A_521, %lt3A_522 : i32
      %convert_element_type3A_524 = arith.extui %lt3A_523 : i1 to i32
      %cond3A_525 = arith.constant 0 : i32
      %cond3A_526 = arith.cmpi ne, %convert_element_type3A_524, %cond3A_525 : i32
      scf.if %cond3A_526 {
        %add3A_527 = arith.constant 2 : i32
        %add3A_528 = arith.addi %add3A_486, %add3A_527 : i32
        %mul3A_529 = arith.constant 512 : i32
        %mul3A_530 = arith.muli %add3A_528, %mul3A_529 : i32
        %dma_start3A_531 = arith.constant 1 : i32
        %dma_start3A_532 = arith.constant 0 : i32
        %dma_start3A_533 = arith.constant 0 : i32
        %dma_start3A_534 = tpu.memref_slice %arg6[%dma_start3A_531, %dma_start3A_532, %dma_start3A_533] : memref<3x512x64xf32, #tpu.memory_space<vmem>> -> memref<1x512x64xf32, #tpu.memory_space<vmem>>
        %dma_start3A_535 = tpu.memref_squeeze %dma_start3A_534 : memref<1x512x64xf32, #tpu.memory_space<vmem>> -> memref<512x64xf32, #tpu.memory_space<vmem>>
        %dma_start3A_536 = tpu.memref_slice %arg5[%mul3A_530] : memref<9216xi32, #tpu.memory_space<vmem>> -> memref<512xi32, #tpu.memory_space<vmem>>
        %dma_start3A_537 = arith.constant 0 : i32
        %dma_start3A_538 = arith.constant 0 : i32
        %dma_start3A_539 = tpu.memref_slice %arg3[%dma_start3A_537, %dma_start3A_538] : memref<100000x64xf32, #tpu.memory_space<hbm>> -> memref<100000x64xf32, #tpu.memory_space<hbm>>
        tpu.enqueue_indirect_dma source(%dma_start3A_539 : memref<100000x64xf32, #tpu.memory_space<hbm>>) target(%dma_start3A_535 : memref<512x64xf32, #tpu.memory_space<vmem>>) offsets(%dma_start3A_536 : memref<512xi32, #tpu.memory_space<vmem>>) semaphore(%arg7 : memref<!tpu.dma_semaphore, #tpu.memory_space<semaphore_mem>>)
      } else {
      }
    }
    %scan3A_383 = arith.constant 6 : i32
    %mul3A_384 = arith.constant 512 : i32
    %mul3A_385 = arith.muli %add3A, %mul3A_384 : i32
    %dma_wait3A_386 = arith.constant 2 : i32
    %dma_wait3A_387 = arith.constant 17 : i32
    %dma_wait3A_388 = arith.constant 0 : i32
    %dma_wait3A_389 = arith.constant 0 : i32
    %dma_wait3A_390 = tpu.memref_slice %arg6[%dma_wait3A_386, %dma_wait3A_388, %dma_wait3A_389] : memref<3x512x64xf32, #tpu.memory_space<vmem>> -> memref<1x512x64xf32, #tpu.memory_space<vmem>>
    %dma_wait3A_391 = tpu.memref_squeeze %dma_wait3A_390 : memref<1x512x64xf32, #tpu.memory_space<vmem>> -> memref<512x64xf32, #tpu.memory_space<vmem>>
    %dma_wait3A_392 = arith.constant 0 : i32
    %dma_wait3A_393 = tpu.memref_slice %arg4[%dma_wait3A_387, %mul3A_385, %dma_wait3A_392] : memref<18x16384x64xf32, #tpu.memory_space<hbm>> -> memref<1x512x64xf32, #tpu.memory_space<hbm>>
    %dma_wait3A_394 = tpu.memref_squeeze %dma_wait3A_393 : memref<1x512x64xf32, #tpu.memory_space<hbm>> -> memref<512x64xf32, #tpu.memory_space<hbm>>
    %dma_wait3A_395 = arith.constant 0 : i32
    %dma_wait3A_396 = tpu.memref_slice %arg4[%dma_wait3A_387, %mul3A_385, %dma_wait3A_395] : memref<18x16384x64xf32, #tpu.memory_space<hbm>> -> memref<1x512x64xf32, #tpu.memory_space<hbm>>
    %dma_wait3A_397 = tpu.memref_squeeze %dma_wait3A_396 : memref<1x512x64xf32, #tpu.memory_space<hbm>> -> memref<512x64xf32, #tpu.memory_space<hbm>>
    %dma_wait3A_398 = arith.constant 0 : i32
    %dma_wait3A_399 = arith.constant 0 : i32
    %dma_wait3A_400 = tpu.memref_slice %arg6[%dma_wait3A_386, %dma_wait3A_398, %dma_wait3A_399] : memref<3x512x64xf32, #tpu.memory_space<vmem>> -> memref<1x512x64xf32, #tpu.memory_space<vmem>>
    %dma_wait3A_401 = tpu.memref_squeeze %dma_wait3A_400 : memref<1x512x64xf32, #tpu.memory_space<vmem>> -> memref<512x64xf32, #tpu.memory_space<vmem>>
    tpu.wait_dma2 semaphore(%arg8 : memref<!tpu.dma_semaphore, #tpu.memory_space<semaphore_mem>>) src(%dma_wait3A_401 : memref<512x64xf32, #tpu.memory_space<vmem>>) dst(%dma_wait3A_397 : memref<512x64xf32, #tpu.memory_space<hbm>>)
    return
  }
}

module attributes {stable_mosaic.version = 14 : i64} {
  func.func @body(%arg0: i32, %arg1: memref<18x512x128xf32, #tpu.memory_space<vmem>>, %arg2: memref<1024x18xi32, #tpu.memory_space<vmem>>, %arg3: memref<1024x12xi32, #tpu.memory_space<vmem>>, %arg4: memref<2304x512xbf16, #tpu.memory_space<vmem>>, %arg5: memref<1152x256xbf16, #tpu.memory_space<vmem>>, %arg6: memref<768x256xbf16, #tpu.memory_space<vmem>>, %arg7: memref<1x256xf32, #tpu.memory_space<vmem>>, %arg8: memref<256x75xbf16, #tpu.memory_space<vmem>>, %arg9: memref<1x75xf32, #tpu.memory_space<vmem>>, %arg10: memref<1024x75xf32, #tpu.memory_space<vmem>>) attributes {dimension_semantics = [#tpu.dimension_semantics<arbitrary>], iteration_bounds = array<i64: 16>, scalar_prefetch = 0 : i64, scratch_operands = 0 : i64, tpu.core_type = #tpu.core_type<tc>, window_params = [{transform_indices = @transform_0, window_bounds = array<i64: 18, 512, 128>}, {transform_indices = @transform_1, window_bounds = array<i64: 1024, 18>}, {transform_indices = @transform_2, window_bounds = array<i64: 1024, 12>}, {pipeline_mode = #tpu.pipeline_mode<synchronous>, transform_indices = @transform_3, window_bounds = array<i64: 2304, 512>}, {pipeline_mode = #tpu.pipeline_mode<synchronous>, transform_indices = @transform_4, window_bounds = array<i64: 1152, 256>}, {pipeline_mode = #tpu.pipeline_mode<synchronous>, transform_indices = @transform_5, window_bounds = array<i64: 768, 256>}, {pipeline_mode = #tpu.pipeline_mode<synchronous>, transform_indices = @transform_6, window_bounds = array<i64: 1, 256>}, {pipeline_mode = #tpu.pipeline_mode<synchronous>, transform_indices = @transform_7, window_bounds = array<i64: 256, 75>}, {pipeline_mode = #tpu.pipeline_mode<synchronous>, transform_indices = @transform_8, window_bounds = array<i64: 1, 75>}, {transform_indices = @transform_9, window_bounds = array<i64: 1024, 75>}]} {
    %get3A = arith.constant 0 : index
    %get3A_0 = arith.constant 0 : index
    %get3A_1 = arith.constant 0 : index
    %get3A_2 = vector.load %arg1[%get3A, %get3A_0, %get3A_1] : memref<18x512x128xf32, #tpu.memory_space<vmem>>, vector<18x512x128xf32>
    %convert_element_type3A = arith.truncf %get3A_2 : vector<18x512x128xf32> to vector<18x512x128xbf16>
    %get3A_3 = arith.constant 0 : index
    %get3A_4 = arith.constant 0 : index
    %get3A_5 = vector.load %arg4[%get3A_3, %get3A_4] : memref<2304x512xbf16, #tpu.memory_space<vmem>>, vector<2304x512xbf16>
    %slice3A = vector.extract_strided_slice %convert_element_type3A {offsets = [0, 0, 0], sizes = [1, 512, 128], strides = [1, 1, 1]} : vector<18x512x128xbf16> to vector<1x512x128xbf16>
    %squeeze3A = vector.shape_cast %slice3A : vector<1x512x128xbf16> to vector<512x128xbf16>
    %slice3A_6 = vector.extract_strided_slice %get3A_5 {offsets = [0, 0], sizes = [128, 512], strides = [1, 1]} : vector<2304x512xbf16> to vector<128x512xbf16>
    %dot_general3A = arith.constant dense<0.000000e+00> : vector<512x512xf32>
    %dot_general3A_7 = tpu.matmul %squeeze3A, %slice3A_6, %dot_general3A {dimension_numbers = #tpu.dot_dimension_numbers<[1], [0], [0], [1], [0, 0, 1, 1], [], []>, transpose_lhs_hint = false} : vector<512x128xbf16>, vector<128x512xbf16>, vector<512x512xf32> -> vector<512x512xf32>
    %slice3A_8 = vector.extract_strided_slice %convert_element_type3A {offsets = [1, 0, 0], sizes = [1, 512, 128], strides = [1, 1, 1]} : vector<18x512x128xbf16> to vector<1x512x128xbf16>
    %squeeze3A_9 = vector.shape_cast %slice3A_8 : vector<1x512x128xbf16> to vector<512x128xbf16>
    %slice3A_10 = vector.extract_strided_slice %get3A_5 {offsets = [128, 0], sizes = [128, 512], strides = [1, 1]} : vector<2304x512xbf16> to vector<128x512xbf16>
    %dot_general3A_11 = arith.constant dense<0.000000e+00> : vector<512x512xf32>
    %dot_general3A_12 = tpu.matmul %squeeze3A_9, %slice3A_10, %dot_general3A_11 {dimension_numbers = #tpu.dot_dimension_numbers<[1], [0], [0], [1], [0, 0, 1, 1], [], []>, transpose_lhs_hint = false} : vector<512x128xbf16>, vector<128x512xbf16>, vector<512x512xf32> -> vector<512x512xf32>
    %add3A = arith.addf %dot_general3A_7, %dot_general3A_12 : vector<512x512xf32>
    %slice3A_13 = vector.extract_strided_slice %convert_element_type3A {offsets = [2, 0, 0], sizes = [1, 512, 128], strides = [1, 1, 1]} : vector<18x512x128xbf16> to vector<1x512x128xbf16>
    %squeeze3A_14 = vector.shape_cast %slice3A_13 : vector<1x512x128xbf16> to vector<512x128xbf16>
    %slice3A_15 = vector.extract_strided_slice %get3A_5 {offsets = [256, 0], sizes = [128, 512], strides = [1, 1]} : vector<2304x512xbf16> to vector<128x512xbf16>
    %dot_general3A_16 = arith.constant dense<0.000000e+00> : vector<512x512xf32>
    %dot_general3A_17 = tpu.matmul %squeeze3A_14, %slice3A_15, %dot_general3A_16 {dimension_numbers = #tpu.dot_dimension_numbers<[1], [0], [0], [1], [0, 0, 1, 1], [], []>, transpose_lhs_hint = false} : vector<512x128xbf16>, vector<128x512xbf16>, vector<512x512xf32> -> vector<512x512xf32>
    %add3A_18 = arith.addf %add3A, %dot_general3A_17 : vector<512x512xf32>
    %slice3A_19 = vector.extract_strided_slice %convert_element_type3A {offsets = [3, 0, 0], sizes = [1, 512, 128], strides = [1, 1, 1]} : vector<18x512x128xbf16> to vector<1x512x128xbf16>
    %squeeze3A_20 = vector.shape_cast %slice3A_19 : vector<1x512x128xbf16> to vector<512x128xbf16>
    %slice3A_21 = vector.extract_strided_slice %get3A_5 {offsets = [384, 0], sizes = [128, 512], strides = [1, 1]} : vector<2304x512xbf16> to vector<128x512xbf16>
    %dot_general3A_22 = arith.constant dense<0.000000e+00> : vector<512x512xf32>
    %dot_general3A_23 = tpu.matmul %squeeze3A_20, %slice3A_21, %dot_general3A_22 {dimension_numbers = #tpu.dot_dimension_numbers<[1], [0], [0], [1], [0, 0, 1, 1], [], []>, transpose_lhs_hint = false} : vector<512x128xbf16>, vector<128x512xbf16>, vector<512x512xf32> -> vector<512x512xf32>
    %add3A_24 = arith.addf %add3A_18, %dot_general3A_23 : vector<512x512xf32>
    %slice3A_25 = vector.extract_strided_slice %convert_element_type3A {offsets = [4, 0, 0], sizes = [1, 512, 128], strides = [1, 1, 1]} : vector<18x512x128xbf16> to vector<1x512x128xbf16>
    %squeeze3A_26 = vector.shape_cast %slice3A_25 : vector<1x512x128xbf16> to vector<512x128xbf16>
    %slice3A_27 = vector.extract_strided_slice %get3A_5 {offsets = [512, 0], sizes = [128, 512], strides = [1, 1]} : vector<2304x512xbf16> to vector<128x512xbf16>
    %dot_general3A_28 = arith.constant dense<0.000000e+00> : vector<512x512xf32>
    %dot_general3A_29 = tpu.matmul %squeeze3A_26, %slice3A_27, %dot_general3A_28 {dimension_numbers = #tpu.dot_dimension_numbers<[1], [0], [0], [1], [0, 0, 1, 1], [], []>, transpose_lhs_hint = false} : vector<512x128xbf16>, vector<128x512xbf16>, vector<512x512xf32> -> vector<512x512xf32>
    %add3A_30 = arith.addf %add3A_24, %dot_general3A_29 : vector<512x512xf32>
    %slice3A_31 = vector.extract_strided_slice %convert_element_type3A {offsets = [5, 0, 0], sizes = [1, 512, 128], strides = [1, 1, 1]} : vector<18x512x128xbf16> to vector<1x512x128xbf16>
    %squeeze3A_32 = vector.shape_cast %slice3A_31 : vector<1x512x128xbf16> to vector<512x128xbf16>
    %slice3A_33 = vector.extract_strided_slice %get3A_5 {offsets = [640, 0], sizes = [128, 512], strides = [1, 1]} : vector<2304x512xbf16> to vector<128x512xbf16>
    %dot_general3A_34 = arith.constant dense<0.000000e+00> : vector<512x512xf32>
    %dot_general3A_35 = tpu.matmul %squeeze3A_32, %slice3A_33, %dot_general3A_34 {dimension_numbers = #tpu.dot_dimension_numbers<[1], [0], [0], [1], [0, 0, 1, 1], [], []>, transpose_lhs_hint = false} : vector<512x128xbf16>, vector<128x512xbf16>, vector<512x512xf32> -> vector<512x512xf32>
    %add3A_36 = arith.addf %add3A_30, %dot_general3A_35 : vector<512x512xf32>
    %slice3A_37 = vector.extract_strided_slice %convert_element_type3A {offsets = [6, 0, 0], sizes = [1, 512, 128], strides = [1, 1, 1]} : vector<18x512x128xbf16> to vector<1x512x128xbf16>
    %squeeze3A_38 = vector.shape_cast %slice3A_37 : vector<1x512x128xbf16> to vector<512x128xbf16>
    %slice3A_39 = vector.extract_strided_slice %get3A_5 {offsets = [768, 0], sizes = [128, 512], strides = [1, 1]} : vector<2304x512xbf16> to vector<128x512xbf16>
    %dot_general3A_40 = arith.constant dense<0.000000e+00> : vector<512x512xf32>
    %dot_general3A_41 = tpu.matmul %squeeze3A_38, %slice3A_39, %dot_general3A_40 {dimension_numbers = #tpu.dot_dimension_numbers<[1], [0], [0], [1], [0, 0, 1, 1], [], []>, transpose_lhs_hint = false} : vector<512x128xbf16>, vector<128x512xbf16>, vector<512x512xf32> -> vector<512x512xf32>
    %add3A_42 = arith.addf %add3A_36, %dot_general3A_41 : vector<512x512xf32>
    %slice3A_43 = vector.extract_strided_slice %convert_element_type3A {offsets = [7, 0, 0], sizes = [1, 512, 128], strides = [1, 1, 1]} : vector<18x512x128xbf16> to vector<1x512x128xbf16>
    %squeeze3A_44 = vector.shape_cast %slice3A_43 : vector<1x512x128xbf16> to vector<512x128xbf16>
    %slice3A_45 = vector.extract_strided_slice %get3A_5 {offsets = [896, 0], sizes = [128, 512], strides = [1, 1]} : vector<2304x512xbf16> to vector<128x512xbf16>
    %dot_general3A_46 = arith.constant dense<0.000000e+00> : vector<512x512xf32>
    %dot_general3A_47 = tpu.matmul %squeeze3A_44, %slice3A_45, %dot_general3A_46 {dimension_numbers = #tpu.dot_dimension_numbers<[1], [0], [0], [1], [0, 0, 1, 1], [], []>, transpose_lhs_hint = false} : vector<512x128xbf16>, vector<128x512xbf16>, vector<512x512xf32> -> vector<512x512xf32>
    %add3A_48 = arith.addf %add3A_42, %dot_general3A_47 : vector<512x512xf32>
    %slice3A_49 = vector.extract_strided_slice %convert_element_type3A {offsets = [8, 0, 0], sizes = [1, 512, 128], strides = [1, 1, 1]} : vector<18x512x128xbf16> to vector<1x512x128xbf16>
    %squeeze3A_50 = vector.shape_cast %slice3A_49 : vector<1x512x128xbf16> to vector<512x128xbf16>
    %slice3A_51 = vector.extract_strided_slice %get3A_5 {offsets = [1024, 0], sizes = [128, 512], strides = [1, 1]} : vector<2304x512xbf16> to vector<128x512xbf16>
    %dot_general3A_52 = arith.constant dense<0.000000e+00> : vector<512x512xf32>
    %dot_general3A_53 = tpu.matmul %squeeze3A_50, %slice3A_51, %dot_general3A_52 {dimension_numbers = #tpu.dot_dimension_numbers<[1], [0], [0], [1], [0, 0, 1, 1], [], []>, transpose_lhs_hint = false} : vector<512x128xbf16>, vector<128x512xbf16>, vector<512x512xf32> -> vector<512x512xf32>
    %add3A_54 = arith.addf %add3A_48, %dot_general3A_53 : vector<512x512xf32>
    %slice3A_55 = vector.extract_strided_slice %convert_element_type3A {offsets = [9, 0, 0], sizes = [1, 512, 128], strides = [1, 1, 1]} : vector<18x512x128xbf16> to vector<1x512x128xbf16>
    %squeeze3A_56 = vector.shape_cast %slice3A_55 : vector<1x512x128xbf16> to vector<512x128xbf16>
    %slice3A_57 = vector.extract_strided_slice %get3A_5 {offsets = [1152, 0], sizes = [128, 512], strides = [1, 1]} : vector<2304x512xbf16> to vector<128x512xbf16>
    %dot_general3A_58 = arith.constant dense<0.000000e+00> : vector<512x512xf32>
    %dot_general3A_59 = tpu.matmul %squeeze3A_56, %slice3A_57, %dot_general3A_58 {dimension_numbers = #tpu.dot_dimension_numbers<[1], [0], [0], [1], [0, 0, 1, 1], [], []>, transpose_lhs_hint = false} : vector<512x128xbf16>, vector<128x512xbf16>, vector<512x512xf32> -> vector<512x512xf32>
    %add3A_60 = arith.addf %add3A_54, %dot_general3A_59 : vector<512x512xf32>
    %slice3A_61 = vector.extract_strided_slice %convert_element_type3A {offsets = [10, 0, 0], sizes = [1, 512, 128], strides = [1, 1, 1]} : vector<18x512x128xbf16> to vector<1x512x128xbf16>
    %squeeze3A_62 = vector.shape_cast %slice3A_61 : vector<1x512x128xbf16> to vector<512x128xbf16>
    %slice3A_63 = vector.extract_strided_slice %get3A_5 {offsets = [1280, 0], sizes = [128, 512], strides = [1, 1]} : vector<2304x512xbf16> to vector<128x512xbf16>
    %dot_general3A_64 = arith.constant dense<0.000000e+00> : vector<512x512xf32>
    %dot_general3A_65 = tpu.matmul %squeeze3A_62, %slice3A_63, %dot_general3A_64 {dimension_numbers = #tpu.dot_dimension_numbers<[1], [0], [0], [1], [0, 0, 1, 1], [], []>, transpose_lhs_hint = false} : vector<512x128xbf16>, vector<128x512xbf16>, vector<512x512xf32> -> vector<512x512xf32>
    %add3A_66 = arith.addf %add3A_60, %dot_general3A_65 : vector<512x512xf32>
    %slice3A_67 = vector.extract_strided_slice %convert_element_type3A {offsets = [11, 0, 0], sizes = [1, 512, 128], strides = [1, 1, 1]} : vector<18x512x128xbf16> to vector<1x512x128xbf16>
    %squeeze3A_68 = vector.shape_cast %slice3A_67 : vector<1x512x128xbf16> to vector<512x128xbf16>
    %slice3A_69 = vector.extract_strided_slice %get3A_5 {offsets = [1408, 0], sizes = [128, 512], strides = [1, 1]} : vector<2304x512xbf16> to vector<128x512xbf16>
    %dot_general3A_70 = arith.constant dense<0.000000e+00> : vector<512x512xf32>
    %dot_general3A_71 = tpu.matmul %squeeze3A_68, %slice3A_69, %dot_general3A_70 {dimension_numbers = #tpu.dot_dimension_numbers<[1], [0], [0], [1], [0, 0, 1, 1], [], []>, transpose_lhs_hint = false} : vector<512x128xbf16>, vector<128x512xbf16>, vector<512x512xf32> -> vector<512x512xf32>
    %add3A_72 = arith.addf %add3A_66, %dot_general3A_71 : vector<512x512xf32>
    %slice3A_73 = vector.extract_strided_slice %convert_element_type3A {offsets = [12, 0, 0], sizes = [1, 512, 128], strides = [1, 1, 1]} : vector<18x512x128xbf16> to vector<1x512x128xbf16>
    %squeeze3A_74 = vector.shape_cast %slice3A_73 : vector<1x512x128xbf16> to vector<512x128xbf16>
    %slice3A_75 = vector.extract_strided_slice %get3A_5 {offsets = [1536, 0], sizes = [128, 512], strides = [1, 1]} : vector<2304x512xbf16> to vector<128x512xbf16>
    %dot_general3A_76 = arith.constant dense<0.000000e+00> : vector<512x512xf32>
    %dot_general3A_77 = tpu.matmul %squeeze3A_74, %slice3A_75, %dot_general3A_76 {dimension_numbers = #tpu.dot_dimension_numbers<[1], [0], [0], [1], [0, 0, 1, 1], [], []>, transpose_lhs_hint = false} : vector<512x128xbf16>, vector<128x512xbf16>, vector<512x512xf32> -> vector<512x512xf32>
    %add3A_78 = arith.addf %add3A_72, %dot_general3A_77 : vector<512x512xf32>
    %slice3A_79 = vector.extract_strided_slice %convert_element_type3A {offsets = [13, 0, 0], sizes = [1, 512, 128], strides = [1, 1, 1]} : vector<18x512x128xbf16> to vector<1x512x128xbf16>
    %squeeze3A_80 = vector.shape_cast %slice3A_79 : vector<1x512x128xbf16> to vector<512x128xbf16>
    %slice3A_81 = vector.extract_strided_slice %get3A_5 {offsets = [1664, 0], sizes = [128, 512], strides = [1, 1]} : vector<2304x512xbf16> to vector<128x512xbf16>
    %dot_general3A_82 = arith.constant dense<0.000000e+00> : vector<512x512xf32>
    %dot_general3A_83 = tpu.matmul %squeeze3A_80, %slice3A_81, %dot_general3A_82 {dimension_numbers = #tpu.dot_dimension_numbers<[1], [0], [0], [1], [0, 0, 1, 1], [], []>, transpose_lhs_hint = false} : vector<512x128xbf16>, vector<128x512xbf16>, vector<512x512xf32> -> vector<512x512xf32>
    %add3A_84 = arith.addf %add3A_78, %dot_general3A_83 : vector<512x512xf32>
    %slice3A_85 = vector.extract_strided_slice %convert_element_type3A {offsets = [14, 0, 0], sizes = [1, 512, 128], strides = [1, 1, 1]} : vector<18x512x128xbf16> to vector<1x512x128xbf16>
    %squeeze3A_86 = vector.shape_cast %slice3A_85 : vector<1x512x128xbf16> to vector<512x128xbf16>
    %slice3A_87 = vector.extract_strided_slice %get3A_5 {offsets = [1792, 0], sizes = [128, 512], strides = [1, 1]} : vector<2304x512xbf16> to vector<128x512xbf16>
    %dot_general3A_88 = arith.constant dense<0.000000e+00> : vector<512x512xf32>
    %dot_general3A_89 = tpu.matmul %squeeze3A_86, %slice3A_87, %dot_general3A_88 {dimension_numbers = #tpu.dot_dimension_numbers<[1], [0], [0], [1], [0, 0, 1, 1], [], []>, transpose_lhs_hint = false} : vector<512x128xbf16>, vector<128x512xbf16>, vector<512x512xf32> -> vector<512x512xf32>
    %add3A_90 = arith.addf %add3A_84, %dot_general3A_89 : vector<512x512xf32>
    %slice3A_91 = vector.extract_strided_slice %convert_element_type3A {offsets = [15, 0, 0], sizes = [1, 512, 128], strides = [1, 1, 1]} : vector<18x512x128xbf16> to vector<1x512x128xbf16>
    %squeeze3A_92 = vector.shape_cast %slice3A_91 : vector<1x512x128xbf16> to vector<512x128xbf16>
    %slice3A_93 = vector.extract_strided_slice %get3A_5 {offsets = [1920, 0], sizes = [128, 512], strides = [1, 1]} : vector<2304x512xbf16> to vector<128x512xbf16>
    %dot_general3A_94 = arith.constant dense<0.000000e+00> : vector<512x512xf32>
    %dot_general3A_95 = tpu.matmul %squeeze3A_92, %slice3A_93, %dot_general3A_94 {dimension_numbers = #tpu.dot_dimension_numbers<[1], [0], [0], [1], [0, 0, 1, 1], [], []>, transpose_lhs_hint = false} : vector<512x128xbf16>, vector<128x512xbf16>, vector<512x512xf32> -> vector<512x512xf32>
    %add3A_96 = arith.addf %add3A_90, %dot_general3A_95 : vector<512x512xf32>
    %slice3A_97 = vector.extract_strided_slice %convert_element_type3A {offsets = [16, 0, 0], sizes = [1, 512, 128], strides = [1, 1, 1]} : vector<18x512x128xbf16> to vector<1x512x128xbf16>
    %squeeze3A_98 = vector.shape_cast %slice3A_97 : vector<1x512x128xbf16> to vector<512x128xbf16>
    %slice3A_99 = vector.extract_strided_slice %get3A_5 {offsets = [2048, 0], sizes = [128, 512], strides = [1, 1]} : vector<2304x512xbf16> to vector<128x512xbf16>
    %dot_general3A_100 = arith.constant dense<0.000000e+00> : vector<512x512xf32>
    %dot_general3A_101 = tpu.matmul %squeeze3A_98, %slice3A_99, %dot_general3A_100 {dimension_numbers = #tpu.dot_dimension_numbers<[1], [0], [0], [1], [0, 0, 1, 1], [], []>, transpose_lhs_hint = false} : vector<512x128xbf16>, vector<128x512xbf16>, vector<512x512xf32> -> vector<512x512xf32>
    %add3A_102 = arith.addf %add3A_96, %dot_general3A_101 : vector<512x512xf32>
    %slice3A_103 = vector.extract_strided_slice %convert_element_type3A {offsets = [17, 0, 0], sizes = [1, 512, 128], strides = [1, 1, 1]} : vector<18x512x128xbf16> to vector<1x512x128xbf16>
    %squeeze3A_104 = vector.shape_cast %slice3A_103 : vector<1x512x128xbf16> to vector<512x128xbf16>
    %slice3A_105 = vector.extract_strided_slice %get3A_5 {offsets = [2176, 0], sizes = [128, 512], strides = [1, 1]} : vector<2304x512xbf16> to vector<128x512xbf16>
    %dot_general3A_106 = arith.constant dense<0.000000e+00> : vector<512x512xf32>
    %dot_general3A_107 = tpu.matmul %squeeze3A_104, %slice3A_105, %dot_general3A_106 {dimension_numbers = #tpu.dot_dimension_numbers<[1], [0], [0], [1], [0, 0, 1, 1], [], []>, transpose_lhs_hint = false} : vector<512x128xbf16>, vector<128x512xbf16>, vector<512x512xf32> -> vector<512x512xf32>
    %add3A_108 = arith.addf %add3A_102, %dot_general3A_107 : vector<512x512xf32>
    %slice3A_109 = vector.extract_strided_slice %add3A_108 {offsets = [0, 0], sizes = [512, 256], strides = [1, 1]} : vector<512x512xf32> to vector<512x256xf32>
    %slice3A_110 = vector.extract_strided_slice %add3A_108 {offsets = [0, 256], sizes = [512, 256], strides = [1, 1]} : vector<512x512xf32> to vector<512x256xf32>
    %iota3A = tpu.iota {dimensions = array<i32: 0>} : vector<1024x512xi32>
    %iota3A_111 = tpu.iota {dimensions = array<i32: 1>} : vector<1024x512xi32>
    %mul3A = arith.constant 2 : i32
    %mul3A_112 = vector.broadcast %mul3A : i32 to vector<1024x512xi32>
    %mul3A_113 = arith.muli %mul3A_112, %iota3A_111 : vector<1024x512xi32>
    %eq3A = arith.cmpi eq, %iota3A, %mul3A_113 : vector<1024x512xi32>
    %convert_element_type3A_114 = arith.extui %eq3A : vector<1024x512xi1> to vector<1024x512xi32>
    %convert_element_type3A_115 = arith.sitofp %convert_element_type3A_114 : vector<1024x512xi32> to vector<1024x512xf32>
    %convert_element_type3A_116 = arith.truncf %convert_element_type3A_115 : vector<1024x512xf32> to vector<1024x512xbf16>
    %mul3A_117 = arith.constant 2 : i32
    %mul3A_118 = vector.broadcast %mul3A_117 : i32 to vector<1024x512xi32>
    %mul3A_119 = arith.muli %mul3A_118, %iota3A_111 : vector<1024x512xi32>
    %add3A_120 = arith.constant 1 : i32
    %add3A_121 = vector.broadcast %add3A_120 : i32 to vector<1024x512xi32>
    %add3A_122 = arith.addi %mul3A_119, %add3A_121 : vector<1024x512xi32>
    %eq3A_123 = arith.cmpi eq, %iota3A, %add3A_122 : vector<1024x512xi32>
    %convert_element_type3A_124 = arith.extui %eq3A_123 : vector<1024x512xi1> to vector<1024x512xi32>
    %convert_element_type3A_125 = arith.sitofp %convert_element_type3A_124 : vector<1024x512xi32> to vector<1024x512xf32>
    %convert_element_type3A_126 = arith.truncf %convert_element_type3A_125 : vector<1024x512xf32> to vector<1024x512xbf16>
    %convert_element_type3A_127 = arith.truncf %slice3A_109 : vector<512x256xf32> to vector<512x256xbf16>
    %dot_general3A_128 = arith.constant dense<0.000000e+00> : vector<1024x256xf32>
    %dot_general3A_129 = tpu.matmul %convert_element_type3A_116, %convert_element_type3A_127, %dot_general3A_128 {dimension_numbers = #tpu.dot_dimension_numbers<[1], [0], [0], [1], [0, 0, 1, 1], [], []>, transpose_lhs_hint = false} : vector<1024x512xbf16>, vector<512x256xbf16>, vector<1024x256xf32> -> vector<1024x256xf32>
    %convert_element_type3A_130 = arith.truncf %slice3A_110 : vector<512x256xf32> to vector<512x256xbf16>
    %dot_general3A_131 = arith.constant dense<0.000000e+00> : vector<1024x256xf32>
    %dot_general3A_132 = tpu.matmul %convert_element_type3A_126, %convert_element_type3A_130, %dot_general3A_131 {dimension_numbers = #tpu.dot_dimension_numbers<[1], [0], [0], [1], [0, 0, 1, 1], [], []>, transpose_lhs_hint = false} : vector<1024x512xbf16>, vector<512x256xbf16>, vector<1024x256xf32> -> vector<1024x256xf32>
    %add3A_133 = arith.addf %dot_general3A_129, %dot_general3A_132 : vector<1024x256xf32>
    %iota3A_134 = tpu.iota {dimensions = array<i32: 1>} : vector<1024x128xi32>
    %and3A = arith.constant 63 : i32
    %and3A_135 = vector.broadcast %and3A : i32 to vector<1024x128xi32>
    %and3A_136 = arith.andi %iota3A_134, %and3A_135 : vector<1024x128xi32>
    %ge3A = arith.constant 64 : i32
    %ge3A_137 = vector.broadcast %ge3A : i32 to vector<1024x128xi32>
    %ge3A_138 = arith.cmpi sge, %iota3A_134, %ge3A_137 : vector<1024x128xi32>
    %get3A_139 = arith.constant 0 : index
    %get3A_140 = arith.constant 0 : index
    %get3A_141 = vector.load %arg2[%get3A_139, %get3A_140] : memref<1024x18xi32, #tpu.memory_space<vmem>>, vector<1024x18xi32>
    %slice3A_142 = vector.extract_strided_slice %get3A_141 {offsets = [0, 1], sizes = [1024, 1], strides = [1, 1]} : vector<1024x18xi32> to vector<1024x1xi32>
    %slice3A_143 = vector.extract_strided_slice %get3A_141 {offsets = [0, 0], sizes = [1024, 1], strides = [1, 1]} : vector<1024x18xi32> to vector<1024x1xi32>
    %broadcast_in_dim3A = vector.shape_cast %slice3A_142 : vector<1024x1xi32> to vector<1024x1xi32>
    %broadcast_in_dim3A_144 = vector.broadcast %broadcast_in_dim3A : vector<1024x1xi32> to vector<1024x128xi32>
    %broadcast_in_dim3A_145 = vector.shape_cast %slice3A_143 : vector<1024x1xi32> to vector<1024x1xi32>
    %broadcast_in_dim3A_146 = vector.broadcast %broadcast_in_dim3A_145 : vector<1024x1xi32> to vector<1024x128xi32>
    %select_n3A = arith.select %ge3A_138, %broadcast_in_dim3A_144, %broadcast_in_dim3A_146 : vector<1024x128xi1>, vector<1024x128xi32>
    %eq3A_147 = arith.cmpi eq, %select_n3A, %and3A_136 : vector<1024x128xi32>
    %convert_element_type3A_148 = arith.extui %eq3A_147 : vector<1024x128xi1> to vector<1024x128xi32>
    %convert_element_type3A_149 = arith.sitofp %convert_element_type3A_148 : vector<1024x128xi32> to vector<1024x128xf32>
    %convert_element_type3A_150 = arith.truncf %convert_element_type3A_149 : vector<1024x128xf32> to vector<1024x128xbf16>
    %get3A_151 = arith.constant 0 : index
    %get3A_152 = arith.constant 0 : index
    %get3A_153 = vector.load %arg2[%get3A_151, %get3A_152] : memref<1024x18xi32, #tpu.memory_space<vmem>>, vector<1024x18xi32>
    %slice3A_154 = vector.extract_strided_slice %get3A_153 {offsets = [0, 3], sizes = [1024, 1], strides = [1, 1]} : vector<1024x18xi32> to vector<1024x1xi32>
    %slice3A_155 = vector.extract_strided_slice %get3A_153 {offsets = [0, 2], sizes = [1024, 1], strides = [1, 1]} : vector<1024x18xi32> to vector<1024x1xi32>
    %broadcast_in_dim3A_156 = vector.shape_cast %slice3A_154 : vector<1024x1xi32> to vector<1024x1xi32>
    %broadcast_in_dim3A_157 = vector.broadcast %broadcast_in_dim3A_156 : vector<1024x1xi32> to vector<1024x128xi32>
    %broadcast_in_dim3A_158 = vector.shape_cast %slice3A_155 : vector<1024x1xi32> to vector<1024x1xi32>
    %broadcast_in_dim3A_159 = vector.broadcast %broadcast_in_dim3A_158 : vector<1024x1xi32> to vector<1024x128xi32>
    %select_n3A_160 = arith.select %ge3A_138, %broadcast_in_dim3A_157, %broadcast_in_dim3A_159 : vector<1024x128xi1>, vector<1024x128xi32>
    %eq3A_161 = arith.cmpi eq, %select_n3A_160, %and3A_136 : vector<1024x128xi32>
    %convert_element_type3A_162 = arith.extui %eq3A_161 : vector<1024x128xi1> to vector<1024x128xi32>
    %convert_element_type3A_163 = arith.sitofp %convert_element_type3A_162 : vector<1024x128xi32> to vector<1024x128xf32>
    %convert_element_type3A_164 = arith.truncf %convert_element_type3A_163 : vector<1024x128xf32> to vector<1024x128xbf16>
    %get3A_165 = arith.constant 0 : index
    %get3A_166 = arith.constant 0 : index
    %get3A_167 = vector.load %arg2[%get3A_165, %get3A_166] : memref<1024x18xi32, #tpu.memory_space<vmem>>, vector<1024x18xi32>
    %slice3A_168 = vector.extract_strided_slice %get3A_167 {offsets = [0, 5], sizes = [1024, 1], strides = [1, 1]} : vector<1024x18xi32> to vector<1024x1xi32>
    %slice3A_169 = vector.extract_strided_slice %get3A_167 {offsets = [0, 4], sizes = [1024, 1], strides = [1, 1]} : vector<1024x18xi32> to vector<1024x1xi32>
    %broadcast_in_dim3A_170 = vector.shape_cast %slice3A_168 : vector<1024x1xi32> to vector<1024x1xi32>
    %broadcast_in_dim3A_171 = vector.broadcast %broadcast_in_dim3A_170 : vector<1024x1xi32> to vector<1024x128xi32>
    %broadcast_in_dim3A_172 = vector.shape_cast %slice3A_169 : vector<1024x1xi32> to vector<1024x1xi32>
    %broadcast_in_dim3A_173 = vector.broadcast %broadcast_in_dim3A_172 : vector<1024x1xi32> to vector<1024x128xi32>
    %select_n3A_174 = arith.select %ge3A_138, %broadcast_in_dim3A_171, %broadcast_in_dim3A_173 : vector<1024x128xi1>, vector<1024x128xi32>
    %eq3A_175 = arith.cmpi eq, %select_n3A_174, %and3A_136 : vector<1024x128xi32>
    %convert_element_type3A_176 = arith.extui %eq3A_175 : vector<1024x128xi1> to vector<1024x128xi32>
    %convert_element_type3A_177 = arith.sitofp %convert_element_type3A_176 : vector<1024x128xi32> to vector<1024x128xf32>
    %convert_element_type3A_178 = arith.truncf %convert_element_type3A_177 : vector<1024x128xf32> to vector<1024x128xbf16>
    %get3A_179 = arith.constant 0 : index
    %get3A_180 = arith.constant 0 : index
    %get3A_181 = vector.load %arg2[%get3A_179, %get3A_180] : memref<1024x18xi32, #tpu.memory_space<vmem>>, vector<1024x18xi32>
    %slice3A_182 = vector.extract_strided_slice %get3A_181 {offsets = [0, 7], sizes = [1024, 1], strides = [1, 1]} : vector<1024x18xi32> to vector<1024x1xi32>
    %slice3A_183 = vector.extract_strided_slice %get3A_181 {offsets = [0, 6], sizes = [1024, 1], strides = [1, 1]} : vector<1024x18xi32> to vector<1024x1xi32>
    %broadcast_in_dim3A_184 = vector.shape_cast %slice3A_182 : vector<1024x1xi32> to vector<1024x1xi32>
    %broadcast_in_dim3A_185 = vector.broadcast %broadcast_in_dim3A_184 : vector<1024x1xi32> to vector<1024x128xi32>
    %broadcast_in_dim3A_186 = vector.shape_cast %slice3A_183 : vector<1024x1xi32> to vector<1024x1xi32>
    %broadcast_in_dim3A_187 = vector.broadcast %broadcast_in_dim3A_186 : vector<1024x1xi32> to vector<1024x128xi32>
    %select_n3A_188 = arith.select %ge3A_138, %broadcast_in_dim3A_185, %broadcast_in_dim3A_187 : vector<1024x128xi1>, vector<1024x128xi32>
    %eq3A_189 = arith.cmpi eq, %select_n3A_188, %and3A_136 : vector<1024x128xi32>
    %convert_element_type3A_190 = arith.extui %eq3A_189 : vector<1024x128xi1> to vector<1024x128xi32>
    %convert_element_type3A_191 = arith.sitofp %convert_element_type3A_190 : vector<1024x128xi32> to vector<1024x128xf32>
    %convert_element_type3A_192 = arith.truncf %convert_element_type3A_191 : vector<1024x128xf32> to vector<1024x128xbf16>
    %get3A_193 = arith.constant 0 : index
    %get3A_194 = arith.constant 0 : index
    %get3A_195 = vector.load %arg2[%get3A_193, %get3A_194] : memref<1024x18xi32, #tpu.memory_space<vmem>>, vector<1024x18xi32>
    %slice3A_196 = vector.extract_strided_slice %get3A_195 {offsets = [0, 9], sizes = [1024, 1], strides = [1, 1]} : vector<1024x18xi32> to vector<1024x1xi32>
    %slice3A_197 = vector.extract_strided_slice %get3A_195 {offsets = [0, 8], sizes = [1024, 1], strides = [1, 1]} : vector<1024x18xi32> to vector<1024x1xi32>
    %broadcast_in_dim3A_198 = vector.shape_cast %slice3A_196 : vector<1024x1xi32> to vector<1024x1xi32>
    %broadcast_in_dim3A_199 = vector.broadcast %broadcast_in_dim3A_198 : vector<1024x1xi32> to vector<1024x128xi32>
    %broadcast_in_dim3A_200 = vector.shape_cast %slice3A_197 : vector<1024x1xi32> to vector<1024x1xi32>
    %broadcast_in_dim3A_201 = vector.broadcast %broadcast_in_dim3A_200 : vector<1024x1xi32> to vector<1024x128xi32>
    %select_n3A_202 = arith.select %ge3A_138, %broadcast_in_dim3A_199, %broadcast_in_dim3A_201 : vector<1024x128xi1>, vector<1024x128xi32>
    %eq3A_203 = arith.cmpi eq, %select_n3A_202, %and3A_136 : vector<1024x128xi32>
    %convert_element_type3A_204 = arith.extui %eq3A_203 : vector<1024x128xi1> to vector<1024x128xi32>
    %convert_element_type3A_205 = arith.sitofp %convert_element_type3A_204 : vector<1024x128xi32> to vector<1024x128xf32>
    %convert_element_type3A_206 = arith.truncf %convert_element_type3A_205 : vector<1024x128xf32> to vector<1024x128xbf16>
    %get3A_207 = arith.constant 0 : index
    %get3A_208 = arith.constant 0 : index
    %get3A_209 = vector.load %arg2[%get3A_207, %get3A_208] : memref<1024x18xi32, #tpu.memory_space<vmem>>, vector<1024x18xi32>
    %slice3A_210 = vector.extract_strided_slice %get3A_209 {offsets = [0, 11], sizes = [1024, 1], strides = [1, 1]} : vector<1024x18xi32> to vector<1024x1xi32>
    %slice3A_211 = vector.extract_strided_slice %get3A_209 {offsets = [0, 10], sizes = [1024, 1], strides = [1, 1]} : vector<1024x18xi32> to vector<1024x1xi32>
    %broadcast_in_dim3A_212 = vector.shape_cast %slice3A_210 : vector<1024x1xi32> to vector<1024x1xi32>
    %broadcast_in_dim3A_213 = vector.broadcast %broadcast_in_dim3A_212 : vector<1024x1xi32> to vector<1024x128xi32>
    %broadcast_in_dim3A_214 = vector.shape_cast %slice3A_211 : vector<1024x1xi32> to vector<1024x1xi32>
    %broadcast_in_dim3A_215 = vector.broadcast %broadcast_in_dim3A_214 : vector<1024x1xi32> to vector<1024x128xi32>
    %select_n3A_216 = arith.select %ge3A_138, %broadcast_in_dim3A_213, %broadcast_in_dim3A_215 : vector<1024x128xi1>, vector<1024x128xi32>
    %eq3A_217 = arith.cmpi eq, %select_n3A_216, %and3A_136 : vector<1024x128xi32>
    %convert_element_type3A_218 = arith.extui %eq3A_217 : vector<1024x128xi1> to vector<1024x128xi32>
    %convert_element_type3A_219 = arith.sitofp %convert_element_type3A_218 : vector<1024x128xi32> to vector<1024x128xf32>
    %convert_element_type3A_220 = arith.truncf %convert_element_type3A_219 : vector<1024x128xf32> to vector<1024x128xbf16>
    %get3A_221 = arith.constant 0 : index
    %get3A_222 = arith.constant 0 : index
    %get3A_223 = vector.load %arg2[%get3A_221, %get3A_222] : memref<1024x18xi32, #tpu.memory_space<vmem>>, vector<1024x18xi32>
    %slice3A_224 = vector.extract_strided_slice %get3A_223 {offsets = [0, 13], sizes = [1024, 1], strides = [1, 1]} : vector<1024x18xi32> to vector<1024x1xi32>
    %slice3A_225 = vector.extract_strided_slice %get3A_223 {offsets = [0, 12], sizes = [1024, 1], strides = [1, 1]} : vector<1024x18xi32> to vector<1024x1xi32>
    %broadcast_in_dim3A_226 = vector.shape_cast %slice3A_224 : vector<1024x1xi32> to vector<1024x1xi32>
    %broadcast_in_dim3A_227 = vector.broadcast %broadcast_in_dim3A_226 : vector<1024x1xi32> to vector<1024x128xi32>
    %broadcast_in_dim3A_228 = vector.shape_cast %slice3A_225 : vector<1024x1xi32> to vector<1024x1xi32>
    %broadcast_in_dim3A_229 = vector.broadcast %broadcast_in_dim3A_228 : vector<1024x1xi32> to vector<1024x128xi32>
    %select_n3A_230 = arith.select %ge3A_138, %broadcast_in_dim3A_227, %broadcast_in_dim3A_229 : vector<1024x128xi1>, vector<1024x128xi32>
    %eq3A_231 = arith.cmpi eq, %select_n3A_230, %and3A_136 : vector<1024x128xi32>
    %convert_element_type3A_232 = arith.extui %eq3A_231 : vector<1024x128xi1> to vector<1024x128xi32>
    %convert_element_type3A_233 = arith.sitofp %convert_element_type3A_232 : vector<1024x128xi32> to vector<1024x128xf32>
    %convert_element_type3A_234 = arith.truncf %convert_element_type3A_233 : vector<1024x128xf32> to vector<1024x128xbf16>
    %get3A_235 = arith.constant 0 : index
    %get3A_236 = arith.constant 0 : index
    %get3A_237 = vector.load %arg2[%get3A_235, %get3A_236] : memref<1024x18xi32, #tpu.memory_space<vmem>>, vector<1024x18xi32>
    %slice3A_238 = vector.extract_strided_slice %get3A_237 {offsets = [0, 15], sizes = [1024, 1], strides = [1, 1]} : vector<1024x18xi32> to vector<1024x1xi32>
    %slice3A_239 = vector.extract_strided_slice %get3A_237 {offsets = [0, 14], sizes = [1024, 1], strides = [1, 1]} : vector<1024x18xi32> to vector<1024x1xi32>
    %broadcast_in_dim3A_240 = vector.shape_cast %slice3A_238 : vector<1024x1xi32> to vector<1024x1xi32>
    %broadcast_in_dim3A_241 = vector.broadcast %broadcast_in_dim3A_240 : vector<1024x1xi32> to vector<1024x128xi32>
    %broadcast_in_dim3A_242 = vector.shape_cast %slice3A_239 : vector<1024x1xi32> to vector<1024x1xi32>
    %broadcast_in_dim3A_243 = vector.broadcast %broadcast_in_dim3A_242 : vector<1024x1xi32> to vector<1024x128xi32>
    %select_n3A_244 = arith.select %ge3A_138, %broadcast_in_dim3A_241, %broadcast_in_dim3A_243 : vector<1024x128xi1>, vector<1024x128xi32>
    %eq3A_245 = arith.cmpi eq, %select_n3A_244, %and3A_136 : vector<1024x128xi32>
    %convert_element_type3A_246 = arith.extui %eq3A_245 : vector<1024x128xi1> to vector<1024x128xi32>
    %convert_element_type3A_247 = arith.sitofp %convert_element_type3A_246 : vector<1024x128xi32> to vector<1024x128xf32>
    %convert_element_type3A_248 = arith.truncf %convert_element_type3A_247 : vector<1024x128xf32> to vector<1024x128xbf16>
    %get3A_249 = arith.constant 0 : index
    %get3A_250 = arith.constant 0 : index
    %get3A_251 = vector.load %arg2[%get3A_249, %get3A_250] : memref<1024x18xi32, #tpu.memory_space<vmem>>, vector<1024x18xi32>
    %slice3A_252 = vector.extract_strided_slice %get3A_251 {offsets = [0, 17], sizes = [1024, 1], strides = [1, 1]} : vector<1024x18xi32> to vector<1024x1xi32>
    %slice3A_253 = vector.extract_strided_slice %get3A_251 {offsets = [0, 16], sizes = [1024, 1], strides = [1, 1]} : vector<1024x18xi32> to vector<1024x1xi32>
    %broadcast_in_dim3A_254 = vector.shape_cast %slice3A_252 : vector<1024x1xi32> to vector<1024x1xi32>
    %broadcast_in_dim3A_255 = vector.broadcast %broadcast_in_dim3A_254 : vector<1024x1xi32> to vector<1024x128xi32>
    %broadcast_in_dim3A_256 = vector.shape_cast %slice3A_253 : vector<1024x1xi32> to vector<1024x1xi32>
    %broadcast_in_dim3A_257 = vector.broadcast %broadcast_in_dim3A_256 : vector<1024x1xi32> to vector<1024x128xi32>
    %select_n3A_258 = arith.select %ge3A_138, %broadcast_in_dim3A_255, %broadcast_in_dim3A_257 : vector<1024x128xi1>, vector<1024x128xi32>
    %eq3A_259 = arith.cmpi eq, %select_n3A_258, %and3A_136 : vector<1024x128xi32>
    %convert_element_type3A_260 = arith.extui %eq3A_259 : vector<1024x128xi1> to vector<1024x128xi32>
    %convert_element_type3A_261 = arith.sitofp %convert_element_type3A_260 : vector<1024x128xi32> to vector<1024x128xf32>
    %convert_element_type3A_262 = arith.truncf %convert_element_type3A_261 : vector<1024x128xf32> to vector<1024x128xbf16>
    %concatenate3A = tpu.concatenate %convert_element_type3A_150, %convert_element_type3A_164, %convert_element_type3A_178, %convert_element_type3A_192, %convert_element_type3A_206, %convert_element_type3A_220, %convert_element_type3A_234, %convert_element_type3A_248, %convert_element_type3A_262 in 1 : vector<1024x128xbf16>, vector<1024x128xbf16>, vector<1024x128xbf16>, vector<1024x128xbf16>, vector<1024x128xbf16>, vector<1024x128xbf16>, vector<1024x128xbf16>, vector<1024x128xbf16>, vector<1024x128xbf16> -> vector<1024x1152xbf16>
    %get3A_263 = arith.constant 0 : index
    %get3A_264 = arith.constant 0 : index
    %get3A_265 = vector.load %arg5[%get3A_263, %get3A_264] : memref<1152x256xbf16, #tpu.memory_space<vmem>>, vector<1152x256xbf16>
    %dot_general3A_266 = arith.constant dense<0.000000e+00> : vector<1024x256xf32>
    %dot_general3A_267 = tpu.matmul %concatenate3A, %get3A_265, %dot_general3A_266 {dimension_numbers = #tpu.dot_dimension_numbers<[1], [0], [0], [1], [0, 0, 1, 1], [], []>, transpose_lhs_hint = false} : vector<1024x1152xbf16>, vector<1152x256xbf16>, vector<1024x256xf32> -> vector<1024x256xf32>
    %add3A_268 = arith.addf %add3A_133, %dot_general3A_267 : vector<1024x256xf32>
    %iota3A_269 = tpu.iota {dimensions = array<i32: 1>} : vector<1024x128xi32>
    %and3A_270 = arith.constant 63 : i32
    %and3A_271 = vector.broadcast %and3A_270 : i32 to vector<1024x128xi32>
    %and3A_272 = arith.andi %iota3A_269, %and3A_271 : vector<1024x128xi32>
    %ge3A_273 = arith.constant 64 : i32
    %ge3A_274 = vector.broadcast %ge3A_273 : i32 to vector<1024x128xi32>
    %ge3A_275 = arith.cmpi sge, %iota3A_269, %ge3A_274 : vector<1024x128xi32>
    %get3A_276 = arith.constant 0 : index
    %get3A_277 = arith.constant 0 : index
    %get3A_278 = vector.load %arg3[%get3A_276, %get3A_277] : memref<1024x12xi32, #tpu.memory_space<vmem>>, vector<1024x12xi32>
    %slice3A_279 = vector.extract_strided_slice %get3A_278 {offsets = [0, 1], sizes = [1024, 1], strides = [1, 1]} : vector<1024x12xi32> to vector<1024x1xi32>
    %slice3A_280 = vector.extract_strided_slice %get3A_278 {offsets = [0, 0], sizes = [1024, 1], strides = [1, 1]} : vector<1024x12xi32> to vector<1024x1xi32>
    %broadcast_in_dim3A_281 = vector.shape_cast %slice3A_279 : vector<1024x1xi32> to vector<1024x1xi32>
    %broadcast_in_dim3A_282 = vector.broadcast %broadcast_in_dim3A_281 : vector<1024x1xi32> to vector<1024x128xi32>
    %broadcast_in_dim3A_283 = vector.shape_cast %slice3A_280 : vector<1024x1xi32> to vector<1024x1xi32>
    %broadcast_in_dim3A_284 = vector.broadcast %broadcast_in_dim3A_283 : vector<1024x1xi32> to vector<1024x128xi32>
    %select_n3A_285 = arith.select %ge3A_275, %broadcast_in_dim3A_282, %broadcast_in_dim3A_284 : vector<1024x128xi1>, vector<1024x128xi32>
    %eq3A_286 = arith.cmpi eq, %select_n3A_285, %and3A_272 : vector<1024x128xi32>
    %convert_element_type3A_287 = arith.extui %eq3A_286 : vector<1024x128xi1> to vector<1024x128xi32>
    %convert_element_type3A_288 = arith.sitofp %convert_element_type3A_287 : vector<1024x128xi32> to vector<1024x128xf32>
    %convert_element_type3A_289 = arith.truncf %convert_element_type3A_288 : vector<1024x128xf32> to vector<1024x128xbf16>
    %get3A_290 = arith.constant 0 : index
    %get3A_291 = arith.constant 0 : index
    %get3A_292 = vector.load %arg3[%get3A_290, %get3A_291] : memref<1024x12xi32, #tpu.memory_space<vmem>>, vector<1024x12xi32>
    %slice3A_293 = vector.extract_strided_slice %get3A_292 {offsets = [0, 3], sizes = [1024, 1], strides = [1, 1]} : vector<1024x12xi32> to vector<1024x1xi32>
    %slice3A_294 = vector.extract_strided_slice %get3A_292 {offsets = [0, 2], sizes = [1024, 1], strides = [1, 1]} : vector<1024x12xi32> to vector<1024x1xi32>
    %broadcast_in_dim3A_295 = vector.shape_cast %slice3A_293 : vector<1024x1xi32> to vector<1024x1xi32>
    %broadcast_in_dim3A_296 = vector.broadcast %broadcast_in_dim3A_295 : vector<1024x1xi32> to vector<1024x128xi32>
    %broadcast_in_dim3A_297 = vector.shape_cast %slice3A_294 : vector<1024x1xi32> to vector<1024x1xi32>
    %broadcast_in_dim3A_298 = vector.broadcast %broadcast_in_dim3A_297 : vector<1024x1xi32> to vector<1024x128xi32>
    %select_n3A_299 = arith.select %ge3A_275, %broadcast_in_dim3A_296, %broadcast_in_dim3A_298 : vector<1024x128xi1>, vector<1024x128xi32>
    %eq3A_300 = arith.cmpi eq, %select_n3A_299, %and3A_272 : vector<1024x128xi32>
    %convert_element_type3A_301 = arith.extui %eq3A_300 : vector<1024x128xi1> to vector<1024x128xi32>
    %convert_element_type3A_302 = arith.sitofp %convert_element_type3A_301 : vector<1024x128xi32> to vector<1024x128xf32>
    %convert_element_type3A_303 = arith.truncf %convert_element_type3A_302 : vector<1024x128xf32> to vector<1024x128xbf16>
    %get3A_304 = arith.constant 0 : index
    %get3A_305 = arith.constant 0 : index
    %get3A_306 = vector.load %arg3[%get3A_304, %get3A_305] : memref<1024x12xi32, #tpu.memory_space<vmem>>, vector<1024x12xi32>
    %slice3A_307 = vector.extract_strided_slice %get3A_306 {offsets = [0, 5], sizes = [1024, 1], strides = [1, 1]} : vector<1024x12xi32> to vector<1024x1xi32>
    %slice3A_308 = vector.extract_strided_slice %get3A_306 {offsets = [0, 4], sizes = [1024, 1], strides = [1, 1]} : vector<1024x12xi32> to vector<1024x1xi32>
    %broadcast_in_dim3A_309 = vector.shape_cast %slice3A_307 : vector<1024x1xi32> to vector<1024x1xi32>
    %broadcast_in_dim3A_310 = vector.broadcast %broadcast_in_dim3A_309 : vector<1024x1xi32> to vector<1024x128xi32>
    %broadcast_in_dim3A_311 = vector.shape_cast %slice3A_308 : vector<1024x1xi32> to vector<1024x1xi32>
    %broadcast_in_dim3A_312 = vector.broadcast %broadcast_in_dim3A_311 : vector<1024x1xi32> to vector<1024x128xi32>
    %select_n3A_313 = arith.select %ge3A_275, %broadcast_in_dim3A_310, %broadcast_in_dim3A_312 : vector<1024x128xi1>, vector<1024x128xi32>
    %eq3A_314 = arith.cmpi eq, %select_n3A_313, %and3A_272 : vector<1024x128xi32>
    %convert_element_type3A_315 = arith.extui %eq3A_314 : vector<1024x128xi1> to vector<1024x128xi32>
    %convert_element_type3A_316 = arith.sitofp %convert_element_type3A_315 : vector<1024x128xi32> to vector<1024x128xf32>
    %convert_element_type3A_317 = arith.truncf %convert_element_type3A_316 : vector<1024x128xf32> to vector<1024x128xbf16>
    %get3A_318 = arith.constant 0 : index
    %get3A_319 = arith.constant 0 : index
    %get3A_320 = vector.load %arg3[%get3A_318, %get3A_319] : memref<1024x12xi32, #tpu.memory_space<vmem>>, vector<1024x12xi32>
    %slice3A_321 = vector.extract_strided_slice %get3A_320 {offsets = [0, 7], sizes = [1024, 1], strides = [1, 1]} : vector<1024x12xi32> to vector<1024x1xi32>
    %slice3A_322 = vector.extract_strided_slice %get3A_320 {offsets = [0, 6], sizes = [1024, 1], strides = [1, 1]} : vector<1024x12xi32> to vector<1024x1xi32>
    %broadcast_in_dim3A_323 = vector.shape_cast %slice3A_321 : vector<1024x1xi32> to vector<1024x1xi32>
    %broadcast_in_dim3A_324 = vector.broadcast %broadcast_in_dim3A_323 : vector<1024x1xi32> to vector<1024x128xi32>
    %broadcast_in_dim3A_325 = vector.shape_cast %slice3A_322 : vector<1024x1xi32> to vector<1024x1xi32>
    %broadcast_in_dim3A_326 = vector.broadcast %broadcast_in_dim3A_325 : vector<1024x1xi32> to vector<1024x128xi32>
    %select_n3A_327 = arith.select %ge3A_275, %broadcast_in_dim3A_324, %broadcast_in_dim3A_326 : vector<1024x128xi1>, vector<1024x128xi32>
    %eq3A_328 = arith.cmpi eq, %select_n3A_327, %and3A_272 : vector<1024x128xi32>
    %convert_element_type3A_329 = arith.extui %eq3A_328 : vector<1024x128xi1> to vector<1024x128xi32>
    %convert_element_type3A_330 = arith.sitofp %convert_element_type3A_329 : vector<1024x128xi32> to vector<1024x128xf32>
    %convert_element_type3A_331 = arith.truncf %convert_element_type3A_330 : vector<1024x128xf32> to vector<1024x128xbf16>
    %get3A_332 = arith.constant 0 : index
    %get3A_333 = arith.constant 0 : index
    %get3A_334 = vector.load %arg3[%get3A_332, %get3A_333] : memref<1024x12xi32, #tpu.memory_space<vmem>>, vector<1024x12xi32>
    %slice3A_335 = vector.extract_strided_slice %get3A_334 {offsets = [0, 9], sizes = [1024, 1], strides = [1, 1]} : vector<1024x12xi32> to vector<1024x1xi32>
    %slice3A_336 = vector.extract_strided_slice %get3A_334 {offsets = [0, 8], sizes = [1024, 1], strides = [1, 1]} : vector<1024x12xi32> to vector<1024x1xi32>
    %broadcast_in_dim3A_337 = vector.shape_cast %slice3A_335 : vector<1024x1xi32> to vector<1024x1xi32>
    %broadcast_in_dim3A_338 = vector.broadcast %broadcast_in_dim3A_337 : vector<1024x1xi32> to vector<1024x128xi32>
    %broadcast_in_dim3A_339 = vector.shape_cast %slice3A_336 : vector<1024x1xi32> to vector<1024x1xi32>
    %broadcast_in_dim3A_340 = vector.broadcast %broadcast_in_dim3A_339 : vector<1024x1xi32> to vector<1024x128xi32>
    %select_n3A_341 = arith.select %ge3A_275, %broadcast_in_dim3A_338, %broadcast_in_dim3A_340 : vector<1024x128xi1>, vector<1024x128xi32>
    %eq3A_342 = arith.cmpi eq, %select_n3A_341, %and3A_272 : vector<1024x128xi32>
    %convert_element_type3A_343 = arith.extui %eq3A_342 : vector<1024x128xi1> to vector<1024x128xi32>
    %convert_element_type3A_344 = arith.sitofp %convert_element_type3A_343 : vector<1024x128xi32> to vector<1024x128xf32>
    %convert_element_type3A_345 = arith.truncf %convert_element_type3A_344 : vector<1024x128xf32> to vector<1024x128xbf16>
    %get3A_346 = arith.constant 0 : index
    %get3A_347 = arith.constant 0 : index
    %get3A_348 = vector.load %arg3[%get3A_346, %get3A_347] : memref<1024x12xi32, #tpu.memory_space<vmem>>, vector<1024x12xi32>
    %slice3A_349 = vector.extract_strided_slice %get3A_348 {offsets = [0, 11], sizes = [1024, 1], strides = [1, 1]} : vector<1024x12xi32> to vector<1024x1xi32>
    %slice3A_350 = vector.extract_strided_slice %get3A_348 {offsets = [0, 10], sizes = [1024, 1], strides = [1, 1]} : vector<1024x12xi32> to vector<1024x1xi32>
    %broadcast_in_dim3A_351 = vector.shape_cast %slice3A_349 : vector<1024x1xi32> to vector<1024x1xi32>
    %broadcast_in_dim3A_352 = vector.broadcast %broadcast_in_dim3A_351 : vector<1024x1xi32> to vector<1024x128xi32>
    %broadcast_in_dim3A_353 = vector.shape_cast %slice3A_350 : vector<1024x1xi32> to vector<1024x1xi32>
    %broadcast_in_dim3A_354 = vector.broadcast %broadcast_in_dim3A_353 : vector<1024x1xi32> to vector<1024x128xi32>
    %select_n3A_355 = arith.select %ge3A_275, %broadcast_in_dim3A_352, %broadcast_in_dim3A_354 : vector<1024x128xi1>, vector<1024x128xi32>
    %eq3A_356 = arith.cmpi eq, %select_n3A_355, %and3A_272 : vector<1024x128xi32>
    %convert_element_type3A_357 = arith.extui %eq3A_356 : vector<1024x128xi1> to vector<1024x128xi32>
    %convert_element_type3A_358 = arith.sitofp %convert_element_type3A_357 : vector<1024x128xi32> to vector<1024x128xf32>
    %convert_element_type3A_359 = arith.truncf %convert_element_type3A_358 : vector<1024x128xf32> to vector<1024x128xbf16>
    %concatenate3A_360 = tpu.concatenate %convert_element_type3A_289, %convert_element_type3A_303, %convert_element_type3A_317, %convert_element_type3A_331, %convert_element_type3A_345, %convert_element_type3A_359 in 1 : vector<1024x128xbf16>, vector<1024x128xbf16>, vector<1024x128xbf16>, vector<1024x128xbf16>, vector<1024x128xbf16>, vector<1024x128xbf16> -> vector<1024x768xbf16>
    %get3A_361 = arith.constant 0 : index
    %get3A_362 = arith.constant 0 : index
    %get3A_363 = vector.load %arg6[%get3A_361, %get3A_362] : memref<768x256xbf16, #tpu.memory_space<vmem>>, vector<768x256xbf16>
    %dot_general3A_364 = arith.constant dense<0.000000e+00> : vector<1024x256xf32>
    %dot_general3A_365 = tpu.matmul %concatenate3A_360, %get3A_363, %dot_general3A_364 {dimension_numbers = #tpu.dot_dimension_numbers<[1], [0], [0], [1], [0, 0, 1, 1], [], []>, transpose_lhs_hint = false} : vector<1024x768xbf16>, vector<768x256xbf16>, vector<1024x256xf32> -> vector<1024x256xf32>
    %add3A_366 = arith.addf %add3A_268, %dot_general3A_365 : vector<1024x256xf32>
    %get3A_367 = arith.constant 0 : index
    %get3A_368 = arith.constant 0 : index
    %get3A_369 = vector.load %arg7[%get3A_367, %get3A_368] : memref<1x256xf32, #tpu.memory_space<vmem>>, vector<1x256xf32>
    %add3A_370 = vector.broadcast %get3A_369 : vector<1x256xf32> to vector<1024x256xf32>
    %add3A_371 = arith.addf %add3A_366, %add3A_370 : vector<1024x256xf32>
    %max3A = arith.constant 0.000000e+00 : f32
    %max3A_372 = vector.broadcast %max3A : f32 to vector<1024x256xf32>
    %max3A_373 = arith.maximumf %add3A_371, %max3A_372 : vector<1024x256xf32>
    %convert_element_type3A_374 = arith.truncf %max3A_373 : vector<1024x256xf32> to vector<1024x256xbf16>
    %get3A_375 = arith.constant 0 : index
    %get3A_376 = arith.constant 0 : index
    %get3A_377 = vector.load %arg8[%get3A_375, %get3A_376] : memref<256x75xbf16, #tpu.memory_space<vmem>>, vector<256x75xbf16>
    %dot_general3A_378 = arith.constant dense<0.000000e+00> : vector<1024x75xf32>
    %dot_general3A_379 = tpu.matmul %convert_element_type3A_374, %get3A_377, %dot_general3A_378 {dimension_numbers = #tpu.dot_dimension_numbers<[1], [0], [0], [1], [0, 0, 1, 1], [], []>, transpose_lhs_hint = false} : vector<1024x256xbf16>, vector<256x75xbf16>, vector<1024x75xf32> -> vector<1024x75xf32>
    %get3A_380 = arith.constant 0 : index
    %get3A_381 = arith.constant 0 : index
    %get3A_382 = vector.load %arg9[%get3A_380, %get3A_381] : memref<1x75xf32, #tpu.memory_space<vmem>>, vector<1x75xf32>
    %add3A_383 = vector.broadcast %get3A_382 : vector<1x75xf32> to vector<1024x75xf32>
    %add3A_384 = arith.addf %dot_general3A_379, %add3A_383 : vector<1024x75xf32>
    %swap3A = arith.constant 0 : index
    %swap3A_385 = arith.constant 0 : index
    %swap3A_386 = vector.load %arg10[%swap3A, %swap3A_385] : memref<1024x75xf32, #tpu.memory_space<vmem>>, vector<1024x75xf32>
    tpu.vector_store %arg10[%swap3A, %swap3A_385], %add3A_384 {strides = array<i32>} : memref<1024x75xf32, #tpu.memory_space<vmem>>, vector<1024x75xf32>,
    return
  }
  func.func @transform_0(%arg0: i32) -> (i32, i32, i32) {
    %c0_i32 = arith.constant 0 : i32
    %c0_i32_0 = arith.constant 0 : i32
    %c0_i32_1 = arith.constant 0 : i32
    return %c0_i32, %arg0, %c0_i32_0 : i32, i32, i32
  }
  func.func @transform_1(%arg0: i32) -> (i32, i32) {
    %c0_i32 = arith.constant 0 : i32
    %c0_i32_0 = arith.constant 0 : i32
    return %arg0, %c0_i32 : i32, i32
  }
  func.func @transform_2(%arg0: i32) -> (i32, i32) {
    %c0_i32 = arith.constant 0 : i32
    %c0_i32_0 = arith.constant 0 : i32
    return %arg0, %c0_i32 : i32, i32
  }
  func.func @transform_3(%arg0: i32) -> (i32, i32) {
    %c0_i32 = arith.constant 0 : i32
    %c0_i32_0 = arith.constant 0 : i32
    %c0_i32_1 = arith.constant 0 : i32
    return %c0_i32, %c0_i32_0 : i32, i32
  }
  func.func @transform_4(%arg0: i32) -> (i32, i32) {
    %c0_i32 = arith.constant 0 : i32
    %c0_i32_0 = arith.constant 0 : i32
    %c0_i32_1 = arith.constant 0 : i32
    return %c0_i32, %c0_i32_0 : i32, i32
  }
  func.func @transform_5(%arg0: i32) -> (i32, i32) {
    %c0_i32 = arith.constant 0 : i32
    %c0_i32_0 = arith.constant 0 : i32
    %c0_i32_1 = arith.constant 0 : i32
    return %c0_i32, %c0_i32_0 : i32, i32
  }
  func.func @transform_6(%arg0: i32) -> (i32, i32) {
    %c0_i32 = arith.constant 0 : i32
    %c0_i32_0 = arith.constant 0 : i32
    %c0_i32_1 = arith.constant 0 : i32
    return %c0_i32, %c0_i32_0 : i32, i32
  }
  func.func @transform_7(%arg0: i32) -> (i32, i32) {
    %c0_i32 = arith.constant 0 : i32
    %c0_i32_0 = arith.constant 0 : i32
    %c0_i32_1 = arith.constant 0 : i32
    return %c0_i32, %c0_i32_0 : i32, i32
  }
  func.func @transform_8(%arg0: i32) -> (i32, i32) {
    %c0_i32 = arith.constant 0 : i32
    %c0_i32_0 = arith.constant 0 : i32
    %c0_i32_1 = arith.constant 0 : i32
    return %c0_i32, %c0_i32_0 : i32, i32
  }
  func.func @transform_9(%arg0: i32) -> (i32, i32) {
    %c0_i32 = arith.constant 0 : i32
    %c0_i32_0 = arith.constant 0 : i32
    return %arg0, %c0_i32 : i32, i32
  }
}

module attributes {stable_mosaic.version = 14 : i64} {
  func.func @body(%arg0: memref<64x64xbf16, #tpu.memory_space<vmem>>, %arg1: memref<64x64xbf16, #tpu.memory_space<vmem>>, %arg2: memref<1152x256xbf16, #tpu.memory_space<vmem>>, %arg3: memref<768x256xbf16, #tpu.memory_space<vmem>>, %arg4: memref<1152x256xbf16, #tpu.memory_space<vmem>>, %arg5: memref<1152x256xbf16, #tpu.memory_space<vmem>>, %arg6: memref<768x256xbf16, #tpu.memory_space<vmem>>, %arg7: memref<2304x512xbf16, #tpu.memory_space<vmem>>) attributes {dimension_semantics = [], scalar_prefetch = 0 : i64, scratch_operands = 0 : i64, tpu.core_type = #tpu.core_type<tc>} {
    %get3A = arith.constant 0 : index
    %get3A_0 = arith.constant 0 : index
    %get3A_1 = vector.load %arg0[%get3A, %get3A_0] : memref<64x64xbf16, #tpu.memory_space<vmem>>, vector<64x64xbf16>
    %get3A_2 = arith.constant 0 : index
    %get3A_3 = arith.constant 0 : index
    %get3A_4 = vector.load %arg1[%get3A_2, %get3A_3] : memref<64x64xbf16, #tpu.memory_space<vmem>>, vector<64x64xbf16>
    %get3A_5 = arith.constant 0 : index
    %get3A_6 = arith.constant 0 : index
    %get3A_7 = vector.load %arg2[%get3A_5, %get3A_6] : memref<1152x256xbf16, #tpu.memory_space<vmem>>, vector<64x256xbf16>
    %dot_general3A = arith.constant dense<0.000000e+00> : vector<64x256xf32>
    %dot_general3A_8 = tpu.matmul %get3A_1, %get3A_7, %dot_general3A {dimension_numbers = #tpu.dot_dimension_numbers<[1], [0], [0], [1], [0, 0, 1, 1], [], []>, transpose_lhs_hint = false} : vector<64x64xbf16>, vector<64x256xbf16>, vector<64x256xf32> -> vector<64x256xf32>
    %convert_element_type3A = arith.truncf %dot_general3A_8 : vector<64x256xf32> to vector<64x256xbf16>
    %swap3A = arith.constant 0 : index
    %swap3A_9 = arith.constant 0 : index
    %swap3A_10 = vector.load %arg5[%swap3A, %swap3A_9] : memref<1152x256xbf16, #tpu.memory_space<vmem>>, vector<64x256xbf16>
    tpu.vector_store %arg5[%swap3A, %swap3A_9], %convert_element_type3A {strides = array<i32>} : memref<1152x256xbf16, #tpu.memory_space<vmem>>, vector<64x256xbf16>,
    %get3A_11 = arith.constant 64 : index
    %get3A_12 = arith.constant 0 : index
    %get3A_13 = vector.load %arg2[%get3A_11, %get3A_12] : memref<1152x256xbf16, #tpu.memory_space<vmem>>, vector<64x256xbf16>
    %dot_general3A_14 = arith.constant dense<0.000000e+00> : vector<64x256xf32>
    %dot_general3A_15 = tpu.matmul %get3A_1, %get3A_13, %dot_general3A_14 {dimension_numbers = #tpu.dot_dimension_numbers<[1], [0], [0], [1], [0, 0, 1, 1], [], []>, transpose_lhs_hint = false} : vector<64x64xbf16>, vector<64x256xbf16>, vector<64x256xf32> -> vector<64x256xf32>
    %convert_element_type3A_16 = arith.truncf %dot_general3A_15 : vector<64x256xf32> to vector<64x256xbf16>
    %swap3A_17 = arith.constant 64 : index
    %swap3A_18 = arith.constant 0 : index
    %swap3A_19 = vector.load %arg5[%swap3A_17, %swap3A_18] : memref<1152x256xbf16, #tpu.memory_space<vmem>>, vector<64x256xbf16>
    tpu.vector_store %arg5[%swap3A_17, %swap3A_18], %convert_element_type3A_16 {strides = array<i32>} : memref<1152x256xbf16, #tpu.memory_space<vmem>>, vector<64x256xbf16>,
    %get3A_20 = arith.constant 128 : index
    %get3A_21 = arith.constant 0 : index
    %get3A_22 = vector.load %arg2[%get3A_20, %get3A_21] : memref<1152x256xbf16, #tpu.memory_space<vmem>>, vector<64x256xbf16>
    %dot_general3A_23 = arith.constant dense<0.000000e+00> : vector<64x256xf32>
    %dot_general3A_24 = tpu.matmul %get3A_1, %get3A_22, %dot_general3A_23 {dimension_numbers = #tpu.dot_dimension_numbers<[1], [0], [0], [1], [0, 0, 1, 1], [], []>, transpose_lhs_hint = false} : vector<64x64xbf16>, vector<64x256xbf16>, vector<64x256xf32> -> vector<64x256xf32>
    %convert_element_type3A_25 = arith.truncf %dot_general3A_24 : vector<64x256xf32> to vector<64x256xbf16>
    %swap3A_26 = arith.constant 128 : index
    %swap3A_27 = arith.constant 0 : index
    %swap3A_28 = vector.load %arg5[%swap3A_26, %swap3A_27] : memref<1152x256xbf16, #tpu.memory_space<vmem>>, vector<64x256xbf16>
    tpu.vector_store %arg5[%swap3A_26, %swap3A_27], %convert_element_type3A_25 {strides = array<i32>} : memref<1152x256xbf16, #tpu.memory_space<vmem>>, vector<64x256xbf16>,
    %get3A_29 = arith.constant 192 : index
    %get3A_30 = arith.constant 0 : index
    %get3A_31 = vector.load %arg2[%get3A_29, %get3A_30] : memref<1152x256xbf16, #tpu.memory_space<vmem>>, vector<64x256xbf16>
    %dot_general3A_32 = arith.constant dense<0.000000e+00> : vector<64x256xf32>
    %dot_general3A_33 = tpu.matmul %get3A_1, %get3A_31, %dot_general3A_32 {dimension_numbers = #tpu.dot_dimension_numbers<[1], [0], [0], [1], [0, 0, 1, 1], [], []>, transpose_lhs_hint = false} : vector<64x64xbf16>, vector<64x256xbf16>, vector<64x256xf32> -> vector<64x256xf32>
    %convert_element_type3A_34 = arith.truncf %dot_general3A_33 : vector<64x256xf32> to vector<64x256xbf16>
    %swap3A_35 = arith.constant 192 : index
    %swap3A_36 = arith.constant 0 : index
    %swap3A_37 = vector.load %arg5[%swap3A_35, %swap3A_36] : memref<1152x256xbf16, #tpu.memory_space<vmem>>, vector<64x256xbf16>
    tpu.vector_store %arg5[%swap3A_35, %swap3A_36], %convert_element_type3A_34 {strides = array<i32>} : memref<1152x256xbf16, #tpu.memory_space<vmem>>, vector<64x256xbf16>,
    %get3A_38 = arith.constant 256 : index
    %get3A_39 = arith.constant 0 : index
    %get3A_40 = vector.load %arg2[%get3A_38, %get3A_39] : memref<1152x256xbf16, #tpu.memory_space<vmem>>, vector<64x256xbf16>
    %dot_general3A_41 = arith.constant dense<0.000000e+00> : vector<64x256xf32>
    %dot_general3A_42 = tpu.matmul %get3A_1, %get3A_40, %dot_general3A_41 {dimension_numbers = #tpu.dot_dimension_numbers<[1], [0], [0], [1], [0, 0, 1, 1], [], []>, transpose_lhs_hint = false} : vector<64x64xbf16>, vector<64x256xbf16>, vector<64x256xf32> -> vector<64x256xf32>
    %convert_element_type3A_43 = arith.truncf %dot_general3A_42 : vector<64x256xf32> to vector<64x256xbf16>
    %swap3A_44 = arith.constant 256 : index
    %swap3A_45 = arith.constant 0 : index
    %swap3A_46 = vector.load %arg5[%swap3A_44, %swap3A_45] : memref<1152x256xbf16, #tpu.memory_space<vmem>>, vector<64x256xbf16>
    tpu.vector_store %arg5[%swap3A_44, %swap3A_45], %convert_element_type3A_43 {strides = array<i32>} : memref<1152x256xbf16, #tpu.memory_space<vmem>>, vector<64x256xbf16>,
    %get3A_47 = arith.constant 320 : index
    %get3A_48 = arith.constant 0 : index
    %get3A_49 = vector.load %arg2[%get3A_47, %get3A_48] : memref<1152x256xbf16, #tpu.memory_space<vmem>>, vector<64x256xbf16>
    %dot_general3A_50 = arith.constant dense<0.000000e+00> : vector<64x256xf32>
    %dot_general3A_51 = tpu.matmul %get3A_1, %get3A_49, %dot_general3A_50 {dimension_numbers = #tpu.dot_dimension_numbers<[1], [0], [0], [1], [0, 0, 1, 1], [], []>, transpose_lhs_hint = false} : vector<64x64xbf16>, vector<64x256xbf16>, vector<64x256xf32> -> vector<64x256xf32>
    %convert_element_type3A_52 = arith.truncf %dot_general3A_51 : vector<64x256xf32> to vector<64x256xbf16>
    %swap3A_53 = arith.constant 320 : index
    %swap3A_54 = arith.constant 0 : index
    %swap3A_55 = vector.load %arg5[%swap3A_53, %swap3A_54] : memref<1152x256xbf16, #tpu.memory_space<vmem>>, vector<64x256xbf16>
    tpu.vector_store %arg5[%swap3A_53, %swap3A_54], %convert_element_type3A_52 {strides = array<i32>} : memref<1152x256xbf16, #tpu.memory_space<vmem>>, vector<64x256xbf16>,
    %get3A_56 = arith.constant 384 : index
    %get3A_57 = arith.constant 0 : index
    %get3A_58 = vector.load %arg2[%get3A_56, %get3A_57] : memref<1152x256xbf16, #tpu.memory_space<vmem>>, vector<64x256xbf16>
    %dot_general3A_59 = arith.constant dense<0.000000e+00> : vector<64x256xf32>
    %dot_general3A_60 = tpu.matmul %get3A_1, %get3A_58, %dot_general3A_59 {dimension_numbers = #tpu.dot_dimension_numbers<[1], [0], [0], [1], [0, 0, 1, 1], [], []>, transpose_lhs_hint = false} : vector<64x64xbf16>, vector<64x256xbf16>, vector<64x256xf32> -> vector<64x256xf32>
    %convert_element_type3A_61 = arith.truncf %dot_general3A_60 : vector<64x256xf32> to vector<64x256xbf16>
    %swap3A_62 = arith.constant 384 : index
    %swap3A_63 = arith.constant 0 : index
    %swap3A_64 = vector.load %arg5[%swap3A_62, %swap3A_63] : memref<1152x256xbf16, #tpu.memory_space<vmem>>, vector<64x256xbf16>
    tpu.vector_store %arg5[%swap3A_62, %swap3A_63], %convert_element_type3A_61 {strides = array<i32>} : memref<1152x256xbf16, #tpu.memory_space<vmem>>, vector<64x256xbf16>,
    %get3A_65 = arith.constant 448 : index
    %get3A_66 = arith.constant 0 : index
    %get3A_67 = vector.load %arg2[%get3A_65, %get3A_66] : memref<1152x256xbf16, #tpu.memory_space<vmem>>, vector<64x256xbf16>
    %dot_general3A_68 = arith.constant dense<0.000000e+00> : vector<64x256xf32>
    %dot_general3A_69 = tpu.matmul %get3A_1, %get3A_67, %dot_general3A_68 {dimension_numbers = #tpu.dot_dimension_numbers<[1], [0], [0], [1], [0, 0, 1, 1], [], []>, transpose_lhs_hint = false} : vector<64x64xbf16>, vector<64x256xbf16>, vector<64x256xf32> -> vector<64x256xf32>
    %convert_element_type3A_70 = arith.truncf %dot_general3A_69 : vector<64x256xf32> to vector<64x256xbf16>
    %swap3A_71 = arith.constant 448 : index
    %swap3A_72 = arith.constant 0 : index
    %swap3A_73 = vector.load %arg5[%swap3A_71, %swap3A_72] : memref<1152x256xbf16, #tpu.memory_space<vmem>>, vector<64x256xbf16>
    tpu.vector_store %arg5[%swap3A_71, %swap3A_72], %convert_element_type3A_70 {strides = array<i32>} : memref<1152x256xbf16, #tpu.memory_space<vmem>>, vector<64x256xbf16>,
    %get3A_74 = arith.constant 512 : index
    %get3A_75 = arith.constant 0 : index
    %get3A_76 = vector.load %arg2[%get3A_74, %get3A_75] : memref<1152x256xbf16, #tpu.memory_space<vmem>>, vector<64x256xbf16>
    %dot_general3A_77 = arith.constant dense<0.000000e+00> : vector<64x256xf32>
    %dot_general3A_78 = tpu.matmul %get3A_1, %get3A_76, %dot_general3A_77 {dimension_numbers = #tpu.dot_dimension_numbers<[1], [0], [0], [1], [0, 0, 1, 1], [], []>, transpose_lhs_hint = false} : vector<64x64xbf16>, vector<64x256xbf16>, vector<64x256xf32> -> vector<64x256xf32>
    %convert_element_type3A_79 = arith.truncf %dot_general3A_78 : vector<64x256xf32> to vector<64x256xbf16>
    %swap3A_80 = arith.constant 512 : index
    %swap3A_81 = arith.constant 0 : index
    %swap3A_82 = vector.load %arg5[%swap3A_80, %swap3A_81] : memref<1152x256xbf16, #tpu.memory_space<vmem>>, vector<64x256xbf16>
    tpu.vector_store %arg5[%swap3A_80, %swap3A_81], %convert_element_type3A_79 {strides = array<i32>} : memref<1152x256xbf16, #tpu.memory_space<vmem>>, vector<64x256xbf16>,
    %get3A_83 = arith.constant 576 : index
    %get3A_84 = arith.constant 0 : index
    %get3A_85 = vector.load %arg2[%get3A_83, %get3A_84] : memref<1152x256xbf16, #tpu.memory_space<vmem>>, vector<64x256xbf16>
    %dot_general3A_86 = arith.constant dense<0.000000e+00> : vector<64x256xf32>
    %dot_general3A_87 = tpu.matmul %get3A_1, %get3A_85, %dot_general3A_86 {dimension_numbers = #tpu.dot_dimension_numbers<[1], [0], [0], [1], [0, 0, 1, 1], [], []>, transpose_lhs_hint = false} : vector<64x64xbf16>, vector<64x256xbf16>, vector<64x256xf32> -> vector<64x256xf32>
    %convert_element_type3A_88 = arith.truncf %dot_general3A_87 : vector<64x256xf32> to vector<64x256xbf16>
    %swap3A_89 = arith.constant 576 : index
    %swap3A_90 = arith.constant 0 : index
    %swap3A_91 = vector.load %arg5[%swap3A_89, %swap3A_90] : memref<1152x256xbf16, #tpu.memory_space<vmem>>, vector<64x256xbf16>
    tpu.vector_store %arg5[%swap3A_89, %swap3A_90], %convert_element_type3A_88 {strides = array<i32>} : memref<1152x256xbf16, #tpu.memory_space<vmem>>, vector<64x256xbf16>,
    %get3A_92 = arith.constant 640 : index
    %get3A_93 = arith.constant 0 : index
    %get3A_94 = vector.load %arg2[%get3A_92, %get3A_93] : memref<1152x256xbf16, #tpu.memory_space<vmem>>, vector<64x256xbf16>
    %dot_general3A_95 = arith.constant dense<0.000000e+00> : vector<64x256xf32>
    %dot_general3A_96 = tpu.matmul %get3A_1, %get3A_94, %dot_general3A_95 {dimension_numbers = #tpu.dot_dimension_numbers<[1], [0], [0], [1], [0, 0, 1, 1], [], []>, transpose_lhs_hint = false} : vector<64x64xbf16>, vector<64x256xbf16>, vector<64x256xf32> -> vector<64x256xf32>
    %convert_element_type3A_97 = arith.truncf %dot_general3A_96 : vector<64x256xf32> to vector<64x256xbf16>
    %swap3A_98 = arith.constant 640 : index
    %swap3A_99 = arith.constant 0 : index
    %swap3A_100 = vector.load %arg5[%swap3A_98, %swap3A_99] : memref<1152x256xbf16, #tpu.memory_space<vmem>>, vector<64x256xbf16>
    tpu.vector_store %arg5[%swap3A_98, %swap3A_99], %convert_element_type3A_97 {strides = array<i32>} : memref<1152x256xbf16, #tpu.memory_space<vmem>>, vector<64x256xbf16>,
    %get3A_101 = arith.constant 704 : index
    %get3A_102 = arith.constant 0 : index
    %get3A_103 = vector.load %arg2[%get3A_101, %get3A_102] : memref<1152x256xbf16, #tpu.memory_space<vmem>>, vector<64x256xbf16>
    %dot_general3A_104 = arith.constant dense<0.000000e+00> : vector<64x256xf32>
    %dot_general3A_105 = tpu.matmul %get3A_1, %get3A_103, %dot_general3A_104 {dimension_numbers = #tpu.dot_dimension_numbers<[1], [0], [0], [1], [0, 0, 1, 1], [], []>, transpose_lhs_hint = false} : vector<64x64xbf16>, vector<64x256xbf16>, vector<64x256xf32> -> vector<64x256xf32>
    %convert_element_type3A_106 = arith.truncf %dot_general3A_105 : vector<64x256xf32> to vector<64x256xbf16>
    %swap3A_107 = arith.constant 704 : index
    %swap3A_108 = arith.constant 0 : index
    %swap3A_109 = vector.load %arg5[%swap3A_107, %swap3A_108] : memref<1152x256xbf16, #tpu.memory_space<vmem>>, vector<64x256xbf16>
    tpu.vector_store %arg5[%swap3A_107, %swap3A_108], %convert_element_type3A_106 {strides = array<i32>} : memref<1152x256xbf16, #tpu.memory_space<vmem>>, vector<64x256xbf16>,
    %get3A_110 = arith.constant 768 : index
    %get3A_111 = arith.constant 0 : index
    %get3A_112 = vector.load %arg2[%get3A_110, %get3A_111] : memref<1152x256xbf16, #tpu.memory_space<vmem>>, vector<64x256xbf16>
    %dot_general3A_113 = arith.constant dense<0.000000e+00> : vector<64x256xf32>
    %dot_general3A_114 = tpu.matmul %get3A_1, %get3A_112, %dot_general3A_113 {dimension_numbers = #tpu.dot_dimension_numbers<[1], [0], [0], [1], [0, 0, 1, 1], [], []>, transpose_lhs_hint = false} : vector<64x64xbf16>, vector<64x256xbf16>, vector<64x256xf32> -> vector<64x256xf32>
    %convert_element_type3A_115 = arith.truncf %dot_general3A_114 : vector<64x256xf32> to vector<64x256xbf16>
    %swap3A_116 = arith.constant 768 : index
    %swap3A_117 = arith.constant 0 : index
    %swap3A_118 = vector.load %arg5[%swap3A_116, %swap3A_117] : memref<1152x256xbf16, #tpu.memory_space<vmem>>, vector<64x256xbf16>
    tpu.vector_store %arg5[%swap3A_116, %swap3A_117], %convert_element_type3A_115 {strides = array<i32>} : memref<1152x256xbf16, #tpu.memory_space<vmem>>, vector<64x256xbf16>,
    %get3A_119 = arith.constant 832 : index
    %get3A_120 = arith.constant 0 : index
    %get3A_121 = vector.load %arg2[%get3A_119, %get3A_120] : memref<1152x256xbf16, #tpu.memory_space<vmem>>, vector<64x256xbf16>
    %dot_general3A_122 = arith.constant dense<0.000000e+00> : vector<64x256xf32>
    %dot_general3A_123 = tpu.matmul %get3A_1, %get3A_121, %dot_general3A_122 {dimension_numbers = #tpu.dot_dimension_numbers<[1], [0], [0], [1], [0, 0, 1, 1], [], []>, transpose_lhs_hint = false} : vector<64x64xbf16>, vector<64x256xbf16>, vector<64x256xf32> -> vector<64x256xf32>
    %convert_element_type3A_124 = arith.truncf %dot_general3A_123 : vector<64x256xf32> to vector<64x256xbf16>
    %swap3A_125 = arith.constant 832 : index
    %swap3A_126 = arith.constant 0 : index
    %swap3A_127 = vector.load %arg5[%swap3A_125, %swap3A_126] : memref<1152x256xbf16, #tpu.memory_space<vmem>>, vector<64x256xbf16>
    tpu.vector_store %arg5[%swap3A_125, %swap3A_126], %convert_element_type3A_124 {strides = array<i32>} : memref<1152x256xbf16, #tpu.memory_space<vmem>>, vector<64x256xbf16>,
    %get3A_128 = arith.constant 896 : index
    %get3A_129 = arith.constant 0 : index
    %get3A_130 = vector.load %arg2[%get3A_128, %get3A_129] : memref<1152x256xbf16, #tpu.memory_space<vmem>>, vector<64x256xbf16>
    %dot_general3A_131 = arith.constant dense<0.000000e+00> : vector<64x256xf32>
    %dot_general3A_132 = tpu.matmul %get3A_1, %get3A_130, %dot_general3A_131 {dimension_numbers = #tpu.dot_dimension_numbers<[1], [0], [0], [1], [0, 0, 1, 1], [], []>, transpose_lhs_hint = false} : vector<64x64xbf16>, vector<64x256xbf16>, vector<64x256xf32> -> vector<64x256xf32>
    %convert_element_type3A_133 = arith.truncf %dot_general3A_132 : vector<64x256xf32> to vector<64x256xbf16>
    %swap3A_134 = arith.constant 896 : index
    %swap3A_135 = arith.constant 0 : index
    %swap3A_136 = vector.load %arg5[%swap3A_134, %swap3A_135] : memref<1152x256xbf16, #tpu.memory_space<vmem>>, vector<64x256xbf16>
    tpu.vector_store %arg5[%swap3A_134, %swap3A_135], %convert_element_type3A_133 {strides = array<i32>} : memref<1152x256xbf16, #tpu.memory_space<vmem>>, vector<64x256xbf16>,
    %get3A_137 = arith.constant 960 : index
    %get3A_138 = arith.constant 0 : index
    %get3A_139 = vector.load %arg2[%get3A_137, %get3A_138] : memref<1152x256xbf16, #tpu.memory_space<vmem>>, vector<64x256xbf16>
    %dot_general3A_140 = arith.constant dense<0.000000e+00> : vector<64x256xf32>
    %dot_general3A_141 = tpu.matmul %get3A_1, %get3A_139, %dot_general3A_140 {dimension_numbers = #tpu.dot_dimension_numbers<[1], [0], [0], [1], [0, 0, 1, 1], [], []>, transpose_lhs_hint = false} : vector<64x64xbf16>, vector<64x256xbf16>, vector<64x256xf32> -> vector<64x256xf32>
    %convert_element_type3A_142 = arith.truncf %dot_general3A_141 : vector<64x256xf32> to vector<64x256xbf16>
    %swap3A_143 = arith.constant 960 : index
    %swap3A_144 = arith.constant 0 : index
    %swap3A_145 = vector.load %arg5[%swap3A_143, %swap3A_144] : memref<1152x256xbf16, #tpu.memory_space<vmem>>, vector<64x256xbf16>
    tpu.vector_store %arg5[%swap3A_143, %swap3A_144], %convert_element_type3A_142 {strides = array<i32>} : memref<1152x256xbf16, #tpu.memory_space<vmem>>, vector<64x256xbf16>,
    %get3A_146 = arith.constant 1024 : index
    %get3A_147 = arith.constant 0 : index
    %get3A_148 = vector.load %arg2[%get3A_146, %get3A_147] : memref<1152x256xbf16, #tpu.memory_space<vmem>>, vector<64x256xbf16>
    %dot_general3A_149 = arith.constant dense<0.000000e+00> : vector<64x256xf32>
    %dot_general3A_150 = tpu.matmul %get3A_1, %get3A_148, %dot_general3A_149 {dimension_numbers = #tpu.dot_dimension_numbers<[1], [0], [0], [1], [0, 0, 1, 1], [], []>, transpose_lhs_hint = false} : vector<64x64xbf16>, vector<64x256xbf16>, vector<64x256xf32> -> vector<64x256xf32>
    %convert_element_type3A_151 = arith.truncf %dot_general3A_150 : vector<64x256xf32> to vector<64x256xbf16>
    %swap3A_152 = arith.constant 1024 : index
    %swap3A_153 = arith.constant 0 : index
    %swap3A_154 = vector.load %arg5[%swap3A_152, %swap3A_153] : memref<1152x256xbf16, #tpu.memory_space<vmem>>, vector<64x256xbf16>
    tpu.vector_store %arg5[%swap3A_152, %swap3A_153], %convert_element_type3A_151 {strides = array<i32>} : memref<1152x256xbf16, #tpu.memory_space<vmem>>, vector<64x256xbf16>,
    %get3A_155 = arith.constant 1088 : index
    %get3A_156 = arith.constant 0 : index
    %get3A_157 = vector.load %arg2[%get3A_155, %get3A_156] : memref<1152x256xbf16, #tpu.memory_space<vmem>>, vector<64x256xbf16>
    %dot_general3A_158 = arith.constant dense<0.000000e+00> : vector<64x256xf32>
    %dot_general3A_159 = tpu.matmul %get3A_1, %get3A_157, %dot_general3A_158 {dimension_numbers = #tpu.dot_dimension_numbers<[1], [0], [0], [1], [0, 0, 1, 1], [], []>, transpose_lhs_hint = false} : vector<64x64xbf16>, vector<64x256xbf16>, vector<64x256xf32> -> vector<64x256xf32>
    %convert_element_type3A_160 = arith.truncf %dot_general3A_159 : vector<64x256xf32> to vector<64x256xbf16>
    %swap3A_161 = arith.constant 1088 : index
    %swap3A_162 = arith.constant 0 : index
    %swap3A_163 = vector.load %arg5[%swap3A_161, %swap3A_162] : memref<1152x256xbf16, #tpu.memory_space<vmem>>, vector<64x256xbf16>
    tpu.vector_store %arg5[%swap3A_161, %swap3A_162], %convert_element_type3A_160 {strides = array<i32>} : memref<1152x256xbf16, #tpu.memory_space<vmem>>, vector<64x256xbf16>,
    %get3A_164 = arith.constant 0 : index
    %get3A_165 = arith.constant 0 : index
    %get3A_166 = vector.load %arg3[%get3A_164, %get3A_165] : memref<768x256xbf16, #tpu.memory_space<vmem>>, vector<64x256xbf16>
    %dot_general3A_167 = arith.constant dense<0.000000e+00> : vector<64x256xf32>
    %dot_general3A_168 = tpu.matmul %get3A_4, %get3A_166, %dot_general3A_167 {dimension_numbers = #tpu.dot_dimension_numbers<[1], [0], [0], [1], [0, 0, 1, 1], [], []>, transpose_lhs_hint = false} : vector<64x64xbf16>, vector<64x256xbf16>, vector<64x256xf32> -> vector<64x256xf32>
    %convert_element_type3A_169 = arith.truncf %dot_general3A_168 : vector<64x256xf32> to vector<64x256xbf16>
    %swap3A_170 = arith.constant 0 : index
    %swap3A_171 = arith.constant 0 : index
    %swap3A_172 = vector.load %arg6[%swap3A_170, %swap3A_171] : memref<768x256xbf16, #tpu.memory_space<vmem>>, vector<64x256xbf16>
    tpu.vector_store %arg6[%swap3A_170, %swap3A_171], %convert_element_type3A_169 {strides = array<i32>} : memref<768x256xbf16, #tpu.memory_space<vmem>>, vector<64x256xbf16>,
    %get3A_173 = arith.constant 64 : index
    %get3A_174 = arith.constant 0 : index
    %get3A_175 = vector.load %arg3[%get3A_173, %get3A_174] : memref<768x256xbf16, #tpu.memory_space<vmem>>, vector<64x256xbf16>
    %dot_general3A_176 = arith.constant dense<0.000000e+00> : vector<64x256xf32>
    %dot_general3A_177 = tpu.matmul %get3A_4, %get3A_175, %dot_general3A_176 {dimension_numbers = #tpu.dot_dimension_numbers<[1], [0], [0], [1], [0, 0, 1, 1], [], []>, transpose_lhs_hint = false} : vector<64x64xbf16>, vector<64x256xbf16>, vector<64x256xf32> -> vector<64x256xf32>
    %convert_element_type3A_178 = arith.truncf %dot_general3A_177 : vector<64x256xf32> to vector<64x256xbf16>
    %swap3A_179 = arith.constant 64 : index
    %swap3A_180 = arith.constant 0 : index
    %swap3A_181 = vector.load %arg6[%swap3A_179, %swap3A_180] : memref<768x256xbf16, #tpu.memory_space<vmem>>, vector<64x256xbf16>
    tpu.vector_store %arg6[%swap3A_179, %swap3A_180], %convert_element_type3A_178 {strides = array<i32>} : memref<768x256xbf16, #tpu.memory_space<vmem>>, vector<64x256xbf16>,
    %get3A_182 = arith.constant 128 : index
    %get3A_183 = arith.constant 0 : index
    %get3A_184 = vector.load %arg3[%get3A_182, %get3A_183] : memref<768x256xbf16, #tpu.memory_space<vmem>>, vector<64x256xbf16>
    %dot_general3A_185 = arith.constant dense<0.000000e+00> : vector<64x256xf32>
    %dot_general3A_186 = tpu.matmul %get3A_4, %get3A_184, %dot_general3A_185 {dimension_numbers = #tpu.dot_dimension_numbers<[1], [0], [0], [1], [0, 0, 1, 1], [], []>, transpose_lhs_hint = false} : vector<64x64xbf16>, vector<64x256xbf16>, vector<64x256xf32> -> vector<64x256xf32>
    %convert_element_type3A_187 = arith.truncf %dot_general3A_186 : vector<64x256xf32> to vector<64x256xbf16>
    %swap3A_188 = arith.constant 128 : index
    %swap3A_189 = arith.constant 0 : index
    %swap3A_190 = vector.load %arg6[%swap3A_188, %swap3A_189] : memref<768x256xbf16, #tpu.memory_space<vmem>>, vector<64x256xbf16>
    tpu.vector_store %arg6[%swap3A_188, %swap3A_189], %convert_element_type3A_187 {strides = array<i32>} : memref<768x256xbf16, #tpu.memory_space<vmem>>, vector<64x256xbf16>,
    %get3A_191 = arith.constant 192 : index
    %get3A_192 = arith.constant 0 : index
    %get3A_193 = vector.load %arg3[%get3A_191, %get3A_192] : memref<768x256xbf16, #tpu.memory_space<vmem>>, vector<64x256xbf16>
    %dot_general3A_194 = arith.constant dense<0.000000e+00> : vector<64x256xf32>
    %dot_general3A_195 = tpu.matmul %get3A_4, %get3A_193, %dot_general3A_194 {dimension_numbers = #tpu.dot_dimension_numbers<[1], [0], [0], [1], [0, 0, 1, 1], [], []>, transpose_lhs_hint = false} : vector<64x64xbf16>, vector<64x256xbf16>, vector<64x256xf32> -> vector<64x256xf32>
    %convert_element_type3A_196 = arith.truncf %dot_general3A_195 : vector<64x256xf32> to vector<64x256xbf16>
    %swap3A_197 = arith.constant 192 : index
    %swap3A_198 = arith.constant 0 : index
    %swap3A_199 = vector.load %arg6[%swap3A_197, %swap3A_198] : memref<768x256xbf16, #tpu.memory_space<vmem>>, vector<64x256xbf16>
    tpu.vector_store %arg6[%swap3A_197, %swap3A_198], %convert_element_type3A_196 {strides = array<i32>} : memref<768x256xbf16, #tpu.memory_space<vmem>>, vector<64x256xbf16>,
    %get3A_200 = arith.constant 256 : index
    %get3A_201 = arith.constant 0 : index
    %get3A_202 = vector.load %arg3[%get3A_200, %get3A_201] : memref<768x256xbf16, #tpu.memory_space<vmem>>, vector<64x256xbf16>
    %dot_general3A_203 = arith.constant dense<0.000000e+00> : vector<64x256xf32>
    %dot_general3A_204 = tpu.matmul %get3A_4, %get3A_202, %dot_general3A_203 {dimension_numbers = #tpu.dot_dimension_numbers<[1], [0], [0], [1], [0, 0, 1, 1], [], []>, transpose_lhs_hint = false} : vector<64x64xbf16>, vector<64x256xbf16>, vector<64x256xf32> -> vector<64x256xf32>
    %convert_element_type3A_205 = arith.truncf %dot_general3A_204 : vector<64x256xf32> to vector<64x256xbf16>
    %swap3A_206 = arith.constant 256 : index
    %swap3A_207 = arith.constant 0 : index
    %swap3A_208 = vector.load %arg6[%swap3A_206, %swap3A_207] : memref<768x256xbf16, #tpu.memory_space<vmem>>, vector<64x256xbf16>
    tpu.vector_store %arg6[%swap3A_206, %swap3A_207], %convert_element_type3A_205 {strides = array<i32>} : memref<768x256xbf16, #tpu.memory_space<vmem>>, vector<64x256xbf16>,
    %get3A_209 = arith.constant 320 : index
    %get3A_210 = arith.constant 0 : index
    %get3A_211 = vector.load %arg3[%get3A_209, %get3A_210] : memref<768x256xbf16, #tpu.memory_space<vmem>>, vector<64x256xbf16>
    %dot_general3A_212 = arith.constant dense<0.000000e+00> : vector<64x256xf32>
    %dot_general3A_213 = tpu.matmul %get3A_4, %get3A_211, %dot_general3A_212 {dimension_numbers = #tpu.dot_dimension_numbers<[1], [0], [0], [1], [0, 0, 1, 1], [], []>, transpose_lhs_hint = false} : vector<64x64xbf16>, vector<64x256xbf16>, vector<64x256xf32> -> vector<64x256xf32>
    %convert_element_type3A_214 = arith.truncf %dot_general3A_213 : vector<64x256xf32> to vector<64x256xbf16>
    %swap3A_215 = arith.constant 320 : index
    %swap3A_216 = arith.constant 0 : index
    %swap3A_217 = vector.load %arg6[%swap3A_215, %swap3A_216] : memref<768x256xbf16, #tpu.memory_space<vmem>>, vector<64x256xbf16>
    tpu.vector_store %arg6[%swap3A_215, %swap3A_216], %convert_element_type3A_214 {strides = array<i32>} : memref<768x256xbf16, #tpu.memory_space<vmem>>, vector<64x256xbf16>,
    %get3A_218 = arith.constant 384 : index
    %get3A_219 = arith.constant 0 : index
    %get3A_220 = vector.load %arg3[%get3A_218, %get3A_219] : memref<768x256xbf16, #tpu.memory_space<vmem>>, vector<64x256xbf16>
    %dot_general3A_221 = arith.constant dense<0.000000e+00> : vector<64x256xf32>
    %dot_general3A_222 = tpu.matmul %get3A_4, %get3A_220, %dot_general3A_221 {dimension_numbers = #tpu.dot_dimension_numbers<[1], [0], [0], [1], [0, 0, 1, 1], [], []>, transpose_lhs_hint = false} : vector<64x64xbf16>, vector<64x256xbf16>, vector<64x256xf32> -> vector<64x256xf32>
    %convert_element_type3A_223 = arith.truncf %dot_general3A_222 : vector<64x256xf32> to vector<64x256xbf16>
    %swap3A_224 = arith.constant 384 : index
    %swap3A_225 = arith.constant 0 : index
    %swap3A_226 = vector.load %arg6[%swap3A_224, %swap3A_225] : memref<768x256xbf16, #tpu.memory_space<vmem>>, vector<64x256xbf16>
    tpu.vector_store %arg6[%swap3A_224, %swap3A_225], %convert_element_type3A_223 {strides = array<i32>} : memref<768x256xbf16, #tpu.memory_space<vmem>>, vector<64x256xbf16>,
    %get3A_227 = arith.constant 448 : index
    %get3A_228 = arith.constant 0 : index
    %get3A_229 = vector.load %arg3[%get3A_227, %get3A_228] : memref<768x256xbf16, #tpu.memory_space<vmem>>, vector<64x256xbf16>
    %dot_general3A_230 = arith.constant dense<0.000000e+00> : vector<64x256xf32>
    %dot_general3A_231 = tpu.matmul %get3A_4, %get3A_229, %dot_general3A_230 {dimension_numbers = #tpu.dot_dimension_numbers<[1], [0], [0], [1], [0, 0, 1, 1], [], []>, transpose_lhs_hint = false} : vector<64x64xbf16>, vector<64x256xbf16>, vector<64x256xf32> -> vector<64x256xf32>
    %convert_element_type3A_232 = arith.truncf %dot_general3A_231 : vector<64x256xf32> to vector<64x256xbf16>
    %swap3A_233 = arith.constant 448 : index
    %swap3A_234 = arith.constant 0 : index
    %swap3A_235 = vector.load %arg6[%swap3A_233, %swap3A_234] : memref<768x256xbf16, #tpu.memory_space<vmem>>, vector<64x256xbf16>
    tpu.vector_store %arg6[%swap3A_233, %swap3A_234], %convert_element_type3A_232 {strides = array<i32>} : memref<768x256xbf16, #tpu.memory_space<vmem>>, vector<64x256xbf16>,
    %get3A_236 = arith.constant 512 : index
    %get3A_237 = arith.constant 0 : index
    %get3A_238 = vector.load %arg3[%get3A_236, %get3A_237] : memref<768x256xbf16, #tpu.memory_space<vmem>>, vector<64x256xbf16>
    %dot_general3A_239 = arith.constant dense<0.000000e+00> : vector<64x256xf32>
    %dot_general3A_240 = tpu.matmul %get3A_4, %get3A_238, %dot_general3A_239 {dimension_numbers = #tpu.dot_dimension_numbers<[1], [0], [0], [1], [0, 0, 1, 1], [], []>, transpose_lhs_hint = false} : vector<64x64xbf16>, vector<64x256xbf16>, vector<64x256xf32> -> vector<64x256xf32>
    %convert_element_type3A_241 = arith.truncf %dot_general3A_240 : vector<64x256xf32> to vector<64x256xbf16>
    %swap3A_242 = arith.constant 512 : index
    %swap3A_243 = arith.constant 0 : index
    %swap3A_244 = vector.load %arg6[%swap3A_242, %swap3A_243] : memref<768x256xbf16, #tpu.memory_space<vmem>>, vector<64x256xbf16>
    tpu.vector_store %arg6[%swap3A_242, %swap3A_243], %convert_element_type3A_241 {strides = array<i32>} : memref<768x256xbf16, #tpu.memory_space<vmem>>, vector<64x256xbf16>,
    %get3A_245 = arith.constant 576 : index
    %get3A_246 = arith.constant 0 : index
    %get3A_247 = vector.load %arg3[%get3A_245, %get3A_246] : memref<768x256xbf16, #tpu.memory_space<vmem>>, vector<64x256xbf16>
    %dot_general3A_248 = arith.constant dense<0.000000e+00> : vector<64x256xf32>
    %dot_general3A_249 = tpu.matmul %get3A_4, %get3A_247, %dot_general3A_248 {dimension_numbers = #tpu.dot_dimension_numbers<[1], [0], [0], [1], [0, 0, 1, 1], [], []>, transpose_lhs_hint = false} : vector<64x64xbf16>, vector<64x256xbf16>, vector<64x256xf32> -> vector<64x256xf32>
    %convert_element_type3A_250 = arith.truncf %dot_general3A_249 : vector<64x256xf32> to vector<64x256xbf16>
    %swap3A_251 = arith.constant 576 : index
    %swap3A_252 = arith.constant 0 : index
    %swap3A_253 = vector.load %arg6[%swap3A_251, %swap3A_252] : memref<768x256xbf16, #tpu.memory_space<vmem>>, vector<64x256xbf16>
    tpu.vector_store %arg6[%swap3A_251, %swap3A_252], %convert_element_type3A_250 {strides = array<i32>} : memref<768x256xbf16, #tpu.memory_space<vmem>>, vector<64x256xbf16>,
    %get3A_254 = arith.constant 640 : index
    %get3A_255 = arith.constant 0 : index
    %get3A_256 = vector.load %arg3[%get3A_254, %get3A_255] : memref<768x256xbf16, #tpu.memory_space<vmem>>, vector<64x256xbf16>
    %dot_general3A_257 = arith.constant dense<0.000000e+00> : vector<64x256xf32>
    %dot_general3A_258 = tpu.matmul %get3A_4, %get3A_256, %dot_general3A_257 {dimension_numbers = #tpu.dot_dimension_numbers<[1], [0], [0], [1], [0, 0, 1, 1], [], []>, transpose_lhs_hint = false} : vector<64x64xbf16>, vector<64x256xbf16>, vector<64x256xf32> -> vector<64x256xf32>
    %convert_element_type3A_259 = arith.truncf %dot_general3A_258 : vector<64x256xf32> to vector<64x256xbf16>
    %swap3A_260 = arith.constant 640 : index
    %swap3A_261 = arith.constant 0 : index
    %swap3A_262 = vector.load %arg6[%swap3A_260, %swap3A_261] : memref<768x256xbf16, #tpu.memory_space<vmem>>, vector<64x256xbf16>
    tpu.vector_store %arg6[%swap3A_260, %swap3A_261], %convert_element_type3A_259 {strides = array<i32>} : memref<768x256xbf16, #tpu.memory_space<vmem>>, vector<64x256xbf16>,
    %get3A_263 = arith.constant 704 : index
    %get3A_264 = arith.constant 0 : index
    %get3A_265 = vector.load %arg3[%get3A_263, %get3A_264] : memref<768x256xbf16, #tpu.memory_space<vmem>>, vector<64x256xbf16>
    %dot_general3A_266 = arith.constant dense<0.000000e+00> : vector<64x256xf32>
    %dot_general3A_267 = tpu.matmul %get3A_4, %get3A_265, %dot_general3A_266 {dimension_numbers = #tpu.dot_dimension_numbers<[1], [0], [0], [1], [0, 0, 1, 1], [], []>, transpose_lhs_hint = false} : vector<64x64xbf16>, vector<64x256xbf16>, vector<64x256xf32> -> vector<64x256xf32>
    %convert_element_type3A_268 = arith.truncf %dot_general3A_267 : vector<64x256xf32> to vector<64x256xbf16>
    %swap3A_269 = arith.constant 704 : index
    %swap3A_270 = arith.constant 0 : index
    %swap3A_271 = vector.load %arg6[%swap3A_269, %swap3A_270] : memref<768x256xbf16, #tpu.memory_space<vmem>>, vector<64x256xbf16>
    tpu.vector_store %arg6[%swap3A_269, %swap3A_270], %convert_element_type3A_268 {strides = array<i32>} : memref<768x256xbf16, #tpu.memory_space<vmem>>, vector<64x256xbf16>,
    %broadcast_in_dim3A = arith.constant 0.000000e+00 : bf16
    %broadcast_in_dim3A_272 = vector.broadcast %broadcast_in_dim3A : bf16 to vector<64x256xbf16>
    %get3A_273 = arith.constant 0 : index
    %get3A_274 = arith.constant 0 : index
    %get3A_275 = vector.load %arg4[%get3A_273, %get3A_274] : memref<1152x256xbf16, #tpu.memory_space<vmem>>, vector<64x256xbf16>
    %swap3A_276 = arith.constant 0 : index
    %swap3A_277 = arith.constant 0 : index
    %swap3A_278 = vector.load %arg7[%swap3A_276, %swap3A_277] : memref<2304x512xbf16, #tpu.memory_space<vmem>>, vector<64x256xbf16>
    tpu.vector_store %arg7[%swap3A_276, %swap3A_277], %get3A_275 {strides = array<i32>} : memref<2304x512xbf16, #tpu.memory_space<vmem>>, vector<64x256xbf16>,
    %swap3A_279 = arith.constant 0 : index
    %swap3A_280 = arith.constant 256 : index
    %swap3A_281 = vector.load %arg7[%swap3A_279, %swap3A_280] : memref<2304x512xbf16, #tpu.memory_space<vmem>>, vector<64x256xbf16>
    tpu.vector_store %arg7[%swap3A_279, %swap3A_280], %broadcast_in_dim3A_272 {strides = array<i32>} : memref<2304x512xbf16, #tpu.memory_space<vmem>>, vector<64x256xbf16>,
    %swap3A_282 = arith.constant 64 : index
    %swap3A_283 = arith.constant 0 : index
    %swap3A_284 = vector.load %arg7[%swap3A_282, %swap3A_283] : memref<2304x512xbf16, #tpu.memory_space<vmem>>, vector<64x256xbf16>
    tpu.vector_store %arg7[%swap3A_282, %swap3A_283], %broadcast_in_dim3A_272 {strides = array<i32>} : memref<2304x512xbf16, #tpu.memory_space<vmem>>, vector<64x256xbf16>,
    %swap3A_285 = arith.constant 64 : index
    %swap3A_286 = arith.constant 256 : index
    %swap3A_287 = vector.load %arg7[%swap3A_285, %swap3A_286] : memref<2304x512xbf16, #tpu.memory_space<vmem>>, vector<64x256xbf16>
    tpu.vector_store %arg7[%swap3A_285, %swap3A_286], %get3A_275 {strides = array<i32>} : memref<2304x512xbf16, #tpu.memory_space<vmem>>, vector<64x256xbf16>,
    %get3A_288 = arith.constant 64 : index
    %get3A_289 = arith.constant 0 : index
    %get3A_290 = vector.load %arg4[%get3A_288, %get3A_289] : memref<1152x256xbf16, #tpu.memory_space<vmem>>, vector<64x256xbf16>
    %swap3A_291 = arith.constant 128 : index
    %swap3A_292 = arith.constant 0 : index
    %swap3A_293 = vector.load %arg7[%swap3A_291, %swap3A_292] : memref<2304x512xbf16, #tpu.memory_space<vmem>>, vector<64x256xbf16>
    tpu.vector_store %arg7[%swap3A_291, %swap3A_292], %get3A_290 {strides = array<i32>} : memref<2304x512xbf16, #tpu.memory_space<vmem>>, vector<64x256xbf16>,
    %swap3A_294 = arith.constant 128 : index
    %swap3A_295 = arith.constant 256 : index
    %swap3A_296 = vector.load %arg7[%swap3A_294, %swap3A_295] : memref<2304x512xbf16, #tpu.memory_space<vmem>>, vector<64x256xbf16>
    tpu.vector_store %arg7[%swap3A_294, %swap3A_295], %broadcast_in_dim3A_272 {strides = array<i32>} : memref<2304x512xbf16, #tpu.memory_space<vmem>>, vector<64x256xbf16>,
    %swap3A_297 = arith.constant 192 : index
    %swap3A_298 = arith.constant 0 : index
    %swap3A_299 = vector.load %arg7[%swap3A_297, %swap3A_298] : memref<2304x512xbf16, #tpu.memory_space<vmem>>, vector<64x256xbf16>
    tpu.vector_store %arg7[%swap3A_297, %swap3A_298], %broadcast_in_dim3A_272 {strides = array<i32>} : memref<2304x512xbf16, #tpu.memory_space<vmem>>, vector<64x256xbf16>,
    %swap3A_300 = arith.constant 192 : index
    %swap3A_301 = arith.constant 256 : index
    %swap3A_302 = vector.load %arg7[%swap3A_300, %swap3A_301] : memref<2304x512xbf16, #tpu.memory_space<vmem>>, vector<64x256xbf16>
    tpu.vector_store %arg7[%swap3A_300, %swap3A_301], %get3A_290 {strides = array<i32>} : memref<2304x512xbf16, #tpu.memory_space<vmem>>, vector<64x256xbf16>,
    %get3A_303 = arith.constant 128 : index
    %get3A_304 = arith.constant 0 : index
    %get3A_305 = vector.load %arg4[%get3A_303, %get3A_304] : memref<1152x256xbf16, #tpu.memory_space<vmem>>, vector<64x256xbf16>
    %swap3A_306 = arith.constant 256 : index
    %swap3A_307 = arith.constant 0 : index
    %swap3A_308 = vector.load %arg7[%swap3A_306, %swap3A_307] : memref<2304x512xbf16, #tpu.memory_space<vmem>>, vector<64x256xbf16>
    tpu.vector_store %arg7[%swap3A_306, %swap3A_307], %get3A_305 {strides = array<i32>} : memref<2304x512xbf16, #tpu.memory_space<vmem>>, vector<64x256xbf16>,
    %swap3A_309 = arith.constant 256 : index
    %swap3A_310 = arith.constant 256 : index
    %swap3A_311 = vector.load %arg7[%swap3A_309, %swap3A_310] : memref<2304x512xbf16, #tpu.memory_space<vmem>>, vector<64x256xbf16>
    tpu.vector_store %arg7[%swap3A_309, %swap3A_310], %broadcast_in_dim3A_272 {strides = array<i32>} : memref<2304x512xbf16, #tpu.memory_space<vmem>>, vector<64x256xbf16>,
    %swap3A_312 = arith.constant 320 : index
    %swap3A_313 = arith.constant 0 : index
    %swap3A_314 = vector.load %arg7[%swap3A_312, %swap3A_313] : memref<2304x512xbf16, #tpu.memory_space<vmem>>, vector<64x256xbf16>
    tpu.vector_store %arg7[%swap3A_312, %swap3A_313], %broadcast_in_dim3A_272 {strides = array<i32>} : memref<2304x512xbf16, #tpu.memory_space<vmem>>, vector<64x256xbf16>,
    %swap3A_315 = arith.constant 320 : index
    %swap3A_316 = arith.constant 256 : index
    %swap3A_317 = vector.load %arg7[%swap3A_315, %swap3A_316] : memref<2304x512xbf16, #tpu.memory_space<vmem>>, vector<64x256xbf16>
    tpu.vector_store %arg7[%swap3A_315, %swap3A_316], %get3A_305 {strides = array<i32>} : memref<2304x512xbf16, #tpu.memory_space<vmem>>, vector<64x256xbf16>,
    %get3A_318 = arith.constant 192 : index
    %get3A_319 = arith.constant 0 : index
    %get3A_320 = vector.load %arg4[%get3A_318, %get3A_319] : memref<1152x256xbf16, #tpu.memory_space<vmem>>, vector<64x256xbf16>
    %swap3A_321 = arith.constant 384 : index
    %swap3A_322 = arith.constant 0 : index
    %swap3A_323 = vector.load %arg7[%swap3A_321, %swap3A_322] : memref<2304x512xbf16, #tpu.memory_space<vmem>>, vector<64x256xbf16>
    tpu.vector_store %arg7[%swap3A_321, %swap3A_322], %get3A_320 {strides = array<i32>} : memref<2304x512xbf16, #tpu.memory_space<vmem>>, vector<64x256xbf16>,
    %swap3A_324 = arith.constant 384 : index
    %swap3A_325 = arith.constant 256 : index
    %swap3A_326 = vector.load %arg7[%swap3A_324, %swap3A_325] : memref<2304x512xbf16, #tpu.memory_space<vmem>>, vector<64x256xbf16>
    tpu.vector_store %arg7[%swap3A_324, %swap3A_325], %broadcast_in_dim3A_272 {strides = array<i32>} : memref<2304x512xbf16, #tpu.memory_space<vmem>>, vector<64x256xbf16>,
    %swap3A_327 = arith.constant 448 : index
    %swap3A_328 = arith.constant 0 : index
    %swap3A_329 = vector.load %arg7[%swap3A_327, %swap3A_328] : memref<2304x512xbf16, #tpu.memory_space<vmem>>, vector<64x256xbf16>
    tpu.vector_store %arg7[%swap3A_327, %swap3A_328], %broadcast_in_dim3A_272 {strides = array<i32>} : memref<2304x512xbf16, #tpu.memory_space<vmem>>, vector<64x256xbf16>,
    %swap3A_330 = arith.constant 448 : index
    %swap3A_331 = arith.constant 256 : index
    %swap3A_332 = vector.load %arg7[%swap3A_330, %swap3A_331] : memref<2304x512xbf16, #tpu.memory_space<vmem>>, vector<64x256xbf16>
    tpu.vector_store %arg7[%swap3A_330, %swap3A_331], %get3A_320 {strides = array<i32>} : memref<2304x512xbf16, #tpu.memory_space<vmem>>, vector<64x256xbf16>,
    %get3A_333 = arith.constant 256 : index
    %get3A_334 = arith.constant 0 : index
    %get3A_335 = vector.load %arg4[%get3A_333, %get3A_334] : memref<1152x256xbf16, #tpu.memory_space<vmem>>, vector<64x256xbf16>
    %swap3A_336 = arith.constant 512 : index
    %swap3A_337 = arith.constant 0 : index
    %swap3A_338 = vector.load %arg7[%swap3A_336, %swap3A_337] : memref<2304x512xbf16, #tpu.memory_space<vmem>>, vector<64x256xbf16>
    tpu.vector_store %arg7[%swap3A_336, %swap3A_337], %get3A_335 {strides = array<i32>} : memref<2304x512xbf16, #tpu.memory_space<vmem>>, vector<64x256xbf16>,
    %swap3A_339 = arith.constant 512 : index
    %swap3A_340 = arith.constant 256 : index
    %swap3A_341 = vector.load %arg7[%swap3A_339, %swap3A_340] : memref<2304x512xbf16, #tpu.memory_space<vmem>>, vector<64x256xbf16>
    tpu.vector_store %arg7[%swap3A_339, %swap3A_340], %broadcast_in_dim3A_272 {strides = array<i32>} : memref<2304x512xbf16, #tpu.memory_space<vmem>>, vector<64x256xbf16>,
    %swap3A_342 = arith.constant 576 : index
    %swap3A_343 = arith.constant 0 : index
    %swap3A_344 = vector.load %arg7[%swap3A_342, %swap3A_343] : memref<2304x512xbf16, #tpu.memory_space<vmem>>, vector<64x256xbf16>
    tpu.vector_store %arg7[%swap3A_342, %swap3A_343], %broadcast_in_dim3A_272 {strides = array<i32>} : memref<2304x512xbf16, #tpu.memory_space<vmem>>, vector<64x256xbf16>,
    %swap3A_345 = arith.constant 576 : index
    %swap3A_346 = arith.constant 256 : index
    %swap3A_347 = vector.load %arg7[%swap3A_345, %swap3A_346] : memref<2304x512xbf16, #tpu.memory_space<vmem>>, vector<64x256xbf16>
    tpu.vector_store %arg7[%swap3A_345, %swap3A_346], %get3A_335 {strides = array<i32>} : memref<2304x512xbf16, #tpu.memory_space<vmem>>, vector<64x256xbf16>,
    %get3A_348 = arith.constant 320 : index
    %get3A_349 = arith.constant 0 : index
    %get3A_350 = vector.load %arg4[%get3A_348, %get3A_349] : memref<1152x256xbf16, #tpu.memory_space<vmem>>, vector<64x256xbf16>
    %swap3A_351 = arith.constant 640 : index
    %swap3A_352 = arith.constant 0 : index
    %swap3A_353 = vector.load %arg7[%swap3A_351, %swap3A_352] : memref<2304x512xbf16, #tpu.memory_space<vmem>>, vector<64x256xbf16>
    tpu.vector_store %arg7[%swap3A_351, %swap3A_352], %get3A_350 {strides = array<i32>} : memref<2304x512xbf16, #tpu.memory_space<vmem>>, vector<64x256xbf16>,
    %swap3A_354 = arith.constant 640 : index
    %swap3A_355 = arith.constant 256 : index
    %swap3A_356 = vector.load %arg7[%swap3A_354, %swap3A_355] : memref<2304x512xbf16, #tpu.memory_space<vmem>>, vector<64x256xbf16>
    tpu.vector_store %arg7[%swap3A_354, %swap3A_355], %broadcast_in_dim3A_272 {strides = array<i32>} : memref<2304x512xbf16, #tpu.memory_space<vmem>>, vector<64x256xbf16>,
    %swap3A_357 = arith.constant 704 : index
    %swap3A_358 = arith.constant 0 : index
    %swap3A_359 = vector.load %arg7[%swap3A_357, %swap3A_358] : memref<2304x512xbf16, #tpu.memory_space<vmem>>, vector<64x256xbf16>
    tpu.vector_store %arg7[%swap3A_357, %swap3A_358], %broadcast_in_dim3A_272 {strides = array<i32>} : memref<2304x512xbf16, #tpu.memory_space<vmem>>, vector<64x256xbf16>,
    %swap3A_360 = arith.constant 704 : index
    %swap3A_361 = arith.constant 256 : index
    %swap3A_362 = vector.load %arg7[%swap3A_360, %swap3A_361] : memref<2304x512xbf16, #tpu.memory_space<vmem>>, vector<64x256xbf16>
    tpu.vector_store %arg7[%swap3A_360, %swap3A_361], %get3A_350 {strides = array<i32>} : memref<2304x512xbf16, #tpu.memory_space<vmem>>, vector<64x256xbf16>,
    %get3A_363 = arith.constant 384 : index
    %get3A_364 = arith.constant 0 : index
    %get3A_365 = vector.load %arg4[%get3A_363, %get3A_364] : memref<1152x256xbf16, #tpu.memory_space<vmem>>, vector<64x256xbf16>
    %swap3A_366 = arith.constant 768 : index
    %swap3A_367 = arith.constant 0 : index
    %swap3A_368 = vector.load %arg7[%swap3A_366, %swap3A_367] : memref<2304x512xbf16, #tpu.memory_space<vmem>>, vector<64x256xbf16>
    tpu.vector_store %arg7[%swap3A_366, %swap3A_367], %get3A_365 {strides = array<i32>} : memref<2304x512xbf16, #tpu.memory_space<vmem>>, vector<64x256xbf16>,
    %swap3A_369 = arith.constant 768 : index
    %swap3A_370 = arith.constant 256 : index
    %swap3A_371 = vector.load %arg7[%swap3A_369, %swap3A_370] : memref<2304x512xbf16, #tpu.memory_space<vmem>>, vector<64x256xbf16>
    tpu.vector_store %arg7[%swap3A_369, %swap3A_370], %broadcast_in_dim3A_272 {strides = array<i32>} : memref<2304x512xbf16, #tpu.memory_space<vmem>>, vector<64x256xbf16>,
    %swap3A_372 = arith.constant 832 : index
    %swap3A_373 = arith.constant 0 : index
    %swap3A_374 = vector.load %arg7[%swap3A_372, %swap3A_373] : memref<2304x512xbf16, #tpu.memory_space<vmem>>, vector<64x256xbf16>
    tpu.vector_store %arg7[%swap3A_372, %swap3A_373], %broadcast_in_dim3A_272 {strides = array<i32>} : memref<2304x512xbf16, #tpu.memory_space<vmem>>, vector<64x256xbf16>,
    %swap3A_375 = arith.constant 832 : index
    %swap3A_376 = arith.constant 256 : index
    %swap3A_377 = vector.load %arg7[%swap3A_375, %swap3A_376] : memref<2304x512xbf16, #tpu.memory_space<vmem>>, vector<64x256xbf16>
    tpu.vector_store %arg7[%swap3A_375, %swap3A_376], %get3A_365 {strides = array<i32>} : memref<2304x512xbf16, #tpu.memory_space<vmem>>, vector<64x256xbf16>,
    %get3A_378 = arith.constant 448 : index
    %get3A_379 = arith.constant 0 : index
    %get3A_380 = vector.load %arg4[%get3A_378, %get3A_379] : memref<1152x256xbf16, #tpu.memory_space<vmem>>, vector<64x256xbf16>
    %swap3A_381 = arith.constant 896 : index
    %swap3A_382 = arith.constant 0 : index
    %swap3A_383 = vector.load %arg7[%swap3A_381, %swap3A_382] : memref<2304x512xbf16, #tpu.memory_space<vmem>>, vector<64x256xbf16>
    tpu.vector_store %arg7[%swap3A_381, %swap3A_382], %get3A_380 {strides = array<i32>} : memref<2304x512xbf16, #tpu.memory_space<vmem>>, vector<64x256xbf16>,
    %swap3A_384 = arith.constant 896 : index
    %swap3A_385 = arith.constant 256 : index
    %swap3A_386 = vector.load %arg7[%swap3A_384, %swap3A_385] : memref<2304x512xbf16, #tpu.memory_space<vmem>>, vector<64x256xbf16>
    tpu.vector_store %arg7[%swap3A_384, %swap3A_385], %broadcast_in_dim3A_272 {strides = array<i32>} : memref<2304x512xbf16, #tpu.memory_space<vmem>>, vector<64x256xbf16>,
    %swap3A_387 = arith.constant 960 : index
    %swap3A_388 = arith.constant 0 : index
    %swap3A_389 = vector.load %arg7[%swap3A_387, %swap3A_388] : memref<2304x512xbf16, #tpu.memory_space<vmem>>, vector<64x256xbf16>
    tpu.vector_store %arg7[%swap3A_387, %swap3A_388], %broadcast_in_dim3A_272 {strides = array<i32>} : memref<2304x512xbf16, #tpu.memory_space<vmem>>, vector<64x256xbf16>,
    %swap3A_390 = arith.constant 960 : index
    %swap3A_391 = arith.constant 256 : index
    %swap3A_392 = vector.load %arg7[%swap3A_390, %swap3A_391] : memref<2304x512xbf16, #tpu.memory_space<vmem>>, vector<64x256xbf16>
    tpu.vector_store %arg7[%swap3A_390, %swap3A_391], %get3A_380 {strides = array<i32>} : memref<2304x512xbf16, #tpu.memory_space<vmem>>, vector<64x256xbf16>,
    %get3A_393 = arith.constant 512 : index
    %get3A_394 = arith.constant 0 : index
    %get3A_395 = vector.load %arg4[%get3A_393, %get3A_394] : memref<1152x256xbf16, #tpu.memory_space<vmem>>, vector<64x256xbf16>
    %swap3A_396 = arith.constant 1024 : index
    %swap3A_397 = arith.constant 0 : index
    %swap3A_398 = vector.load %arg7[%swap3A_396, %swap3A_397] : memref<2304x512xbf16, #tpu.memory_space<vmem>>, vector<64x256xbf16>
    tpu.vector_store %arg7[%swap3A_396, %swap3A_397], %get3A_395 {strides = array<i32>} : memref<2304x512xbf16, #tpu.memory_space<vmem>>, vector<64x256xbf16>,
    %swap3A_399 = arith.constant 1024 : index
    %swap3A_400 = arith.constant 256 : index
    %swap3A_401 = vector.load %arg7[%swap3A_399, %swap3A_400] : memref<2304x512xbf16, #tpu.memory_space<vmem>>, vector<64x256xbf16>
    tpu.vector_store %arg7[%swap3A_399, %swap3A_400], %broadcast_in_dim3A_272 {strides = array<i32>} : memref<2304x512xbf16, #tpu.memory_space<vmem>>, vector<64x256xbf16>,
    %swap3A_402 = arith.constant 1088 : index
    %swap3A_403 = arith.constant 0 : index
    %swap3A_404 = vector.load %arg7[%swap3A_402, %swap3A_403] : memref<2304x512xbf16, #tpu.memory_space<vmem>>, vector<64x256xbf16>
    tpu.vector_store %arg7[%swap3A_402, %swap3A_403], %broadcast_in_dim3A_272 {strides = array<i32>} : memref<2304x512xbf16, #tpu.memory_space<vmem>>, vector<64x256xbf16>,
    %swap3A_405 = arith.constant 1088 : index
    %swap3A_406 = arith.constant 256 : index
    %swap3A_407 = vector.load %arg7[%swap3A_405, %swap3A_406] : memref<2304x512xbf16, #tpu.memory_space<vmem>>, vector<64x256xbf16>
    tpu.vector_store %arg7[%swap3A_405, %swap3A_406], %get3A_395 {strides = array<i32>} : memref<2304x512xbf16, #tpu.memory_space<vmem>>, vector<64x256xbf16>,
    %get3A_408 = arith.constant 576 : index
    %get3A_409 = arith.constant 0 : index
    %get3A_410 = vector.load %arg4[%get3A_408, %get3A_409] : memref<1152x256xbf16, #tpu.memory_space<vmem>>, vector<64x256xbf16>
    %swap3A_411 = arith.constant 1152 : index
    %swap3A_412 = arith.constant 0 : index
    %swap3A_413 = vector.load %arg7[%swap3A_411, %swap3A_412] : memref<2304x512xbf16, #tpu.memory_space<vmem>>, vector<64x256xbf16>
    tpu.vector_store %arg7[%swap3A_411, %swap3A_412], %get3A_410 {strides = array<i32>} : memref<2304x512xbf16, #tpu.memory_space<vmem>>, vector<64x256xbf16>,
    %swap3A_414 = arith.constant 1152 : index
    %swap3A_415 = arith.constant 256 : index
    %swap3A_416 = vector.load %arg7[%swap3A_414, %swap3A_415] : memref<2304x512xbf16, #tpu.memory_space<vmem>>, vector<64x256xbf16>
    tpu.vector_store %arg7[%swap3A_414, %swap3A_415], %broadcast_in_dim3A_272 {strides = array<i32>} : memref<2304x512xbf16, #tpu.memory_space<vmem>>, vector<64x256xbf16>,
    %swap3A_417 = arith.constant 1216 : index
    %swap3A_418 = arith.constant 0 : index
    %swap3A_419 = vector.load %arg7[%swap3A_417, %swap3A_418] : memref<2304x512xbf16, #tpu.memory_space<vmem>>, vector<64x256xbf16>
    tpu.vector_store %arg7[%swap3A_417, %swap3A_418], %broadcast_in_dim3A_272 {strides = array<i32>} : memref<2304x512xbf16, #tpu.memory_space<vmem>>, vector<64x256xbf16>,
    %swap3A_420 = arith.constant 1216 : index
    %swap3A_421 = arith.constant 256 : index
    %swap3A_422 = vector.load %arg7[%swap3A_420, %swap3A_421] : memref<2304x512xbf16, #tpu.memory_space<vmem>>, vector<64x256xbf16>
    tpu.vector_store %arg7[%swap3A_420, %swap3A_421], %get3A_410 {strides = array<i32>} : memref<2304x512xbf16, #tpu.memory_space<vmem>>, vector<64x256xbf16>,
    %get3A_423 = arith.constant 640 : index
    %get3A_424 = arith.constant 0 : index
    %get3A_425 = vector.load %arg4[%get3A_423, %get3A_424] : memref<1152x256xbf16, #tpu.memory_space<vmem>>, vector<64x256xbf16>
    %swap3A_426 = arith.constant 1280 : index
    %swap3A_427 = arith.constant 0 : index
    %swap3A_428 = vector.load %arg7[%swap3A_426, %swap3A_427] : memref<2304x512xbf16, #tpu.memory_space<vmem>>, vector<64x256xbf16>
    tpu.vector_store %arg7[%swap3A_426, %swap3A_427], %get3A_425 {strides = array<i32>} : memref<2304x512xbf16, #tpu.memory_space<vmem>>, vector<64x256xbf16>,
    %swap3A_429 = arith.constant 1280 : index
    %swap3A_430 = arith.constant 256 : index
    %swap3A_431 = vector.load %arg7[%swap3A_429, %swap3A_430] : memref<2304x512xbf16, #tpu.memory_space<vmem>>, vector<64x256xbf16>
    tpu.vector_store %arg7[%swap3A_429, %swap3A_430], %broadcast_in_dim3A_272 {strides = array<i32>} : memref<2304x512xbf16, #tpu.memory_space<vmem>>, vector<64x256xbf16>,
    %swap3A_432 = arith.constant 1344 : index
    %swap3A_433 = arith.constant 0 : index
    %swap3A_434 = vector.load %arg7[%swap3A_432, %swap3A_433] : memref<2304x512xbf16, #tpu.memory_space<vmem>>, vector<64x256xbf16>
    tpu.vector_store %arg7[%swap3A_432, %swap3A_433], %broadcast_in_dim3A_272 {strides = array<i32>} : memref<2304x512xbf16, #tpu.memory_space<vmem>>, vector<64x256xbf16>,
    %swap3A_435 = arith.constant 1344 : index
    %swap3A_436 = arith.constant 256 : index
    %swap3A_437 = vector.load %arg7[%swap3A_435, %swap3A_436] : memref<2304x512xbf16, #tpu.memory_space<vmem>>, vector<64x256xbf16>
    tpu.vector_store %arg7[%swap3A_435, %swap3A_436], %get3A_425 {strides = array<i32>} : memref<2304x512xbf16, #tpu.memory_space<vmem>>, vector<64x256xbf16>,
    %get3A_438 = arith.constant 704 : index
    %get3A_439 = arith.constant 0 : index
    %get3A_440 = vector.load %arg4[%get3A_438, %get3A_439] : memref<1152x256xbf16, #tpu.memory_space<vmem>>, vector<64x256xbf16>
    %swap3A_441 = arith.constant 1408 : index
    %swap3A_442 = arith.constant 0 : index
    %swap3A_443 = vector.load %arg7[%swap3A_441, %swap3A_442] : memref<2304x512xbf16, #tpu.memory_space<vmem>>, vector<64x256xbf16>
    tpu.vector_store %arg7[%swap3A_441, %swap3A_442], %get3A_440 {strides = array<i32>} : memref<2304x512xbf16, #tpu.memory_space<vmem>>, vector<64x256xbf16>,
    %swap3A_444 = arith.constant 1408 : index
    %swap3A_445 = arith.constant 256 : index
    %swap3A_446 = vector.load %arg7[%swap3A_444, %swap3A_445] : memref<2304x512xbf16, #tpu.memory_space<vmem>>, vector<64x256xbf16>
    tpu.vector_store %arg7[%swap3A_444, %swap3A_445], %broadcast_in_dim3A_272 {strides = array<i32>} : memref<2304x512xbf16, #tpu.memory_space<vmem>>, vector<64x256xbf16>,
    %swap3A_447 = arith.constant 1472 : index
    %swap3A_448 = arith.constant 0 : index
    %swap3A_449 = vector.load %arg7[%swap3A_447, %swap3A_448] : memref<2304x512xbf16, #tpu.memory_space<vmem>>, vector<64x256xbf16>
    tpu.vector_store %arg7[%swap3A_447, %swap3A_448], %broadcast_in_dim3A_272 {strides = array<i32>} : memref<2304x512xbf16, #tpu.memory_space<vmem>>, vector<64x256xbf16>,
    %swap3A_450 = arith.constant 1472 : index
    %swap3A_451 = arith.constant 256 : index
    %swap3A_452 = vector.load %arg7[%swap3A_450, %swap3A_451] : memref<2304x512xbf16, #tpu.memory_space<vmem>>, vector<64x256xbf16>
    tpu.vector_store %arg7[%swap3A_450, %swap3A_451], %get3A_440 {strides = array<i32>} : memref<2304x512xbf16, #tpu.memory_space<vmem>>, vector<64x256xbf16>,
    %get3A_453 = arith.constant 768 : index
    %get3A_454 = arith.constant 0 : index
    %get3A_455 = vector.load %arg4[%get3A_453, %get3A_454] : memref<1152x256xbf16, #tpu.memory_space<vmem>>, vector<64x256xbf16>
    %swap3A_456 = arith.constant 1536 : index
    %swap3A_457 = arith.constant 0 : index
    %swap3A_458 = vector.load %arg7[%swap3A_456, %swap3A_457] : memref<2304x512xbf16, #tpu.memory_space<vmem>>, vector<64x256xbf16>
    tpu.vector_store %arg7[%swap3A_456, %swap3A_457], %get3A_455 {strides = array<i32>} : memref<2304x512xbf16, #tpu.memory_space<vmem>>, vector<64x256xbf16>,
    %swap3A_459 = arith.constant 1536 : index
    %swap3A_460 = arith.constant 256 : index
    %swap3A_461 = vector.load %arg7[%swap3A_459, %swap3A_460] : memref<2304x512xbf16, #tpu.memory_space<vmem>>, vector<64x256xbf16>
    tpu.vector_store %arg7[%swap3A_459, %swap3A_460], %broadcast_in_dim3A_272 {strides = array<i32>} : memref<2304x512xbf16, #tpu.memory_space<vmem>>, vector<64x256xbf16>,
    %swap3A_462 = arith.constant 1600 : index
    %swap3A_463 = arith.constant 0 : index
    %swap3A_464 = vector.load %arg7[%swap3A_462, %swap3A_463] : memref<2304x512xbf16, #tpu.memory_space<vmem>>, vector<64x256xbf16>
    tpu.vector_store %arg7[%swap3A_462, %swap3A_463], %broadcast_in_dim3A_272 {strides = array<i32>} : memref<2304x512xbf16, #tpu.memory_space<vmem>>, vector<64x256xbf16>,
    %swap3A_465 = arith.constant 1600 : index
    %swap3A_466 = arith.constant 256 : index
    %swap3A_467 = vector.load %arg7[%swap3A_465, %swap3A_466] : memref<2304x512xbf16, #tpu.memory_space<vmem>>, vector<64x256xbf16>
    tpu.vector_store %arg7[%swap3A_465, %swap3A_466], %get3A_455 {strides = array<i32>} : memref<2304x512xbf16, #tpu.memory_space<vmem>>, vector<64x256xbf16>,
    %get3A_468 = arith.constant 832 : index
    %get3A_469 = arith.constant 0 : index
    %get3A_470 = vector.load %arg4[%get3A_468, %get3A_469] : memref<1152x256xbf16, #tpu.memory_space<vmem>>, vector<64x256xbf16>
    %swap3A_471 = arith.constant 1664 : index
    %swap3A_472 = arith.constant 0 : index
    %swap3A_473 = vector.load %arg7[%swap3A_471, %swap3A_472] : memref<2304x512xbf16, #tpu.memory_space<vmem>>, vector<64x256xbf16>
    tpu.vector_store %arg7[%swap3A_471, %swap3A_472], %get3A_470 {strides = array<i32>} : memref<2304x512xbf16, #tpu.memory_space<vmem>>, vector<64x256xbf16>,
    %swap3A_474 = arith.constant 1664 : index
    %swap3A_475 = arith.constant 256 : index
    %swap3A_476 = vector.load %arg7[%swap3A_474, %swap3A_475] : memref<2304x512xbf16, #tpu.memory_space<vmem>>, vector<64x256xbf16>
    tpu.vector_store %arg7[%swap3A_474, %swap3A_475], %broadcast_in_dim3A_272 {strides = array<i32>} : memref<2304x512xbf16, #tpu.memory_space<vmem>>, vector<64x256xbf16>,
    %swap3A_477 = arith.constant 1728 : index
    %swap3A_478 = arith.constant 0 : index
    %swap3A_479 = vector.load %arg7[%swap3A_477, %swap3A_478] : memref<2304x512xbf16, #tpu.memory_space<vmem>>, vector<64x256xbf16>
    tpu.vector_store %arg7[%swap3A_477, %swap3A_478], %broadcast_in_dim3A_272 {strides = array<i32>} : memref<2304x512xbf16, #tpu.memory_space<vmem>>, vector<64x256xbf16>,
    %swap3A_480 = arith.constant 1728 : index
    %swap3A_481 = arith.constant 256 : index
    %swap3A_482 = vector.load %arg7[%swap3A_480, %swap3A_481] : memref<2304x512xbf16, #tpu.memory_space<vmem>>, vector<64x256xbf16>
    tpu.vector_store %arg7[%swap3A_480, %swap3A_481], %get3A_470 {strides = array<i32>} : memref<2304x512xbf16, #tpu.memory_space<vmem>>, vector<64x256xbf16>,
    %get3A_483 = arith.constant 896 : index
    %get3A_484 = arith.constant 0 : index
    %get3A_485 = vector.load %arg4[%get3A_483, %get3A_484] : memref<1152x256xbf16, #tpu.memory_space<vmem>>, vector<64x256xbf16>
    %swap3A_486 = arith.constant 1792 : index
    %swap3A_487 = arith.constant 0 : index
    %swap3A_488 = vector.load %arg7[%swap3A_486, %swap3A_487] : memref<2304x512xbf16, #tpu.memory_space<vmem>>, vector<64x256xbf16>
    tpu.vector_store %arg7[%swap3A_486, %swap3A_487], %get3A_485 {strides = array<i32>} : memref<2304x512xbf16, #tpu.memory_space<vmem>>, vector<64x256xbf16>,
    %swap3A_489 = arith.constant 1792 : index
    %swap3A_490 = arith.constant 256 : index
    %swap3A_491 = vector.load %arg7[%swap3A_489, %swap3A_490] : memref<2304x512xbf16, #tpu.memory_space<vmem>>, vector<64x256xbf16>
    tpu.vector_store %arg7[%swap3A_489, %swap3A_490], %broadcast_in_dim3A_272 {strides = array<i32>} : memref<2304x512xbf16, #tpu.memory_space<vmem>>, vector<64x256xbf16>,
    %swap3A_492 = arith.constant 1856 : index
    %swap3A_493 = arith.constant 0 : index
    %swap3A_494 = vector.load %arg7[%swap3A_492, %swap3A_493] : memref<2304x512xbf16, #tpu.memory_space<vmem>>, vector<64x256xbf16>
    tpu.vector_store %arg7[%swap3A_492, %swap3A_493], %broadcast_in_dim3A_272 {strides = array<i32>} : memref<2304x512xbf16, #tpu.memory_space<vmem>>, vector<64x256xbf16>,
    %swap3A_495 = arith.constant 1856 : index
    %swap3A_496 = arith.constant 256 : index
    %swap3A_497 = vector.load %arg7[%swap3A_495, %swap3A_496] : memref<2304x512xbf16, #tpu.memory_space<vmem>>, vector<64x256xbf16>
    tpu.vector_store %arg7[%swap3A_495, %swap3A_496], %get3A_485 {strides = array<i32>} : memref<2304x512xbf16, #tpu.memory_space<vmem>>, vector<64x256xbf16>,
    %get3A_498 = arith.constant 960 : index
    %get3A_499 = arith.constant 0 : index
    %get3A_500 = vector.load %arg4[%get3A_498, %get3A_499] : memref<1152x256xbf16, #tpu.memory_space<vmem>>, vector<64x256xbf16>
    %swap3A_501 = arith.constant 1920 : index
    %swap3A_502 = arith.constant 0 : index
    %swap3A_503 = vector.load %arg7[%swap3A_501, %swap3A_502] : memref<2304x512xbf16, #tpu.memory_space<vmem>>, vector<64x256xbf16>
    tpu.vector_store %arg7[%swap3A_501, %swap3A_502], %get3A_500 {strides = array<i32>} : memref<2304x512xbf16, #tpu.memory_space<vmem>>, vector<64x256xbf16>,
    %swap3A_504 = arith.constant 1920 : index
    %swap3A_505 = arith.constant 256 : index
    %swap3A_506 = vector.load %arg7[%swap3A_504, %swap3A_505] : memref<2304x512xbf16, #tpu.memory_space<vmem>>, vector<64x256xbf16>
    tpu.vector_store %arg7[%swap3A_504, %swap3A_505], %broadcast_in_dim3A_272 {strides = array<i32>} : memref<2304x512xbf16, #tpu.memory_space<vmem>>, vector<64x256xbf16>,
    %swap3A_507 = arith.constant 1984 : index
    %swap3A_508 = arith.constant 0 : index
    %swap3A_509 = vector.load %arg7[%swap3A_507, %swap3A_508] : memref<2304x512xbf16, #tpu.memory_space<vmem>>, vector<64x256xbf16>
    tpu.vector_store %arg7[%swap3A_507, %swap3A_508], %broadcast_in_dim3A_272 {strides = array<i32>} : memref<2304x512xbf16, #tpu.memory_space<vmem>>, vector<64x256xbf16>,
    %swap3A_510 = arith.constant 1984 : index
    %swap3A_511 = arith.constant 256 : index
    %swap3A_512 = vector.load %arg7[%swap3A_510, %swap3A_511] : memref<2304x512xbf16, #tpu.memory_space<vmem>>, vector<64x256xbf16>
    tpu.vector_store %arg7[%swap3A_510, %swap3A_511], %get3A_500 {strides = array<i32>} : memref<2304x512xbf16, #tpu.memory_space<vmem>>, vector<64x256xbf16>,
    %get3A_513 = arith.constant 1024 : index
    %get3A_514 = arith.constant 0 : index
    %get3A_515 = vector.load %arg4[%get3A_513, %get3A_514] : memref<1152x256xbf16, #tpu.memory_space<vmem>>, vector<64x256xbf16>
    %swap3A_516 = arith.constant 2048 : index
    %swap3A_517 = arith.constant 0 : index
    %swap3A_518 = vector.load %arg7[%swap3A_516, %swap3A_517] : memref<2304x512xbf16, #tpu.memory_space<vmem>>, vector<64x256xbf16>
    tpu.vector_store %arg7[%swap3A_516, %swap3A_517], %get3A_515 {strides = array<i32>} : memref<2304x512xbf16, #tpu.memory_space<vmem>>, vector<64x256xbf16>,
    %swap3A_519 = arith.constant 2048 : index
    %swap3A_520 = arith.constant 256 : index
    %swap3A_521 = vector.load %arg7[%swap3A_519, %swap3A_520] : memref<2304x512xbf16, #tpu.memory_space<vmem>>, vector<64x256xbf16>
    tpu.vector_store %arg7[%swap3A_519, %swap3A_520], %broadcast_in_dim3A_272 {strides = array<i32>} : memref<2304x512xbf16, #tpu.memory_space<vmem>>, vector<64x256xbf16>,
    %swap3A_522 = arith.constant 2112 : index
    %swap3A_523 = arith.constant 0 : index
    %swap3A_524 = vector.load %arg7[%swap3A_522, %swap3A_523] : memref<2304x512xbf16, #tpu.memory_space<vmem>>, vector<64x256xbf16>
    tpu.vector_store %arg7[%swap3A_522, %swap3A_523], %broadcast_in_dim3A_272 {strides = array<i32>} : memref<2304x512xbf16, #tpu.memory_space<vmem>>, vector<64x256xbf16>,
    %swap3A_525 = arith.constant 2112 : index
    %swap3A_526 = arith.constant 256 : index
    %swap3A_527 = vector.load %arg7[%swap3A_525, %swap3A_526] : memref<2304x512xbf16, #tpu.memory_space<vmem>>, vector<64x256xbf16>
    tpu.vector_store %arg7[%swap3A_525, %swap3A_526], %get3A_515 {strides = array<i32>} : memref<2304x512xbf16, #tpu.memory_space<vmem>>, vector<64x256xbf16>,
    %get3A_528 = arith.constant 1088 : index
    %get3A_529 = arith.constant 0 : index
    %get3A_530 = vector.load %arg4[%get3A_528, %get3A_529] : memref<1152x256xbf16, #tpu.memory_space<vmem>>, vector<64x256xbf16>
    %swap3A_531 = arith.constant 2176 : index
    %swap3A_532 = arith.constant 0 : index
    %swap3A_533 = vector.load %arg7[%swap3A_531, %swap3A_532] : memref<2304x512xbf16, #tpu.memory_space<vmem>>, vector<64x256xbf16>
    tpu.vector_store %arg7[%swap3A_531, %swap3A_532], %get3A_530 {strides = array<i32>} : memref<2304x512xbf16, #tpu.memory_space<vmem>>, vector<64x256xbf16>,
    %swap3A_534 = arith.constant 2176 : index
    %swap3A_535 = arith.constant 256 : index
    %swap3A_536 = vector.load %arg7[%swap3A_534, %swap3A_535] : memref<2304x512xbf16, #tpu.memory_space<vmem>>, vector<64x256xbf16>
    tpu.vector_store %arg7[%swap3A_534, %swap3A_535], %broadcast_in_dim3A_272 {strides = array<i32>} : memref<2304x512xbf16, #tpu.memory_space<vmem>>, vector<64x256xbf16>,
    %swap3A_537 = arith.constant 2240 : index
    %swap3A_538 = arith.constant 0 : index
    %swap3A_539 = vector.load %arg7[%swap3A_537, %swap3A_538] : memref<2304x512xbf16, #tpu.memory_space<vmem>>, vector<64x256xbf16>
    tpu.vector_store %arg7[%swap3A_537, %swap3A_538], %broadcast_in_dim3A_272 {strides = array<i32>} : memref<2304x512xbf16, #tpu.memory_space<vmem>>, vector<64x256xbf16>,
    %swap3A_540 = arith.constant 2240 : index
    %swap3A_541 = arith.constant 256 : index
    %swap3A_542 = vector.load %arg7[%swap3A_540, %swap3A_541] : memref<2304x512xbf16, #tpu.memory_space<vmem>>, vector<64x256xbf16>
    tpu.vector_store %arg7[%swap3A_540, %swap3A_541], %get3A_530 {strides = array<i32>} : memref<2304x512xbf16, #tpu.memory_space<vmem>>, vector<64x256xbf16>,
    return
  }
}

</mosaic_0001>

<sc_bundles>
// kernel: kernel.5.cloned.1.call-start
scs
__scs_entry_jumppad:
0x0: {  	(pc) =	sbr.rel $0x88, $3  }
0x1: {  	(tag) =	ssettag $0x0;
	lr =	simm.s32 $0x1  }
0x2: {  	[smem:$0x3F95] =	sst lr;
	_ =	strace $0xD0000000  }
0x3: {  	_ = 	snop  }
0x4: {  	_ = 	snop  }
0x5: {  	_ = 	snop  }
0x6: {  	_ = 	snop  }
0x7: {  	_ = 	snop  }
__scs_overlays_trampoline_lowered:
0x8: {  	[smem:$0x3FA4] =	sst s0  }
0x9: {  	[smem:$0x3FA5] =	sst s1  }
0xa: {  	[smem:$0x3FA6] =	sst s2  }
0xb: {  	[smem:$0x3FA7] =	sst s3  }
0xc: {  	[smem:$0x3FA8] =	sst s4  }
0xd: {  	[smem:$0x3FA9] =	sst s5  }
0xe: {  	[smem:$0x3FAA] =	sst s6  }
0xf: {  	[smem:$0x3FAB] =	sst s7  }
0x10: {  	[smem:$0x3FAC] =	sst s8  }
0x11: {  	[smem:$0x3FAD] =	sst s9;
	s0 =	simm.s32 @!p0 $0x0  }
0x12: {  	s1 =	sld [smem:$0x3F93];
	s0 =	simm.s32 @p0 $0x1  }
0x13: {  	[smem:$0x3FAE] =	sst s0;
	s0 =	simm.s32 @!p1 $0x0  }
0x14: {  	s2 =	sld [smem:$0x3F92];
	s0 =	simm.s32 @p1 $0x1  }
0x15: {  	[smem:$0x3FAF] =	sst s0;
	s0 =	simm.s32 @!p2 $0x0  }
0x16: {  	s3 =	sld [smem:$0x3FDB];
	s0 =	simm.s32 @p2 $0x1  }
0x17: {  	s4 =	simm.s32 $0x1BF5;
	[smem:$0x3FB1] =	sst s0  }
0x18: {  	s0 =	sld [smem:$0x3F94];
	_ =	swait.ge [sflag:s4], $0x0  }
0x19: {  	s7 =	sld [smem:$0x3F95]  }
0x1a: {  	s8 =	sadd.s32 $0xFFFFE003, lr  }
0x1b: {  	s9 =	sadd.s32 $0xFFFFFEF7, lr;
	s5 =	simm.s32 $0xFFFFFFFF;
	p2 =	slt.u32 s8, $0xFFFFF086  }
0x1c: {  	p1 =	slt.u32 s9, $0xF7A;
	s5 =	simm.s32 @!p2 $0x0  }
0x1d: {  	s5 =	simm.s32 @p1 $0x1;
	p0 =	seq.s32 s7, s2  }
0x1e: {  	s7 =	smul.u32 @!p0 $0xF7A, s2;
	p2 =	seq.s32 @!p0 s5, $0x0  }
0x1f: {  	s9 =	smul.u32 $0xF7A, s1;
	s8 =	simm.s32 @!p0 $0x1BF5;
	p2 =	por !p2, p0  }
0x20: {  	[sflag:s8] =	ssyncset.s32 @!p0 $0xFFFFF086;
	s6 =	sadd.s32 @!p0 s3, s7;
	s7 =	simm.s32 @!p0 $0x108  }
0x21: {  	s3 =	sadd.s32 s3, s9;
	s6 =	sadd.s32 @!p0 $0x88, s6;
	s7 =	simm.s32 @p2 $0x1082  }
0x22: {  	[simem:s7], [sflag:s8] =	dma.local @!p0 [hbm:s6], $0xF7A  }
0x23: {  	s9 =	sor.u32 $0xD0000000, s2;
	s6 =	simm.s32 $0x108;
	_ =	swait.ge @!p0 [sflag:s8], $0x0  }
0x24: {  	s3 =	sadd.s32 $0x88, s3;
	s6 =	simm.s32 @!p1 $0x1082;
	[sflag:s4] =	ssyncset.s32 $0xFFFFF086  }
0x25: {  	[simem:s6], [sflag:s4] =	dma.local [hbm:s3], $0xF7A  }
0x26: {  	[smem:$0x3F95] =	sst s1;
	(tag) =	ssettag s2;
	_ =	strace s9  }
0x27: {  	s1 =	sld [smem:$0x3FA5]  }
0x28: {  	s2 =	sld [smem:$0x3FA6]  }
0x29: {  	s4 =	sld [smem:$0x3FA8]  }
0x2a: {  	p0 =	seq.s32 s5, $0x0;
	s5 =	sld [smem:$0x3FA9]  }
0x2b: {  	s6 =	sld [smem:$0x3FAA]  }
0x2c: {  	s7 =	sld [smem:$0x3FAB]  }
0x2d: {  	s3 =	simm.s32 $0x108;
	s8 =	sld [smem:$0x3FAC]  }
0x2e: {  	s3 =	simm.s32 @!p0 $0x1082;
	s9 =	sld [smem:$0x3FAD]  }
0x2f: {  	lr =	sadd.s32 s0, s3;
	s0 =	sld [smem:$0x3FA4]  }
0x30: {  	s3 =	sld [smem:$0x3FA7]  }
0x31: {  	[smem:$0x3FB0] =	sst s10  }
0x32: {  	s10 =	sld [smem:$0x3FAE];
	_ =	sdelay $0x3  }
0x33: {  	p0 =	seq.s32 s10, $0x1;
	s10 =	sld [smem:$0x3FB0];
	_ =	sdelay $0x3  }
0x34: {  	[smem:$0x3FB0] =	sst s10  }
0x35: {  	s10 =	sld [smem:$0x3FAF];
	_ =	sdelay $0x3  }
0x36: {  	p1 =	seq.s32 s10, $0x1;
	s10 =	sld [smem:$0x3FB0];
	_ =	sdelay $0x3  }
0x37: {  	[smem:$0x3FB0] =	sst s10  }
0x38: {  	s10 =	sld [smem:$0x3FB1]  }
0x39: {  	_ = 	snop;
	(pc) =	sbr.ind lr, $3  }
0x3a: {  	_ = 	snop  }
0x3b: {  	_ = 	snop  }
0x3c: {  	p2 =	seq.s32 s10, $0x1;
	s10 =	sld [smem:$0x3FB0]  }
0x3d: {  	_ =	shalt  }
0x3e: {  	_ =	shalt  }
0x3f: {  	_ =	shalt  }
0x40: {  	_ =	shalt  }
0x41: {  	_ =	shalt  }
0x42: {  	_ =	shalt  }
0x43: {  	_ =	shalt  }
0x44: {  	_ =	shalt  }
0x45: {  	_ =	shalt  }
0x46: {  	_ =	shalt  }
0x47: {  	_ =	shalt  }
0x48: {  	_ =	shalt  }
0x49: {  	_ =	shalt  }
0x4a: {  	_ =	shalt  }
0x4b: {  	_ =	shalt  }
0x4c: {  	_ =	shalt  }
0x4d: {  	_ =	shalt  }
0x4e: {  	_ =	shalt  }
0x4f: {  	_ =	shalt  }
0x50: {  	_ =	shalt  }
0x51: {  	_ =	shalt  }
0x52: {  	_ =	shalt  }
0x53: {  	_ =	shalt  }
0x54: {  	_ =	shalt  }
0x55: {  	_ =	shalt  }
0x56: {  	_ =	shalt  }
0x57: {  	_ =	shalt  }
0x58: {  	_ =	shalt  }
0x59: {  	_ =	shalt  }
0x5a: {  	_ =	shalt  }
0x5b: {  	_ =	shalt  }
0x5c: {  	_ =	shalt  }
0x5d: {  	_ =	shalt  }
0x5e: {  	_ =	shalt  }
0x5f: {  	_ =	shalt  }
0x60: {  	_ =	shalt  }
0x61: {  	_ =	shalt  }
0x62: {  	_ =	shalt  }
0x63: {  	_ =	shalt  }
0x64: {  	_ =	shalt  }
0x65: {  	_ =	shalt  }
0x66: {  	_ =	shalt  }
0x67: {  	_ =	shalt  }
0x68: {  	_ =	shalt  }
0x69: {  	_ =	shalt  }
0x6a: {  	_ =	shalt  }
0x6b: {  	_ =	shalt  }
0x6c: {  	_ =	shalt  }
0x6d: {  	_ =	shalt  }
0x6e: {  	_ =	shalt  }
0x6f: {  	_ =	shalt  }
0x70: {  	_ =	shalt  }
0x71: {  	_ =	shalt  }
0x72: {  	_ =	shalt  }
0x73: {  	_ =	shalt  }
0x74: {  	_ =	shalt  }
0x75: {  	_ =	shalt  }
0x76: {  	_ =	shalt  }
0x77: {  	_ =	shalt  }
0x78: {  	_ =	shalt  }
0x79: {  	_ =	shalt  }
0x7a: {  	_ =	shalt  }
0x7b: {  	_ =	shalt  }
0x7c: {  	_ =	shalt  }
0x7d: {  	_ =	shalt  }
0x7e: {  	_ =	shalt  }
0x7f: {  	_ =	shalt  }
0x80: {  	_ =	shalt  }
0x81: {  	_ =	shalt  }
0x82: {  	_ =	shalt  }
0x83: {  	_ =	shalt  }
0x84: {  	_ =	shalt  }
0x85: {  	_ =	shalt  }
0x86: {  	_ =	shalt  }
0x87: {  	_ =	shalt  }
.Lfunc_end0:
.L_simem_size_0:
called_computation_lowered:
.L_overlay_start_0:
0x88: {  	s2 =	sld [smem:$0x3FD9]  }
0x89: {  	s3 =	sld [smem:$0x3FFE];
	_ =	sdelay $0x1  }
0x8a: {  	s1 =	srdreg.scid  }
0x8b: {  	s0 =	sand.u32 $0x1, s1  }
0x8c: {  	s17 =	sshll.u32 s0, $0xA;
	s2 =	sadd.s32 s3, s2  }
0x8d: {  	s2 =	sadd.s32 s2, s17  }
0x8e: {  	[smem:$0x3FBC] =	sst s2  }
0x8f: {  	_ = 	snop  }
0x90: {  	s2 =	sld [smem:$0x3FD0];
	(tm) =	ssettm $0x1  }
0x91: {  	s18 =	sld [smem:$0x3FFB];
	_ =	sdelay $0x3  }
0x92: {  	_ =	strace s18  }
0x93: {  	s3 =	sld [smem:$0x3FFC];
	_ =	sdelay $0x3  }
0x94: {  	_ =	strace s3  }
0x95: {  	s3 =	sld [smem:$0x3FFD];
	_ =	sdelay $0x3  }
0x96: {  	_ =	strace s3  }
0x97: {  	_ =	strace $0x8FFFFFFF  }
0x98: {  	s19 =	sld [smem:$0x3FDB];
	_ =	sdelay $0x1  }
0x99: {  	s4 =	simm.s32 $_scs_section_size  }
0x9a: {  	s5 =	simm.s32 $_size__tile_overlayer_lowered;
	s6 =	simm.s32 $_tile_overlayer_lowered  }
0x9b: {  	s22 =	simm.s32 $0x1BFF;
	s21 =	sshll.u32 s6, $0x1;
	s3 =	sadd.s32 s4, s19  }
0x9c: {  	s7 =	simm.s32 $0x0;
	s20 =	sshll.u32 s5, $0x1;
	s5 =	sadd.s32 s21, s3  }
0x9d: {  	[timem:s7], [sflag:s22] =	dma.local [hbm:s5], s20  }
0x9e: {  	_ =	swait.ge [sflag:s22], s20  }
0x9f: {  	s4 =	ssub.s32 $0x0, s20;
	[sflag:s22] =	ssyncset.done $0x0  }
0xa0: {  	[sflag:s22] =	ssyncadd.s32 s4;
	_ =	sdelay $0x1  }
0xa1: {  	s23 =	simm.s32 $0x1B8B  }
0xa2: {  	_ =	swait.ge [sflag:s23], $0x1  }
0xa3: {  	[sflag:s23] =	ssyncset.done $0x0  }
0xa4: {  	s25 =	simm.s32 $0x1B8E;
	s24 =	sld [smem:$0x3FFE];
	[sflag:s23] =	ssyncadd.s32 $0xFFFFFFFF  }
0xa5: {  	s26 =	simm.s32 $execute0_lowered;
	[smem:$0x3FD2] =	sst s25  }
0xa6: {  	s5 =	sshll.u32 s26, $0x1;
	_ =	strace $0x80000046;
	[dreg:$0x1] =	wrdreg $0xFFFFFFFF  }
0xa7: {  	s28 =	simm.s32 $_size_execute0_lowered;
	s3 =	sadd.s32 s3, s5;
	[dreg:$0x0] =	wrdreg $0x0  }
0xa8: {  	s5 =	sshll.u32 s28, $0x1;
	[dreg:$0x2] =	wrdreg s3  }
0xa9: {  	[dreg:$0x3] =	wrdreg s5  }
0xaa: {  	[dreg:$0x4] =	wrdreg $0xC0  }
0xab: {  	_ =	task [dreg:s7], $0x5FFFF  }
0xac: {  	[dreg:$0x1] =	wrdreg $0xFFFFFFFF  }
0xad: {  	[dreg:$0x0] =	wrdreg $0x60  }
0xae: {  	[dreg:$0x2] =	wrdreg s2  }
0xaf: {  	[dreg:$0x3] =	wrdreg s24  }
0xb0: {  	[dreg:$0x4] =	wrdreg $0x9  }
0xb1: {  	_ =	task.clear_ibuf [dreg:s7], $0x5FFFF;
	_ =	strace $0x90000046  }
0xb2: {  	s29 =	simm.s32 $0x9;
	_ =	strace $0x80000048  }
0xb3: {  	_ =	swait.ge [sflag:s29], $0x1  }
0xb4: {  	[sflag:s29] =	ssyncadd.s32 $0xFFFFFFFF  }
0xb5: {  	_ =	strace $0x90000048  }
0xb6: {  	_ =	sfence  }
0xb7: {  	s30 =	sld [smem:$0x0];
	_ =	sdelay $0x2  }
0xb8: {  	s31 =	sshll.u32 s1, $0xD;
	s1 =	sshrl.u32 s1, $0x2  }
0xb9: {  	s3 =	sand.u32 $0x4000, s31;
	s1 =	sadd.s32 s1, s30  }
0xba: {  	s0 =	sor.u32 s3, s0;
	s1 =	sshll.u32 s1, $0x11  }
0xbb: {  	s0 =	sor.u32 s1, s0  }
0xbc: {  	s0 =	sadd.s32 $0x8F2B, s0  }
0xbd: {  	[sflag:s0] =	ssyncadd.remote.s32 $0x1  }
0xbe: {  	_ =	sfence.sel $0xFFFF  }
0xbf: {  	[dreg:$0x0] =	wrdreg $0xFFFFFFFF;
	(pc) =	sbr.abs _section_cstart, $3  }
0xc0: {  	[dreg:$0x1] =	wrdreg $0xFFFFFFFF  }
0xc1: {  	_ =	task.clear_ibuf [dreg:s7], $0x2FFFF;
	_ =	strace $0x9FFFFFFF  }
0xc2: {  	(tm) =	ssettm $0x7FFFFFFF  }
0xc3: {  	_ =	shalt  }
tec
execute0_lowered:
.L_overlay_start_1:
0x0: {  	(tag) =	ssettag $0x1  }
0x1: {  	s3 =	srdreg.scid  }
0x2: {  	s0 =	rddreg [dreg:$0x0];
	s9 =	stileid.u32;
	s6 =	sand.u32 $0x1, s3  }
0x3: {  	s22 =	sshll.u32 s9, $0xA;
	s4 =	sshll.u32 s6, $0x9;
	s8 =	ssub.s32 $0x2, s6  }
0x4: {  	s1 =	rddreg [dreg:$0x1];
	s7 =	sor.u32 s4, s22;
	s23 =	sshrl.u32 s8, $0x1  }
0x5: {  	s2 =	simm.s32 $0x0;
	s5 =	sshrl.u32 s7, $0x3;
	s24 =	ssub.s32 s8, s23  }
0x6: {  	[smem:$0x7FF] =	sst s2;
	s5 =	sadd.s32 s0, s5;
	s0 =	smax.u32 s24, $0x1  }
0x7: {  	_ =	strace $0x80000047;
	s25 =	sadd.s32 $0x800, s5;
	[dreg:$0x12] =	wrdreg s0  }
0x8: {  	s26 =	sadd.s32 $0x1000, s5;
	[dreg:$0x3] =	wrdreg s25  }
0x9: {  	s31 =	simm.s32 $0x200;
	s8 =	sadd.s32 $0x1800, s5;
	[dreg:$0x4] =	wrdreg s26  }
0xa: {  	s3 =	sadd.s32 $0x188400, s1;
	s10 =	sadd.s32 $0x2000, s5;
	[dreg:$0x5] =	wrdreg s8  }
0xb: {  	s19 =	sshll.u32 s9, $0x10;
	s11 =	sadd.s32 $0x2800, s5;
	[dreg:$0x6] =	wrdreg s10  }
0xc: {  	s9 =	simm.s32 $0xA400;
	s12 =	sadd.s32 $0x3000, s5;
	[dreg:$0x7] =	wrdreg s11  }
0xd: {  	s6 =	sshll.u32 s6, $0xF;
	s13 =	sadd.s32 $0x3800, s5;
	[dreg:$0x8] =	wrdreg s12  }
0xe: {  	s4 =	sadd.s32 $0x24BA00, s1;
	s14 =	sadd.s32 $0x4000, s5;
	[dreg:$0x9] =	wrdreg s13  }
0xf: {  	s1 =	sor.u32 s6, s19;
	s15 =	sadd.s32 $0x4800, s5;
	[dreg:$0xa] =	wrdreg s14  }
0x10: {  	s6 =	simm.s32 $0x800;
	s16 =	sadd.s32 $0x5000, s5;
	[dreg:$0xb] =	wrdreg s15  }
0x11: {  	s23 =	sor.u32 $0x400000, s1;
	s17 =	sadd.s32 $0x5800, s5;
	[dreg:$0xc] =	wrdreg s16  }
0x12: {  	s24 =	sshll.u32 s7, $0x3;
	s18 =	sadd.s32 $0x6000, s5;
	[dreg:$0xd] =	wrdreg s17  }
0x13: {  	s7 =	simm.s32 $0x3;
	s20 =	sadd.s32 $0x6800, s5;
	[dreg:$0xe] =	wrdreg s18  }
0x14: {  	s21 =	sadd.s32 $0x7000, s5;
	s22 =	sadd.s32 $0x7800, s5;
	[dreg:$0xf] =	wrdreg s20  }
0x15: {  	s0 =	sshrl.u32 s23, $0x3;
	s28 =	sadd.s32 $0x8800, s5;
	[dreg:$0x10] =	wrdreg s21  }
0x16: {  	[dreg:$0x11] =	wrdreg s22;
	s25 =	sor.u32 $0x500000, s1;
	s22 =	sadd.s32 s4, s24  }
.Ltmp0:
0x17: {  	s16 =	sadd.s32 s0, s4;
	s15 =	sor.u32 $0x300000, s1;
	(pc) =	sbr.rel .LBB2_1-.Ltmp0, $4  }
0x18: {  	s0 =	simm.s32 $0x400;
	s1 =	simm.s32 $0x600;
	s8 =	simm.s32 $0x2400  }
0x19: {  	s10 =	simm.s32 $0x1;
	s11 =	simm.s32 $0x12400;
	s12 =	simm.s32 $0x2  }
0x1a: {  	s13 =	simm.s32 $0x0;
	s26 =	sshrl.u32 s25, $0x3;
	s29 =	sadd.s32 $0x20000, s22  }
0x1b: {  	s30 =	sadd.s32 $0x40000, s22;
	s14 =	sadd.s32 s26, s4;
	s26 =	sadd.s32 $0x8000, s5  }
.LBB2_4:
0x1c: {  	_ =	swait.ge [sflag:s12], $0x8000  }
0x1d: {  	s13 =	sadd.s32 $0x1, s13;
	s17 =	rddreg [dreg:$0x12]  }
0x1e: {  	p0 =	sne.s32 s13, s17  }
.Ltmp1:
0x1f: {  	_ = 	snop;
	(pc) =	sbr.rel @!p0 .LBB2_5-.Ltmp1, $3  }
0x20: {  	_ =	sdelay $0x1  }
0x21: {  	[sflag:s12] =	ssyncset.done $0x0  }
0x22: {  	[sflag:s12] =	ssyncadd.s32 $0xFFFF8000  }
.LBB2_1:
0x23: {  	[tilespmem:s2], [sflag:$0x3] =	stream.linear.gather [hbm4b:s5+s2], $0x200, $0x38;
	[tilespmem:$0x1A400] =	vst v63  }
0x24: {  	s17 =	rddreg [dreg:$0x3]  }
0x25: {  	[tilespmem:s31], [sflag:$0x3] =	stream.linear.gather [hbm4b:s17+s2], $0x200, $0x38;
	[tilespmem:$0x1A400] =	vst v63  }
0x26: {  	s25 =	rddreg [dreg:$0x4]  }
0x27: {  	[tilespmem:s0], [sflag:$0x3] =	stream.linear.gather [hbm4b:s25+s2], $0x200, $0x38;
	[tilespmem:$0x1A400] =	vst v63  }
0x28: {  	s18 =	rddreg [dreg:$0x5]  }
0x29: {  	[tilespmem:s1], [sflag:$0x3] =	stream.linear.gather [hbm4b:s18+s2], $0x200, $0x38;
	[tilespmem:$0x1A400] =	vst v63  }
0x2a: {  	s19 =	rddreg [dreg:$0x6]  }
0x2b: {  	[tilespmem:s6], [sflag:$0x3] =	stream.linear.gather [hbm4b:s19+s2], $0x200, $0x38;
	[tilespmem:$0x1A400] =	vst v63  }
0x2c: {  	s20 =	rddreg [dreg:$0x7];
	s18 =	simm.s32 $0xA00  }
0x2d: {  	[tilespmem:s18], [sflag:$0x3] =	stream.linear.gather [hbm4b:s20+s2], $0x200, $0x38;
	[tilespmem:$0x1A400] =	vst v63  }
0x2e: {  	s21 =	rddreg [dreg:$0x8];
	s23 =	simm.s32 $0xC00  }
0x2f: {  	[tilespmem:s23], [sflag:$0x3] =	stream.linear.gather [hbm4b:s21+s2], $0x200, $0x38;
	[tilespmem:$0x1A400] =	vst v63  }
0x30: {  	s24 =	rddreg [dreg:$0x9];
	s25 =	simm.s32 $0xE00  }
0x31: {  	[tilespmem:s25], [sflag:$0x3] =	stream.linear.gather [hbm4b:s24+s2], $0x200, $0x38;
	[tilespmem:$0x1A400] =	vst v63  }
0x32: {  	s19 =	rddreg [dreg:$0xa];
	s20 =	simm.s32 $0x1000  }
0x33: {  	[tilespmem:s20], [sflag:$0x3] =	stream.linear.gather [hbm4b:s19+s2], $0x200, $0x38;
	[tilespmem:$0x1A400] =	vst v63  }
0x34: {  	s21 =	rddreg [dreg:$0xb];
	s23 =	simm.s32 $0x1200  }
0x35: {  	[tilespmem:s23], [sflag:$0x3] =	stream.linear.gather [hbm4b:s21+s2], $0x200, $0x38;
	[tilespmem:$0x1A400] =	vst v63  }
0x36: {  	s24 =	rddreg [dreg:$0xc];
	s25 =	simm.s32 $0x1400  }
0x37: {  	[tilespmem:s25], [sflag:$0x3] =	stream.linear.gather [hbm4b:s24+s2], $0x200, $0x38;
	[tilespmem:$0x1A400] =	vst v63  }
0x38: {  	s19 =	rddreg [dreg:$0xd];
	s20 =	simm.s32 $0x1600  }
0x39: {  	[tilespmem:s20], [sflag:$0x3] =	stream.linear.gather [hbm4b:s19+s2], $0x200, $0x38;
	[tilespmem:$0x1A400] =	vst v63  }
0x3a: {  	s21 =	rddreg [dreg:$0xe];
	s23 =	simm.s32 $0x1800  }
0x3b: {  	[tilespmem:s23], [sflag:$0x3] =	stream.linear.gather [hbm4b:s21+s2], $0x200, $0x38;
	[tilespmem:$0x1A400] =	vst v63  }
0x3c: {  	s24 =	rddreg [dreg:$0xf];
	s25 =	simm.s32 $0x1A00  }
0x3d: {  	[tilespmem:s25], [sflag:$0x3] =	stream.linear.gather [hbm4b:s24+s2], $0x200, $0x38;
	[tilespmem:$0x1A400] =	vst v63  }
0x3e: {  	s19 =	rddreg [dreg:$0x10];
	s20 =	simm.s32 $0x1C00  }
0x3f: {  	[tilespmem:s20], [sflag:$0x3] =	stream.linear.gather [hbm4b:s19+s2], $0x200, $0x38;
	[tilespmem:$0x1A400] =	vst v63  }
0x40: {  	s21 =	rddreg [dreg:$0x11];
	s23 =	simm.s32 $0x1E00  }
0x41: {  	[tilespmem:s23], [sflag:$0x3] =	stream.linear.gather [hbm4b:s21+s2], $0x200, $0x38;
	[tilespmem:$0x1A400] =	vst v63  }
0x42: {  	s24 =	simm.s32 $0x2000  }
0x43: {  	[tilespmem:s24], [sflag:$0x3] =	stream.linear.gather [hbm4b:s26+s2], $0x200, $0x38;
	[tilespmem:$0x1A400] =	vst v63  }
0x44: {  	s25 =	simm.s32 $0x2200  }
0x45: {  	[tilespmem:s25], [sflag:$0x3] =	stream.linear.gather [hbm4b:s28+s2], $0x200, $0x38;
	[tilespmem:$0x1A400] =	vst v63  }
0x46: {  	_ =	swait.ge [sflag:s7], $0x200  }
0x47: {  	[sflag:s7] =	ssyncset.done $0x0  }
0x48: {  	[sflag:s7] =	ssyncadd.s32 $0xFFFFFE00  }
0x49: {  	_ =	swait.ge [sflag:s7], $0x200  }
0x4a: {  	[sflag:s7] =	ssyncset.done $0x0  }
0x4b: {  	[sflag:s7] =	ssyncadd.s32 $0xFFFFFE00  }
0x4c: {  	_ =	swait.ge [sflag:s7], $0x200  }
0x4d: {  	[sflag:s7] =	ssyncset.done $0x0  }
0x4e: {  	[sflag:s7] =	ssyncadd.s32 $0xFFFFFE00  }
0x4f: {  	_ =	swait.ge [sflag:s7], $0x200  }
0x50: {  	[sflag:s7] =	ssyncset.done $0x0  }
0x51: {  	[sflag:s7] =	ssyncadd.s32 $0xFFFFFE00  }
0x52: {  	_ =	swait.ge [sflag:s7], $0x200  }
0x53: {  	[sflag:s7] =	ssyncset.done $0x0  }
0x54: {  	[sflag:s7] =	ssyncadd.s32 $0xFFFFFE00  }
0x55: {  	_ =	swait.ge [sflag:s7], $0x200  }
0x56: {  	[sflag:s7] =	ssyncset.done $0x0  }
0x57: {  	[sflag:s7] =	ssyncadd.s32 $0xFFFFFE00  }
0x58: {  	_ =	swait.ge [sflag:s7], $0x200  }
0x59: {  	[sflag:s7] =	ssyncset.done $0x0  }
0x5a: {  	[sflag:s7] =	ssyncadd.s32 $0xFFFFFE00  }
0x5b: {  	_ =	swait.ge [sflag:s7], $0x200  }
0x5c: {  	[sflag:s7] =	ssyncset.done $0x0  }
0x5d: {  	[sflag:s7] =	ssyncadd.s32 $0xFFFFFE00  }
0x5e: {  	_ =	swait.ge [sflag:s7], $0x200  }
0x5f: {  	[sflag:s7] =	ssyncset.done $0x0  }
0x60: {  	[sflag:s7] =	ssyncadd.s32 $0xFFFFFE00  }
0x61: {  	_ =	swait.ge [sflag:s7], $0x200  }
0x62: {  	[sflag:s7] =	ssyncset.done $0x0  }
0x63: {  	[sflag:s7] =	ssyncadd.s32 $0xFFFFFE00  }
0x64: {  	_ =	swait.ge [sflag:s7], $0x200  }
0x65: {  	[sflag:s7] =	ssyncset.done $0x0  }
0x66: {  	[sflag:s7] =	ssyncadd.s32 $0xFFFFFE00  }
0x67: {  	_ =	swait.ge [sflag:s7], $0x200  }
0x68: {  	[sflag:s7] =	ssyncset.done $0x0  }
0x69: {  	[sflag:s7] =	ssyncadd.s32 $0xFFFFFE00  }
0x6a: {  	_ =	swait.ge [sflag:s7], $0x200  }
0x6b: {  	[sflag:s7] =	ssyncset.done $0x0  }
0x6c: {  	[sflag:s7] =	ssyncadd.s32 $0xFFFFFE00  }
0x6d: {  	_ =	swait.ge [sflag:s7], $0x200  }
0x6e: {  	[sflag:s7] =	ssyncset.done $0x0  }
0x6f: {  	[sflag:s7] =	ssyncadd.s32 $0xFFFFFE00  }
0x70: {  	_ =	swait.ge [sflag:s7], $0x200  }
0x71: {  	[sflag:s7] =	ssyncset.done $0x0  }
0x72: {  	[sflag:s7] =	ssyncadd.s32 $0xFFFFFE00  }
0x73: {  	_ =	swait.ge [sflag:s7], $0x200  }
0x74: {  	[sflag:s7] =	ssyncset.done $0x0  }
0x75: {  	[sflag:s7] =	ssyncadd.s32 $0xFFFFFE00  }
0x76: {  	_ =	swait.ge [sflag:s7], $0x200  }
0x77: {  	[sflag:s7] =	ssyncset.done $0x0  }
0x78: {  	[sflag:s7] =	ssyncadd.s32 $0xFFFFFE00  }
0x79: {  	_ =	swait.ge [sflag:s7], $0x200  }
0x7a: {  	[sflag:s7] =	ssyncset.done $0x0  }
0x7b: {  	[sflag:s7] =	ssyncadd.s32 $0xFFFFFE00  }
0x7c: {  	[tilespmem:s8], [sflag:$0x1] =	stream.indirect.gather [hbm4b:s3+s31], $0x40, s2, s31, $0xb8;
	[tilespmem:$0x1A400] =	vst v63  }
0x7d: {  	_ = 	snop  }
0x7e: {  	[tilespmem:s9], [sflag:$0x1] =	stream.indirect.gather [hbm4b:s3+s31], $0x40, s31, s31, $0xb8;
	[tilespmem:$0x1A400] =	vst v63  }
0x7f: {  	_ =	swait.ge [sflag:s10], $0x8000  }
0x80: {  	[sflag:s10] =	ssyncset.done $0x0  }
0x81: {  	[sflag:s10] =	ssyncadd.s32 $0xFFFF8000  }
0x82: {  	[hbm4b:s22+s2] =	stream.linear.scatter [tilespmem:s8], [sflag:$0x2], $0x8000, $0x38;
	[tilespmem:$0x1A400] =	vst v63  }
0x83: {  	_ = 	snop  }
0x84: {  	[tilespmem:s11], [sflag:$0x1] =	stream.indirect.gather [hbm4b:s3+s31], $0x40, s0, s31, $0xb8;
	[tilespmem:$0x1A400] =	vst v63  }
0x85: {  	_ =	swait.ge [sflag:s10], $0x8000  }
0x86: {  	[sflag:s10] =	ssyncset.done $0x0  }
0x87: {  	[sflag:s10] =	ssyncadd.s32 $0xFFFF8000  }
0x88: {  	[hbm4b:s29+s2] =	stream.linear.scatter [tilespmem:s9], [sflag:$0x2], $0x8000, $0x38;
	[tilespmem:$0x1A400] =	vst v63  }
0x89: {  	_ =	swait.ge [sflag:s12], $0x8000  }
0x8a: {  	[sflag:s12] =	ssyncset.done $0x0  }
0x8b: {  	[sflag:s12] =	ssyncadd.s32 $0xFFFF8000  }
0x8c: {  	[tilespmem:s8], [sflag:$0x1] =	stream.indirect.gather [hbm4b:s3+s31], $0x40, s1, s31, $0xb8;
	[tilespmem:$0x1A400] =	vst v63  }
0x8d: {  	_ =	swait.ge [sflag:s10], $0x8000  }
0x8e: {  	[sflag:s10] =	ssyncset.done $0x0  }
0x8f: {  	[sflag:s10] =	ssyncadd.s32 $0xFFFF8000  }
0x90: {  	[hbm4b:s30+s2] =	stream.linear.scatter [tilespmem:s11], [sflag:$0x2], $0x8000, $0x38;
	[tilespmem:$0x1A400] =	vst v63  }
0x91: {  	_ =	swait.ge [sflag:s12], $0x8000  }
0x92: {  	s17 =	simm.s32 $0x0;
	s23 =	smov.u32 s16;
	[sflag:s12] =	ssyncset.done $0x0  }
0x93: {  	s24 =	smov.u32 s15;
	s25 =	smov.u32 s14;
	[sflag:s12] =	ssyncadd.s32 $0xFFFF8000  }
0x94: {  	[tilespmem:s9], [sflag:$0x1] =	stream.indirect.gather [hbm4b:s3+s31], $0x40, s6, s31, $0xb8;
	[tilespmem:$0x1A400] =	vst v63  }
.LBB2_2:
0x95: {  	_ =	swait.ge [sflag:s10], $0x8000  }
0x96: {  	s18 =	sshrl.u32 s24, $0x3;
	[sflag:s10] =	ssyncset.done $0x0  }
0x97: {  	s18 =	sadd.s32 s4, s18;
	[sflag:s10] =	ssyncadd.s32 $0xFFFF8000  }
0x98: {  	[hbm4b:s18+s2] =	stream.linear.scatter [tilespmem:s8], [sflag:$0x2], $0x8000, $0x38;
	[tilespmem:$0x1A400] =	vst v63  }
0x99: {  	_ =	swait.ge [sflag:s12], $0x8000  }
0x9a: {  	s18 =	sshra.s32 s17, $0x2;
	[sflag:s12] =	ssyncset.done $0x0  }
0x9b: {  	s19 =	sadd.s32 $0xA00, s18;
	[sflag:s12] =	ssyncadd.s32 $0xFFFF8000  }
0x9c: {  	[tilespmem:s11], [sflag:$0x1] =	stream.indirect.gather [hbm4b:s3+s31], $0x40, s19, s31, $0xb8;
	[tilespmem:$0x1A400] =	vst v63  }
0x9d: {  	_ =	swait.ge [sflag:s10], $0x8000  }
0x9e: {  	[sflag:s10] =	ssyncset.done $0x0  }
0x9f: {  	[sflag:s10] =	ssyncadd.s32 $0xFFFF8000  }
0xa0: {  	[hbm4b:s23+s2] =	stream.linear.scatter [tilespmem:s9], [sflag:$0x2], $0x8000, $0x38;
	[tilespmem:$0x1A400] =	vst v63  }
0xa1: {  	p0 =	seq.s32 s17, $0x6000;
	_ =	swait.ge [sflag:s12], $0x8000  }
0xa2: {  	s20 =	simm.s32 @!p0 $0x200;
	s19 =	sshra.s32 @!p0 s17, $0x2;
	[sflag:s12] =	ssyncset.done $0x0  }
0xa3: {  	s21 =	simm.s32 @!p0 $0x2400;
	s19 =	sadd.s32 @!p0 $0xC00, s19;
	[sflag:s12] =	ssyncadd.s32 $0xFFFF8000  }
0xa4: {  	[tilespmem:s21], [sflag:$0x1] =	stream.indirect.gather @!p0 [hbm4b:s3+s20], $0x40, s19, s20, $0xb8;
	[tilespmem:$0x1A400] =	vst v63  }
0xa5: {  	_ =	swait.ge [sflag:s10], $0x8000  }
0xa6: {  	[sflag:s10] =	ssyncset.done $0x0  }
.Ltmp2:
0xa7: {  	[sflag:s10] =	ssyncadd.s32 $0xFFFF8000;
	(pc) =	sbr.rel @p0 .LBB2_4-.Ltmp2, $4  }
0xa8: {  	[hbm4b:s25+s2] =	stream.linear.scatter [tilespmem:s11], [sflag:$0x2], $0x8000, $0x38;
	[tilespmem:$0x1A400] =	vst v63  }
0xa9: {  	_ =	swait.ge [sflag:s12], $0x8000  }
0xaa: {  	[sflag:s12] =	ssyncset.done $0x0  }
0xab: {  	[sflag:s12] =	ssyncadd.s32 $0xFFFF8000  }
.Ltmp3:
0xac: {  	(pc) =	sbr.rel .LBB2_2-.Ltmp3, $4  }
0xad: {  	_ = 	snop  }
0xae: {  	s18 =	sadd.s32 $0xE00, s18;
	s17 =	sadd.s32 $0x1800, s17  }
0xaf: {  	s23 =	sadd.s32 $0x60000, s23;
	s24 =	sadd.s32 $0x300000, s24;
	s25 =	sadd.s32 $0x60000, s25  }
0xb0: {  	[tilespmem:s9], [sflag:$0x1] =	stream.indirect.gather [hbm4b:s3+s31], $0x40, s18, s31, $0xb8;
	[tilespmem:$0x1A400] =	vst v63  }
.LBB2_5:
0xb1: {  	_ =	sfence.sel $0x180000  }
0xb2: {  	[bflag:$0x0] =	sbarrier.arrive $0xFFFF  }
0xb3: {  	_ =	strace $0x90000047  }
0xb4: {  	s0 =	stileid.u32;
	[bflag:$0x2] =	sbarrier.arrive $0xFFFF  }
0xb5: {  	p0 =	sne.s32 s0, $0x0;
	s0 =	rddreg [dreg:$0x2]  }
0xb6: {  	s0 =	sadd.s32 @!p0 $0x100000, s0  }
0xb7: {  	[sflag:s0] =	ssyncadd.tile.s32 @!p0 $0x1;
	_ =	shalt  }
.Lfunc_end2:
_tile_overlayer_lowered:
.L_overlay_start_2:
0xb8: {  	(tag) =	ssettag $0x2  }
0xb9: {  	s0 =	rddreg [dreg:$0x0];
	s2 =	stileid.u32  }
0xba: {  	s1 =	rddreg [dreg:$0x1];
	p0 =	sne.s32 s2, $0x0  }
0xbb: {  	s3 =	rddreg [dreg:$0x2];
	[bflag:$0x3] =	sbarrier.arrive $0xFFFF;
	s2 =	simm.s32 @!p0 $0x1C04  }
0xbc: {  	[timem:s3], [sflag:s2] =	dma.local @!p0 [hbm:s0], s1  }
0xbd: {  	s0 =	simm.s32 @!p0 $0x4  }
0xbe: {  	_ =	swait.ge @!p0 [sflag:s0], s1  }
0xbf: {  	s1 =	ssub.s32 @!p0 $0x0, s1;
	[sflag:s0] =	ssyncset.done @!p0 $0x0  }
0xc0: {  	[sflag:s0] =	ssyncadd.s32 @!p0 s1  }
0xc1: {  	[bflag:$0x3] =	sbarrier.arrive $0xFFFF  }
0xc2: {  	_ =	shalt  }

</sc_bundles>
